<compile_context>
chip_gen: v7x
topology: tpu7x:2x2x1
jax: 0.10.2.dev20260603
libtpu: 0.0.44.dev20260713+nightly
codegen_flags: <defaults>
</compile_context>

<pallas_src>
import functools

import jax
import jax.numpy as jnp
from jax import lax
from jax.experimental import pallas as pl
from jax.experimental.pallas import tpu as pltpu
from jax.experimental.pallas import tpu_sc as plsc

NC = 2
NS = 16
NW = NC * NS

ROWS_MAIN = 632
ROWS_LAST = 10000 - 15 * ROWS_MAIN

CH = 128


def _row_partition_copy(src_ref, dst_ref, sid, src_at_zero=False):
    @pl.when(sid < NS - 1)
    def _():
        s0 = 0 if src_at_zero else sid * ROWS_MAIN
        pltpu.sync_copy(
            src_ref.at[pl.ds(s0, ROWS_MAIN)],
            dst_ref.at[pl.ds(sid * ROWS_MAIN, ROWS_MAIN)],
        )

    @pl.when(sid == NS - 1)
    def _():
        s0 = 0 if src_at_zero else (NS - 1) * ROWS_MAIN
        pltpu.sync_copy(
            src_ref.at[pl.ds(s0, ROWS_LAST)],
            dst_ref.at[pl.ds((NS - 1) * ROWS_MAIN, ROWS_LAST)],
        )


def _padded_edges(e):
    quantum = NW * CH * 4
    return -(-e // quantum) * quantum


def _make_sc_spmm(n, e, d):
    e_pad = _padded_edges(e)
    per_w = (e_pad // CH) // NW
    half = per_w // 2

    mesh = plsc.VectorSubcoreMesh(core_axis_name="c", subcore_axis_name="s")

    @functools.partial(
        pl.kernel,
        mesh=mesh,
        out_type=jax.ShapeDtypeStruct((NC, n, d), jnp.float32),
        scratch_types=[
            pltpu.VMEM((half, CH), jnp.int32),
            pltpu.VMEM((half, CH), jnp.int32),
            [pltpu.VMEM((CH, d), jnp.float32) for _ in range(2)],
            pltpu.VMEM_SHARED((n + 128, d), jnp.float32),
            [pltpu.SemaphoreType.DMA for _ in range(2)],
            [pltpu.SemaphoreType.DMA for _ in range(2)],
        ],
    )
    def spmm(src_hbm, dst_hbm, g_hbm, zeros_hbm, out_hbm,
             isv, idv, rows, acc, gsem, ssem):
        cid = lax.axis_index("c")
        sid = lax.axis_index("s")
        wid = cid * NS + sid

        _row_partition_copy(zeros_hbm, acc, sid, src_at_zero=True)
        plsc.subcore_barrier()

        def start_gather(j, b):
            pltpu.async_copy(g_hbm.at[isv.at[j]], rows[b], gsem[b])

        def wait_gather(j, b):
            pltpu.make_async_copy(g_hbm.at[isv.at[j]], rows[b], gsem[b]).wait()

        def start_scatter(j, b):
            pltpu.async_copy(rows[b], acc.at[idv.at[j]], ssem[b], add=True)

        def wait_scatter(j, b):
            pltpu.make_async_copy(rows[b], acc.at[idv.at[j]], ssem[b]).wait()

        for h in range(2):
            pltpu.sync_copy(
                src_hbm.at[pl.ds((wid * 2 + h) * half, half)], isv)
            pltpu.sync_copy(
                dst_hbm.at[pl.ds((wid * 2 + h) * half, half)], idv)

            start_gather(0, 0)
            start_gather(1, 1)
            wait_gather(0, 0)
            start_scatter(0, 0)

            def step(k, carry):
                for t in range(2):
                    j = 2 * k + 1 + t
                    b = (1 + t) % 2
                    wait_scatter(j - 1, 1 - b)
                    start_gather(j + 1, 1 - b)
                    wait_gather(j, b)
                    start_scatter(j, b)
                return carry

            lax.fori_loop(0, (half - 2) // 2, step, 0)

            j0 = half - 1
            wait_scatter(j0 - 1, 0)
            wait_gather(j0, 1)
            start_scatter(j0, 1)
            wait_scatter(j0, 1)

        plsc.subcore_barrier()
        _row_partition_copy(acc, out_hbm.at[cid], sid)

    return spmm


def _make_sc_degree(n, e):
    per_w = (_padded_edges(e) // CH) // NW

    mesh = plsc.VectorSubcoreMesh(core_axis_name="c", subcore_axis_name="s")

    @functools.partial(
        pl.kernel,
        mesh=mesh,
        out_type=jax.ShapeDtypeStruct((NC, n, 128), jnp.float32),
        scratch_types=[
            pltpu.VMEM((per_w, CH), jnp.int32),
            pltpu.VMEM((CH, 128), jnp.float32),
            pltpu.VMEM_SHARED((n + 128, 128), jnp.float32),
            [pltpu.SemaphoreType.DMA for _ in range(2)],
        ],
    )
    def degree(dst_hbm, ones_hbm, zeros_hbm, out_hbm,
               idv, ones_v, acc, ssem):
        cid = lax.axis_index("c")
        sid = lax.axis_index("s")
        wid = cid * NS + sid

        _row_partition_copy(zeros_hbm, acc, sid, src_at_zero=True)
        pltpu.sync_copy(ones_hbm, ones_v)
        pltpu.sync_copy(dst_hbm.at[pl.ds(wid * per_w, per_w)], idv)
        plsc.subcore_barrier()

        def start_scatter(j, b):
            pltpu.async_copy(ones_v, acc.at[idv.at[j]], ssem[b], add=True)

        def wait_scatter(j, b):
            pltpu.make_async_copy(ones_v, acc.at[idv.at[j]], ssem[b]).wait()

        start_scatter(0, 0)
        start_scatter(1, 1)

        def step(k, carry):
            for t in range(2):
                j = 2 * k + 2 + t
                wait_scatter(j - 2, t)
                start_scatter(j, t)
            return carry

        lax.fori_loop(0, (per_w - 2) // 2, step, 0)
        wait_scatter(per_w - 2, 0)
        wait_scatter(per_w - 1, 1)

        plsc.subcore_barrier()
        _row_partition_copy(acc, out_hbm.at[cid], sid)

    return degree



BLK = 1000


def _tc_first_body(dp_ref, x_ref, w_ref, g_ref, dinv_ref):
    deg = dp_ref[0, :, :1] + dp_ref[1, :, :1] + 1.0
    dinv = lax.rsqrt(deg)
    dinv_ref[...] = dinv
    g_ref[...] = dinv * jnp.dot(
        x_ref[...], w_ref[...], preferred_element_type=jnp.float32)


def _tc_mid_body(p_ref, g_ref, dinv_ref, b_ref, w_ref, out_ref):
    dinv = dinv_ref[...]
    h = p_ref[0] + p_ref[1] + g_ref[...]
    h = jnp.maximum(dinv * h + b_ref[...], 0.0)
    out_ref[...] = dinv * jnp.dot(
        h, w_ref[...], preferred_element_type=jnp.float32)


def _tc_last_body(d_out, p_ref, g_ref, dinv_ref, b_ref, out_ref):
    z = p_ref[0, :, :d_out] + p_ref[1, :, :d_out] + g_ref[:, :d_out]
    z = jnp.maximum(dinv_ref[...] * z + b_ref[...], 0.0)
    m = jnp.max(z, axis=1, keepdims=True)
    lse = m + jnp.log(jnp.sum(jnp.exp(z - m), axis=1, keepdims=True))
    out_ref[...] = z - lse


def _tc_first(dp, x, w):
    n, d_in = x.shape
    d_out = w.shape[1]
    return pl.pallas_call(
        _tc_first_body,
        grid=(n // BLK,),
        in_specs=[
            pl.BlockSpec((NC, BLK, dp.shape[2]), lambda i: (0, i, 0)),
            pl.BlockSpec((BLK, d_in), lambda i: (i, 0)),
            pl.BlockSpec((d_in, d_out), lambda i: (0, 0)),
        ],
        out_specs=[
            pl.BlockSpec((BLK, d_out), lambda i: (i, 0)),
            pl.BlockSpec((BLK, 1), lambda i: (i, 0)),
        ],
        out_shape=[
            jax.ShapeDtypeStruct((n, d_out), jnp.float32),
            jax.ShapeDtypeStruct((n, 1), jnp.float32),
        ],
    )(dp, x, w)


def _tc_mid(p, g, dinv, b, w):
    n, d = g.shape
    d_out = w.shape[1]
    return pl.pallas_call(
        _tc_mid_body,
        grid=(n // BLK,),
        in_specs=[
            pl.BlockSpec((NC, BLK, d), lambda i: (0, i, 0)),
            pl.BlockSpec((BLK, d), lambda i: (i, 0)),
            pl.BlockSpec((BLK, 1), lambda i: (i, 0)),
            pl.BlockSpec((1, d), lambda i: (0, 0)),
            pl.BlockSpec((d, d_out), lambda i: (0, 0)),
        ],
        out_specs=pl.BlockSpec((BLK, d_out), lambda i: (i, 0)),
        out_shape=jax.ShapeDtypeStruct((n, d_out), jnp.float32),
    )(p, g, dinv, b, w)


def _tc_last(p, g, dinv, b, d_out):
    n, d = g.shape
    return pl.pallas_call(
        functools.partial(_tc_last_body, d_out),
        grid=(n // BLK,),
        in_specs=[
            pl.BlockSpec((NC, BLK, d), lambda i: (0, i, 0)),
            pl.BlockSpec((BLK, d), lambda i: (i, 0)),
            pl.BlockSpec((BLK, 1), lambda i: (i, 0)),
            pl.BlockSpec((1, d_out), lambda i: (0, 0)),
        ],
        out_specs=pl.BlockSpec((BLK, d_out), lambda i: (i, 0)),
        out_shape=jax.ShapeDtypeStruct((n, d_out), jnp.float32),
    )(p, g, dinv, b)


def kernel(x, edge_index, W1, b1, W2, b2, W3, b3):
    n, d_in = x.shape
    e = edge_index.shape[1]
    d_hid = W2.shape[0]
    d_out = W3.shape[1]

    e_pad = _padded_edges(e)
    pad_src = jnp.arange(e_pad - e, dtype=jnp.int32) % n
    src_p = jnp.concatenate([edge_index[0], pad_src])
    pad_dst = n + (jnp.arange(e_pad - e, dtype=jnp.int32) % 128)
    dst_p = jnp.concatenate([edge_index[1], pad_dst])
    src2 = src_p.reshape(-1, CH)
    dst2 = dst_p.reshape(-1, CH)

    zeros_wide = jnp.zeros((ROWS_MAIN, max(d_in, d_hid)), jnp.float32)
    ones128 = jnp.ones((CH, 128), jnp.float32)

    sc_degree = _make_sc_degree(n, e)
    sc_spmm_h = _make_sc_spmm(n, e, d_hid)

    W3p = jnp.pad(W3, ((0, 0), (0, d_hid - d_out)))

    dp = sc_degree(dst2, ones128, zeros_wide)
    g1, dinv = _tc_first(dp, x, W1)
    p1 = sc_spmm_h(src2, dst2, g1, zeros_wide)
    g2 = _tc_mid(p1, g1, dinv, b1.reshape(1, -1), W2)
    p2 = sc_spmm_h(src2, dst2, g2, zeros_wide)
    g3 = _tc_mid(p2, g2, dinv, b2.reshape(1, -1), W3p)
    p3 = sc_spmm_h(src2, dst2, g3, zeros_wide)
    return _tc_last(p3, g3, dinv, b3.reshape(1, -1), d_out)

# --- scband reference (transcript-rebuilt; emitter-appended) ---
"""Pipeline reference for scband-net-21474836480123 (READ-ONLY COPY).

The authoritative reference and input builder live on the scoring server;
editing this copy changes nothing except your own understanding.
"""

import jax, jax.numpy as jnp
import numpy as np

N = 10000
E = 320000
D_IN = 128
D_HID = 128
D_OUT = 64


def gcn_conv(x, edge_index, W, b):
    # Faithful GCNConv: add self-loops, symmetric normalization, linear transform,
    # gather messages from src, scatter-add into dst, add bias.
    n = x.shape[0]
    loop = jnp.arange(n, dtype=edge_index.dtype)
    src = jnp.concatenate([edge_index[0], loop])
    dst = jnp.concatenate([edge_index[1], loop])
    deg = jnp.zeros((n,), dtype=x.dtype).at[dst].add(1.0)
    dinv = jnp.where(deg > 0, deg ** -0.5, 0.0)
    norm = dinv[src] * dinv[dst]
    h = x @ W
    msg = norm[:, None] * jnp.take(h, src, axis=0)
    out = jnp.zeros((n, W.shape[1]), dtype=x.dtype).at[dst].add(msg)
    return out + b


def setup_inputs(seed: int = 0) -> dict:
    key = jax.random.key(seed)
    ks = jax.random.split(key, 8)
    x = jax.random.normal(ks[0], (N, D_IN), dtype=jnp.float32)
    edge_index = jax.random.randint(ks[1], (2, E), 0, N, dtype=jnp.int32)
    W1 = jax.random.normal(ks[2], (D_IN, D_HID), dtype=jnp.float32) * (1.0 / np.sqrt(D_IN))
    b1 = jnp.zeros((D_HID,), dtype=jnp.float32)
    W2 = jax.random.normal(ks[3], (D_HID, D_HID), dtype=jnp.float32) * (1.0 / np.sqrt(D_HID))
    b2 = jnp.zeros((D_HID,), dtype=jnp.float32)
    W3 = jax.random.normal(ks[4], (D_HID, D_OUT), dtype=jnp.float32) * (1.0 / np.sqrt(D_HID))
    b3 = jnp.zeros((D_OUT,), dtype=jnp.float32)
    return {"x": x, "edge_index": edge_index, "W1": W1, "b1": b1, "W2": W2, "b2": b2, "W3": W3, "b3": b3}


def reference(x, edge_index, W1, b1, W2, b2, W3, b3):
    # num_layers = 3; relu after every conv (dropout is a no-op at inference)
    h = gcn_conv(x, edge_index, W1, b1)
    h = jax.nn.relu(h)
    h = gcn_conv(h, edge_index, W2, b2)
    h = jax.nn.relu(h)
    h = gcn_conv(h, edge_index, W3, b3)
    h = jax.nn.relu(h)
    return jax.nn.log_softmax(h, axis=1)

if __name__ == "__main__":
    import jax
    _d = setup_inputs()
    print(jax.jit(kernel)(*tuple(_d.values())))

</pallas_src>

<mosaic_0001>
#map = affine_map<(d0, d1) -> (0, 0)>
#map1 = affine_map<(d0, d1) -> (0, 0, 0)>
module attributes {stable_mosaic.version = 14 : i64} {
  func.func @degree(%arg0: i32, %arg1: i32, %arg2: memref<2560x128xi32, #tpu.memory_space<hbm>>, %arg3: memref<128x128xf32, #tpu.memory_space<hbm>>, %arg4: memref<632x128xf32, #tpu.memory_space<hbm>>, %arg5: memref<2x10000x128xf32, #tpu.memory_space<hbm>>, %arg6: memref<80x128xi32, #tpu.memory_space<vmem>>, %arg7: memref<128x128xf32, #tpu.memory_space<vmem>>, %arg8: memref<10128x128xf32, #tpu.memory_space<vmem_shared>>, %arg9: memref<!tpu.dma_semaphore, #tpu.memory_space<semaphore_mem>>, %arg10: memref<!tpu.dma_semaphore, #tpu.memory_space<semaphore_mem>>) attributes {dimension_semantics = [#tpu.dimension_semantics<core_parallel>, #tpu.dimension_semantics<subcore_parallel>], iteration_bounds = array<i64: 2, 16>, scalar_prefetch = 0 : i64, scratch_operands = 5 : i64, tpu.core_type = #tpu.core_type<sc_vector_subcore>, window_params = [{transform_indices = #map}, {transform_indices = #map}, {transform_indices = #map}, {transform_indices = #map1}]} {
    %mul3A = arith.constant 16 : i32
    %mul3A_0 = arith.muli %arg0, %mul3A : i32
    %add3A = arith.addi %mul3A_0, %arg1 : i32
    %lt3A = arith.constant 15 : i32
    %lt3A_1 = arith.cmpi slt, %arg1, %lt3A : i32
    %convert_element_type3A = arith.extui %lt3A_1 : i1 to i32
    %cond3A = arith.constant 0 : i32
    %cond3A_2 = arith.cmpi ne, %convert_element_type3A, %cond3A : i32
    scf.if %cond3A_2 {
      %mul3A_51 = arith.constant 632 : i32
      %mul3A_52 = arith.muli %arg1, %mul3A_51 : i32
      "tpu.region"() ({
        %run_scoped3A = tpu.sem_alloc : memref<!tpu.dma_semaphore, #tpu.memory_space<semaphore_mem>>
        %dma_start3A_53 = arith.constant 0 : i32
        %dma_start3A_54 = tpu.memref_slice %arg8[%mul3A_52, %dma_start3A_53] : memref<10128x128xf32, #tpu.memory_space<vmem_shared>> -> memref<632x128xf32, #tpu.memory_space<vmem_shared>>
        %dma_start3A_55 = arith.constant 0 : i32
        %dma_start3A_56 = arith.constant 0 : i32
        %dma_start3A_57 = tpu.memref_slice %arg4[%dma_start3A_55, %dma_start3A_56] : memref<632x128xf32, #tpu.memory_space<hbm>> -> memref<632x128xf32, #tpu.memory_space<hbm>>
        tpu.enqueue_dma source(%dma_start3A_57 : memref<632x128xf32, #tpu.memory_space<hbm>>) target(%dma_start3A_54 : memref<632x128xf32, #tpu.memory_space<vmem_shared>>) target_semaphore(%run_scoped3A : memref<!tpu.dma_semaphore, #tpu.memory_space<semaphore_mem>>)
        %dma_wait3A_58 = arith.constant 0 : i32
        %dma_wait3A_59 = tpu.memref_slice %arg8[%mul3A_52, %dma_wait3A_58] : memref<10128x128xf32, #tpu.memory_space<vmem_shared>> -> memref<632x128xf32, #tpu.memory_space<vmem_shared>>
        %dma_wait3A_60 = arith.constant 0 : i32
        %dma_wait3A_61 = arith.constant 0 : i32
        %dma_wait3A_62 = tpu.memref_slice %arg4[%dma_wait3A_60, %dma_wait3A_61] : memref<632x128xf32, #tpu.memory_space<hbm>> -> memref<632x128xf32, #tpu.memory_space<hbm>>
        tpu.wait_dma2 semaphore(%run_scoped3A : memref<!tpu.dma_semaphore, #tpu.memory_space<semaphore_mem>>) src(%dma_wait3A_62 : memref<632x128xf32, #tpu.memory_space<hbm>>) dst(%dma_wait3A_59 : memref<632x128xf32, #tpu.memory_space<vmem_shared>>)
        tpu.yield
      }) : () -> ()
    } else {
    }
    %eq3A = arith.constant 15 : i32
    %eq3A_3 = arith.cmpi eq, %arg1, %eq3A : i32
    %convert_element_type3A_4 = arith.extui %eq3A_3 : i1 to i32
    %cond3A_5 = arith.constant 0 : i32
    %cond3A_6 = arith.cmpi ne, %convert_element_type3A_4, %cond3A_5 : i32
    scf.if %cond3A_6 {
      "tpu.region"() ({
        %run_scoped3A = tpu.sem_alloc : memref<!tpu.dma_semaphore, #tpu.memory_space<semaphore_mem>>
        %dma_start3A_51 = arith.constant 9480 : i32
        %dma_start3A_52 = arith.constant 0 : i32
        %dma_start3A_53 = tpu.memref_slice %arg8[%dma_start3A_51, %dma_start3A_52] : memref<10128x128xf32, #tpu.memory_space<vmem_shared>> -> memref<520x128xf32, #tpu.memory_space<vmem_shared>>
        %dma_start3A_54 = arith.constant 0 : i32
        %dma_start3A_55 = arith.constant 0 : i32
        %dma_start3A_56 = tpu.memref_slice %arg4[%dma_start3A_54, %dma_start3A_55] : memref<632x128xf32, #tpu.memory_space<hbm>> -> memref<520x128xf32, #tpu.memory_space<hbm>>
        tpu.enqueue_dma source(%dma_start3A_56 : memref<520x128xf32, #tpu.memory_space<hbm>>) target(%dma_start3A_53 : memref<520x128xf32, #tpu.memory_space<vmem_shared>>) target_semaphore(%run_scoped3A : memref<!tpu.dma_semaphore, #tpu.memory_space<semaphore_mem>>)
        %dma_wait3A_57 = arith.constant 9480 : i32
        %dma_wait3A_58 = arith.constant 0 : i32
        %dma_wait3A_59 = tpu.memref_slice %arg8[%dma_wait3A_57, %dma_wait3A_58] : memref<10128x128xf32, #tpu.memory_space<vmem_shared>> -> memref<520x128xf32, #tpu.memory_space<vmem_shared>>
        %dma_wait3A_60 = arith.constant 0 : i32
        %dma_wait3A_61 = arith.constant 0 : i32
        %dma_wait3A_62 = tpu.memref_slice %arg4[%dma_wait3A_60, %dma_wait3A_61] : memref<632x128xf32, #tpu.memory_space<hbm>> -> memref<520x128xf32, #tpu.memory_space<hbm>>
        tpu.wait_dma2 semaphore(%run_scoped3A : memref<!tpu.dma_semaphore, #tpu.memory_space<semaphore_mem>>) src(%dma_wait3A_62 : memref<520x128xf32, #tpu.memory_space<hbm>>) dst(%dma_wait3A_59 : memref<520x128xf32, #tpu.memory_space<vmem_shared>>)
        tpu.yield
      }) : () -> ()
    } else {
    }
    "tpu.region"() ({
      %run_scoped3A = tpu.sem_alloc : memref<!tpu.dma_semaphore, #tpu.memory_space<semaphore_mem>>
      tpu.enqueue_dma source(%arg3 : memref<128x128xf32, #tpu.memory_space<hbm>>) target(%arg7 : memref<128x128xf32, #tpu.memory_space<vmem>>) target_semaphore(%run_scoped3A : memref<!tpu.dma_semaphore, #tpu.memory_space<semaphore_mem>>)
      tpu.wait_dma2 semaphore(%run_scoped3A : memref<!tpu.dma_semaphore, #tpu.memory_space<semaphore_mem>>) src(%arg3 : memref<128x128xf32, #tpu.memory_space<hbm>>) dst(%arg7 : memref<128x128xf32, #tpu.memory_space<vmem>>)
      tpu.yield
    }) : () -> ()
    %mul3A_7 = arith.constant 80 : i32
    %mul3A_8 = arith.muli %add3A, %mul3A_7 : i32
    "tpu.region"() ({
      %run_scoped3A = tpu.sem_alloc : memref<!tpu.dma_semaphore, #tpu.memory_space<semaphore_mem>>
      %dma_start3A_51 = arith.constant 0 : i32
      %dma_start3A_52 = tpu.memref_slice %arg2[%mul3A_8, %dma_start3A_51] : memref<2560x128xi32, #tpu.memory_space<hbm>> -> memref<80x128xi32, #tpu.memory_space<hbm>>
      %dma_start3A_53 = arith.constant 0 : i32
      %dma_start3A_54 = tpu.memref_slice %arg2[%mul3A_8, %dma_start3A_53] : memref<2560x128xi32, #tpu.memory_space<hbm>> -> memref<80x128xi32, #tpu.memory_space<hbm>>
      tpu.enqueue_dma source(%dma_start3A_54 : memref<80x128xi32, #tpu.memory_space<hbm>>) target(%arg6 : memref<80x128xi32, #tpu.memory_space<vmem>>) target_semaphore(%run_scoped3A : memref<!tpu.dma_semaphore, #tpu.memory_space<semaphore_mem>>)
      %dma_wait3A_55 = arith.constant 0 : i32
      %dma_wait3A_56 = tpu.memref_slice %arg2[%mul3A_8, %dma_wait3A_55] : memref<2560x128xi32, #tpu.memory_space<hbm>> -> memref<80x128xi32, #tpu.memory_space<hbm>>
      %dma_wait3A_57 = arith.constant 0 : i32
      %dma_wait3A_58 = tpu.memref_slice %arg2[%mul3A_8, %dma_wait3A_57] : memref<2560x128xi32, #tpu.memory_space<hbm>> -> memref<80x128xi32, #tpu.memory_space<hbm>>
      tpu.wait_dma2 semaphore(%run_scoped3A : memref<!tpu.dma_semaphore, #tpu.memory_space<semaphore_mem>>) src(%dma_wait3A_58 : memref<80x128xi32, #tpu.memory_space<hbm>>) dst(%arg6 : memref<80x128xi32, #tpu.memory_space<vmem>>)
      tpu.yield
    }) : () -> ()
    %barrier3A = arith.constant 0 : index
    tpu.barrier barrier_id(%barrier3A)
    %dma_start3A = arith.constant 0 : i32
    %dma_start3A_9 = arith.constant 0 : i32
    %dma_start3A_10 = tpu.memref_slice %arg6[%dma_start3A, %dma_start3A_9] : memref<80x128xi32, #tpu.memory_space<vmem>> -> memref<1x128xi32, #tpu.memory_space<vmem>>
    %dma_start3A_11 = tpu.memref_squeeze %dma_start3A_10 : memref<1x128xi32, #tpu.memory_space<vmem>> -> memref<128xi32, #tpu.memory_space<vmem>>
    %dma_start3A_12 = arith.constant 0 : i32
    %dma_start3A_13 = arith.constant 0 : i32
    %dma_start3A_14 = tpu.memref_slice %arg8[%dma_start3A_12, %dma_start3A_13] : memref<10128x128xf32, #tpu.memory_space<vmem_shared>> -> memref<10128x128xf32, #tpu.memory_space<vmem_shared>>
    tpu.enqueue_indirect_dma source(%arg7 : memref<128x128xf32, #tpu.memory_space<vmem>>) target(%dma_start3A_14 : memref<10128x128xf32, #tpu.memory_space<vmem_shared>>) offsets(%dma_start3A_11 : memref<128xi32, #tpu.memory_space<vmem>>) semaphore(%arg9 : memref<!tpu.dma_semaphore, #tpu.memory_space<semaphore_mem>>) {add = true}
    %dma_start3A_15 = arith.constant 1 : i32
    %dma_start3A_16 = arith.constant 0 : i32
    %dma_start3A_17 = tpu.memref_slice %arg6[%dma_start3A_15, %dma_start3A_16] : memref<80x128xi32, #tpu.memory_space<vmem>> -> memref<1x128xi32, #tpu.memory_space<vmem>>
    %dma_start3A_18 = tpu.memref_squeeze %dma_start3A_17 : memref<1x128xi32, #tpu.memory_space<vmem>> -> memref<128xi32, #tpu.memory_space<vmem>>
    %dma_start3A_19 = arith.constant 0 : i32
    %dma_start3A_20 = arith.constant 0 : i32
    %dma_start3A_21 = tpu.memref_slice %arg8[%dma_start3A_19, %dma_start3A_20] : memref<10128x128xf32, #tpu.memory_space<vmem_shared>> -> memref<10128x128xf32, #tpu.memory_space<vmem_shared>>
    tpu.enqueue_indirect_dma source(%arg7 : memref<128x128xf32, #tpu.memory_space<vmem>>) target(%dma_start3A_21 : memref<10128x128xf32, #tpu.memory_space<vmem_shared>>) offsets(%dma_start3A_18 : memref<128xi32, #tpu.memory_space<vmem>>) semaphore(%arg10 : memref<!tpu.dma_semaphore, #tpu.memory_space<semaphore_mem>>) {add = true}
    %scan3A = arith.constant 0 : i32
    %scan3A_22 = arith.constant 0 : i32
    %scan3A_23 = arith.constant 39 : i32
    %scan3A_24 = arith.addi %scan3A_22, %scan3A_23 : i32
    %scan3A_25 = arith.constant 1 : i32
    scf.for %scan3A_51 = %scan3A_22 to %scan3A_24 step %scan3A_25  : i32 {
      %mul3A_52 = arith.constant 2 : i32
      %mul3A_53 = arith.muli %mul3A_52, %scan3A_51 : i32
      %add3A_54 = arith.constant 2 : i32
      %add3A_55 = arith.addi %mul3A_53, %add3A_54 : i32
      %add3A_56 = arith.constant 0 : i32
      %add3A_57 = arith.addi %add3A_55, %add3A_56 : i32
      %sub3A = arith.constant 2 : i32
      %sub3A_58 = arith.subi %add3A_57, %sub3A : i32
      %dma_wait3A_59 = arith.constant 0 : i32
      %dma_wait3A_60 = tpu.memref_slice %arg6[%sub3A_58, %dma_wait3A_59] : memref<80x128xi32, #tpu.memory_space<vmem>> -> memref<1x128xi32, #tpu.memory_space<vmem>>
      %dma_wait3A_61 = tpu.memref_squeeze %dma_wait3A_60 : memref<1x128xi32, #tpu.memory_space<vmem>> -> memref<128xi32, #tpu.memory_space<vmem>>
      %dma_wait3A_62 = arith.constant 0 : i32
      %dma_wait3A_63 = arith.constant 0 : i32
      %dma_wait3A_64 = tpu.memref_slice %arg8[%dma_wait3A_62, %dma_wait3A_63] : memref<10128x128xf32, #tpu.memory_space<vmem_shared>> -> memref<10128x128xf32, #tpu.memory_space<vmem_shared>>
      tpu.wait_indirect_dma semaphore(%arg9 : memref<!tpu.dma_semaphore, #tpu.memory_space<semaphore_mem>>) src(%arg7 : memref<128x128xf32, #tpu.memory_space<vmem>>) dst(%dma_wait3A_64 : memref<10128x128xf32, #tpu.memory_space<vmem_shared>>)
      %dma_start3A_65 = arith.constant 0 : i32
      %dma_start3A_66 = tpu.memref_slice %arg6[%add3A_57, %dma_start3A_65] : memref<80x128xi32, #tpu.memory_space<vmem>> -> memref<1x128xi32, #tpu.memory_space<vmem>>
      %dma_start3A_67 = tpu.memref_squeeze %dma_start3A_66 : memref<1x128xi32, #tpu.memory_space<vmem>> -> memref<128xi32, #tpu.memory_space<vmem>>
      %dma_start3A_68 = arith.constant 0 : i32
      %dma_start3A_69 = arith.constant 0 : i32
      %dma_start3A_70 = tpu.memref_slice %arg8[%dma_start3A_68, %dma_start3A_69] : memref<10128x128xf32, #tpu.memory_space<vmem_shared>> -> memref<10128x128xf32, #tpu.memory_space<vmem_shared>>
      tpu.enqueue_indirect_dma source(%arg7 : memref<128x128xf32, #tpu.memory_space<vmem>>) target(%dma_start3A_70 : memref<10128x128xf32, #tpu.memory_space<vmem_shared>>) offsets(%dma_start3A_67 : memref<128xi32, #tpu.memory_space<vmem>>) semaphore(%arg9 : memref<!tpu.dma_semaphore, #tpu.memory_space<semaphore_mem>>) {add = true}
      %mul3A_71 = arith.constant 2 : i32
      %mul3A_72 = arith.muli %mul3A_71, %scan3A_51 : i32
      %add3A_73 = arith.constant 2 : i32
      %add3A_74 = arith.addi %mul3A_72, %add3A_73 : i32
      %add3A_75 = arith.constant 1 : i32
      %add3A_76 = arith.addi %add3A_74, %add3A_75 : i32
      %sub3A_77 = arith.constant 2 : i32
      %sub3A_78 = arith.subi %add3A_76, %sub3A_77 : i32
      %dma_wait3A_79 = arith.constant 0 : i32
      %dma_wait3A_80 = tpu.memref_slice %arg6[%sub3A_78, %dma_wait3A_79] : memref<80x128xi32, #tpu.memory_space<vmem>> -> memref<1x128xi32, #tpu.memory_space<vmem>>
      %dma_wait3A_81 = tpu.memref_squeeze %dma_wait3A_80 : memref<1x128xi32, #tpu.memory_space<vmem>> -> memref<128xi32, #tpu.memory_space<vmem>>
      %dma_wait3A_82 = arith.constant 0 : i32
      %dma_wait3A_83 = arith.constant 0 : i32
      %dma_wait3A_84 = tpu.memref_slice %arg8[%dma_wait3A_82, %dma_wait3A_83] : memref<10128x128xf32, #tpu.memory_space<vmem_shared>> -> memref<10128x128xf32, #tpu.memory_space<vmem_shared>>
      tpu.wait_indirect_dma semaphore(%arg10 : memref<!tpu.dma_semaphore, #tpu.memory_space<semaphore_mem>>) src(%arg7 : memref<128x128xf32, #tpu.memory_space<vmem>>) dst(%dma_wait3A_84 : memref<10128x128xf32, #tpu.memory_space<vmem_shared>>)
      %dma_start3A_85 = arith.constant 0 : i32
      %dma_start3A_86 = tpu.memref_slice %arg6[%add3A_76, %dma_start3A_85] : memref<80x128xi32, #tpu.memory_space<vmem>> -> memref<1x128xi32, #tpu.memory_space<vmem>>
      %dma_start3A_87 = tpu.memref_squeeze %dma_start3A_86 : memref<1x128xi32, #tpu.memory_space<vmem>> -> memref<128xi32, #tpu.memory_space<vmem>>
      %dma_start3A_88 = arith.constant 0 : i32
      %dma_start3A_89 = arith.constant 0 : i32
      %dma_start3A_90 = tpu.memref_slice %arg8[%dma_start3A_88, %dma_start3A_89] : memref<10128x128xf32, #tpu.memory_space<vmem_shared>> -> memref<10128x128xf32, #tpu.memory_space<vmem_shared>>
      tpu.enqueue_indirect_dma source(%arg7 : memref<128x128xf32, #tpu.memory_space<vmem>>) target(%dma_start3A_90 : memref<10128x128xf32, #tpu.memory_space<vmem_shared>>) offsets(%dma_start3A_87 : memref<128xi32, #tpu.memory_space<vmem>>) semaphore(%arg10 : memref<!tpu.dma_semaphore, #tpu.memory_space<semaphore_mem>>) {add = true}
    }
    %scan3A_26 = arith.constant 39 : i32
    %dma_wait3A = arith.constant 78 : i32
    %dma_wait3A_27 = arith.constant 0 : i32
    %dma_wait3A_28 = tpu.memref_slice %arg6[%dma_wait3A, %dma_wait3A_27] : memref<80x128xi32, #tpu.memory_space<vmem>> -> memref<1x128xi32, #tpu.memory_space<vmem>>
    %dma_wait3A_29 = tpu.memref_squeeze %dma_wait3A_28 : memref<1x128xi32, #tpu.memory_space<vmem>> -> memref<128xi32, #tpu.memory_space<vmem>>
    %dma_wait3A_30 = arith.constant 0 : i32
    %dma_wait3A_31 = arith.constant 0 : i32
    %dma_wait3A_32 = tpu.memref_slice %arg8[%dma_wait3A_30, %dma_wait3A_31] : memref<10128x128xf32, #tpu.memory_space<vmem_shared>> -> memref<10128x128xf32, #tpu.memory_space<vmem_shared>>
    tpu.wait_indirect_dma semaphore(%arg9 : memref<!tpu.dma_semaphore, #tpu.memory_space<semaphore_mem>>) src(%arg7 : memref<128x128xf32, #tpu.memory_space<vmem>>) dst(%dma_wait3A_32 : memref<10128x128xf32, #tpu.memory_space<vmem_shared>>)
    %dma_wait3A_33 = arith.constant 79 : i32
    %dma_wait3A_34 = arith.constant 0 : i32
    %dma_wait3A_35 = tpu.memref_slice %arg6[%dma_wait3A_33, %dma_wait3A_34] : memref<80x128xi32, #tpu.memory_space<vmem>> -> memref<1x128xi32, #tpu.memory_space<vmem>>
    %dma_wait3A_36 = tpu.memref_squeeze %dma_wait3A_35 : memref<1x128xi32, #tpu.memory_space<vmem>> -> memref<128xi32, #tpu.memory_space<vmem>>
    %dma_wait3A_37 = arith.constant 0 : i32
    %dma_wait3A_38 = arith.constant 0 : i32
    %dma_wait3A_39 = tpu.memref_slice %arg8[%dma_wait3A_37, %dma_wait3A_38] : memref<10128x128xf32, #tpu.memory_space<vmem_shared>> -> memref<10128x128xf32, #tpu.memory_space<vmem_shared>>
    tpu.wait_indirect_dma semaphore(%arg10 : memref<!tpu.dma_semaphore, #tpu.memory_space<semaphore_mem>>) src(%arg7 : memref<128x128xf32, #tpu.memory_space<vmem>>) dst(%dma_wait3A_39 : memref<10128x128xf32, #tpu.memory_space<vmem_shared>>)
    %barrier3A_40 = arith.constant 0 : index
    tpu.barrier barrier_id(%barrier3A_40)
    %lt3A_41 = arith.constant 15 : i32
    %lt3A_42 = arith.cmpi slt, %arg1, %lt3A_41 : i32
    %convert_element_type3A_43 = arith.extui %lt3A_42 : i1 to i32
    %cond3A_44 = arith.constant 0 : i32
    %cond3A_45 = arith.cmpi ne, %convert_element_type3A_43, %cond3A_44 : i32
    scf.if %cond3A_45 {
      %mul3A_51 = arith.constant 632 : i32
      %mul3A_52 = arith.muli %arg1, %mul3A_51 : i32
      %mul3A_53 = arith.constant 632 : i32
      %mul3A_54 = arith.muli %arg1, %mul3A_53 : i32
      "tpu.region"() ({
        %run_scoped3A = tpu.sem_alloc : memref<!tpu.dma_semaphore, #tpu.memory_space<semaphore_mem>>
        %dma_start3A_55 = arith.constant 0 : i32
        %dma_start3A_56 = arith.constant 0 : i32
        %dma_start3A_57 = tpu.memref_slice %arg5[%arg0, %dma_start3A_55, %dma_start3A_56] : memref<2x10000x128xf32, #tpu.memory_space<hbm>> -> memref<1x10000x128xf32, #tpu.memory_space<hbm>>
        %dma_start3A_58 = tpu.memref_squeeze %dma_start3A_57 : memref<1x10000x128xf32, #tpu.memory_space<hbm>> -> memref<10000x128xf32, #tpu.memory_space<hbm>>
        %dma_start3A_59 = arith.constant 0 : i32
        %dma_start3A_60 = tpu.memref_slice %dma_start3A_58[%mul3A_54, %dma_start3A_59] : memref<10000x128xf32, #tpu.memory_space<hbm>> -> memref<632x128xf32, #tpu.memory_space<hbm>>
        %dma_start3A_61 = arith.constant 0 : i32
        %dma_start3A_62 = tpu.memref_slice %arg8[%mul3A_52, %dma_start3A_61] : memref<10128x128xf32, #tpu.memory_space<vmem_shared>> -> memref<632x128xf32, #tpu.memory_space<vmem_shared>>
        tpu.enqueue_dma source(%dma_start3A_62 : memref<632x128xf32, #tpu.memory_space<vmem_shared>>) target(%dma_start3A_60 : memref<632x128xf32, #tpu.memory_space<hbm>>) target_semaphore(%run_scoped3A : memref<!tpu.dma_semaphore, #tpu.memory_space<semaphore_mem>>)
        %dma_wait3A_63 = arith.constant 0 : i32
        %dma_wait3A_64 = arith.constant 0 : i32
        %dma_wait3A_65 = tpu.memref_slice %arg5[%arg0, %dma_wait3A_63, %dma_wait3A_64] : memref<2x10000x128xf32, #tpu.memory_space<hbm>> -> memref<1x10000x128xf32, #tpu.memory_space<hbm>>
        %dma_wait3A_66 = tpu.memref_squeeze %dma_wait3A_65 : memref<1x10000x128xf32, #tpu.memory_space<hbm>> -> memref<10000x128xf32, #tpu.memory_space<hbm>>
        %dma_wait3A_67 = arith.constant 0 : i32
        %dma_wait3A_68 = tpu.memref_slice %dma_wait3A_66[%mul3A_54, %dma_wait3A_67] : memref<10000x128xf32, #tpu.memory_space<hbm>> -> memref<632x128xf32, #tpu.memory_space<hbm>>
        %dma_wait3A_69 = arith.constant 0 : i32
        %dma_wait3A_70 = tpu.memref_slice %arg8[%mul3A_52, %dma_wait3A_69] : memref<10128x128xf32, #tpu.memory_space<vmem_shared>> -> memref<632x128xf32, #tpu.memory_space<vmem_shared>>
        tpu.wait_dma2 semaphore(%run_scoped3A : memref<!tpu.dma_semaphore, #tpu.memory_space<semaphore_mem>>) src(%dma_wait3A_70 : memref<632x128xf32, #tpu.memory_space<vmem_shared>>) dst(%dma_wait3A_68 : memref<632x128xf32, #tpu.memory_space<hbm>>)
        tpu.yield
      }) : () -> ()
    } else {
    }
    %eq3A_46 = arith.constant 15 : i32
    %eq3A_47 = arith.cmpi eq, %arg1, %eq3A_46 : i32
    %convert_element_type3A_48 = arith.extui %eq3A_47 : i1 to i32
    %cond3A_49 = arith.constant 0 : i32
    %cond3A_50 = arith.cmpi ne, %convert_element_type3A_48, %cond3A_49 : i32
    scf.if %cond3A_50 {
      "tpu.region"() ({
        %run_scoped3A = tpu.sem_alloc : memref<!tpu.dma_semaphore, #tpu.memory_space<semaphore_mem>>
        %dma_start3A_51 = arith.constant 0 : i32
        %dma_start3A_52 = arith.constant 0 : i32
        %dma_start3A_53 = tpu.memref_slice %arg5[%arg0, %dma_start3A_51, %dma_start3A_52] : memref<2x10000x128xf32, #tpu.memory_space<hbm>> -> memref<1x10000x128xf32, #tpu.memory_space<hbm>>
        %dma_start3A_54 = tpu.memref_squeeze %dma_start3A_53 : memref<1x10000x128xf32, #tpu.memory_space<hbm>> -> memref<10000x128xf32, #tpu.memory_space<hbm>>
        %dma_start3A_55 = arith.constant 9480 : i32
        %dma_start3A_56 = arith.constant 0 : i32
        %dma_start3A_57 = tpu.memref_slice %dma_start3A_54[%dma_start3A_55, %dma_start3A_56] : memref<10000x128xf32, #tpu.memory_space<hbm>> -> memref<520x128xf32, #tpu.memory_space<hbm>>
        %dma_start3A_58 = arith.constant 9480 : i32
        %dma_start3A_59 = arith.constant 0 : i32
        %dma_start3A_60 = tpu.memref_slice %arg8[%dma_start3A_58, %dma_start3A_59] : memref<10128x128xf32, #tpu.memory_space<vmem_shared>> -> memref<520x128xf32, #tpu.memory_space<vmem_shared>>
        tpu.enqueue_dma source(%dma_start3A_60 : memref<520x128xf32, #tpu.memory_space<vmem_shared>>) target(%dma_start3A_57 : memref<520x128xf32, #tpu.memory_space<hbm>>) target_semaphore(%run_scoped3A : memref<!tpu.dma_semaphore, #tpu.memory_space<semaphore_mem>>)
        %dma_wait3A_61 = arith.constant 0 : i32
        %dma_wait3A_62 = arith.constant 0 : i32
        %dma_wait3A_63 = tpu.memref_slice %arg5[%arg0, %dma_wait3A_61, %dma_wait3A_62] : memref<2x10000x128xf32, #tpu.memory_space<hbm>> -> memref<1x10000x128xf32, #tpu.memory_space<hbm>>
        %dma_wait3A_64 = tpu.memref_squeeze %dma_wait3A_63 : memref<1x10000x128xf32, #tpu.memory_space<hbm>> -> memref<10000x128xf32, #tpu.memory_space<hbm>>
        %dma_wait3A_65 = arith.constant 9480 : i32
        %dma_wait3A_66 = arith.constant 0 : i32
        %dma_wait3A_67 = tpu.memref_slice %dma_wait3A_64[%dma_wait3A_65, %dma_wait3A_66] : memref<10000x128xf32, #tpu.memory_space<hbm>> -> memref<520x128xf32, #tpu.memory_space<hbm>>
        %dma_wait3A_68 = arith.constant 9480 : i32
        %dma_wait3A_69 = arith.constant 0 : i32
        %dma_wait3A_70 = tpu.memref_slice %arg8[%dma_wait3A_68, %dma_wait3A_69] : memref<10128x128xf32, #tpu.memory_space<vmem_shared>> -> memref<520x128xf32, #tpu.memory_space<vmem_shared>>
        tpu.wait_dma2 semaphore(%run_scoped3A : memref<!tpu.dma_semaphore, #tpu.memory_space<semaphore_mem>>) src(%dma_wait3A_70 : memref<520x128xf32, #tpu.memory_space<vmem_shared>>) dst(%dma_wait3A_67 : memref<520x128xf32, #tpu.memory_space<hbm>>)
        tpu.yield
      }) : () -> ()
    } else {
    }
    return
  }
}

#map = affine_map<(d0, d1) -> (0, 0)>
#map1 = affine_map<(d0, d1) -> (0, 0, 0)>
module attributes {stable_mosaic.version = 14 : i64} {
  func.func @spmm(%arg0: i32, %arg1: i32, %arg2: memref<2560x128xi32, #tpu.memory_space<hbm>>, %arg3: memref<2560x128xi32, #tpu.memory_space<hbm>>, %arg4: memref<10000x128xf32, #tpu.memory_space<hbm>>, %arg5: memref<632x128xf32, #tpu.memory_space<hbm>>, %arg6: memref<2x10000x128xf32, #tpu.memory_space<hbm>>, %arg7: memref<40x128xi32, #tpu.memory_space<vmem>>, %arg8: memref<40x128xi32, #tpu.memory_space<vmem>>, %arg9: memref<128x128xf32, #tpu.memory_space<vmem>>, %arg10: memref<128x128xf32, #tpu.memory_space<vmem>>, %arg11: memref<10128x128xf32, #tpu.memory_space<vmem_shared>>, %arg12: memref<!tpu.dma_semaphore, #tpu.memory_space<semaphore_mem>>, %arg13: memref<!tpu.dma_semaphore, #tpu.memory_space<semaphore_mem>>, %arg14: memref<!tpu.dma_semaphore, #tpu.memory_space<semaphore_mem>>, %arg15: memref<!tpu.dma_semaphore, #tpu.memory_space<semaphore_mem>>) attributes {dimension_semantics = [#tpu.dimension_semantics<core_parallel>, #tpu.dimension_semantics<subcore_parallel>], iteration_bounds = array<i64: 2, 16>, scalar_prefetch = 0 : i64, scratch_operands = 9 : i64, tpu.core_type = #tpu.core_type<sc_vector_subcore>, window_params = [{transform_indices = #map}, {transform_indices = #map}, {transform_indices = #map}, {transform_indices = #map}, {transform_indices = #map1}]} {
    %mul3A = arith.constant 16 : i32
    %mul3A_0 = arith.muli %arg0, %mul3A : i32
    %add3A = arith.addi %mul3A_0, %arg1 : i32
    %lt3A = arith.constant 15 : i32
    %lt3A_1 = arith.cmpi slt, %arg1, %lt3A : i32
    %convert_element_type3A = arith.extui %lt3A_1 : i1 to i32
    %cond3A = arith.constant 0 : i32
    %cond3A_2 = arith.cmpi ne, %convert_element_type3A, %cond3A : i32
    scf.if %cond3A_2 {
      %mul3A_163 = arith.constant 632 : i32
      %mul3A_164 = arith.muli %arg1, %mul3A_163 : i32
      "tpu.region"() ({
        %run_scoped3A = tpu.sem_alloc : memref<!tpu.dma_semaphore, #tpu.memory_space<semaphore_mem>>
        %dma_start3A_165 = arith.constant 0 : i32
        %dma_start3A_166 = tpu.memref_slice %arg11[%mul3A_164, %dma_start3A_165] : memref<10128x128xf32, #tpu.memory_space<vmem_shared>> -> memref<632x128xf32, #tpu.memory_space<vmem_shared>>
        %dma_start3A_167 = arith.constant 0 : i32
        %dma_start3A_168 = arith.constant 0 : i32
        %dma_start3A_169 = tpu.memref_slice %arg5[%dma_start3A_167, %dma_start3A_168] : memref<632x128xf32, #tpu.memory_space<hbm>> -> memref<632x128xf32, #tpu.memory_space<hbm>>
        tpu.enqueue_dma source(%dma_start3A_169 : memref<632x128xf32, #tpu.memory_space<hbm>>) target(%dma_start3A_166 : memref<632x128xf32, #tpu.memory_space<vmem_shared>>) target_semaphore(%run_scoped3A : memref<!tpu.dma_semaphore, #tpu.memory_space<semaphore_mem>>)
        %dma_wait3A_170 = arith.constant 0 : i32
        %dma_wait3A_171 = tpu.memref_slice %arg11[%mul3A_164, %dma_wait3A_170] : memref<10128x128xf32, #tpu.memory_space<vmem_shared>> -> memref<632x128xf32, #tpu.memory_space<vmem_shared>>
        %dma_wait3A_172 = arith.constant 0 : i32
        %dma_wait3A_173 = arith.constant 0 : i32
        %dma_wait3A_174 = tpu.memref_slice %arg5[%dma_wait3A_172, %dma_wait3A_173] : memref<632x128xf32, #tpu.memory_space<hbm>> -> memref<632x128xf32, #tpu.memory_space<hbm>>
        tpu.wait_dma2 semaphore(%run_scoped3A : memref<!tpu.dma_semaphore, #tpu.memory_space<semaphore_mem>>) src(%dma_wait3A_174 : memref<632x128xf32, #tpu.memory_space<hbm>>) dst(%dma_wait3A_171 : memref<632x128xf32, #tpu.memory_space<vmem_shared>>)
        tpu.yield
      }) : () -> ()
    } else {
    }
    %eq3A = arith.constant 15 : i32
    %eq3A_3 = arith.cmpi eq, %arg1, %eq3A : i32
    %convert_element_type3A_4 = arith.extui %eq3A_3 : i1 to i32
    %cond3A_5 = arith.constant 0 : i32
    %cond3A_6 = arith.cmpi ne, %convert_element_type3A_4, %cond3A_5 : i32
    scf.if %cond3A_6 {
      "tpu.region"() ({
        %run_scoped3A = tpu.sem_alloc : memref<!tpu.dma_semaphore, #tpu.memory_space<semaphore_mem>>
        %dma_start3A_163 = arith.constant 9480 : i32
        %dma_start3A_164 = arith.constant 0 : i32
        %dma_start3A_165 = tpu.memref_slice %arg11[%dma_start3A_163, %dma_start3A_164] : memref<10128x128xf32, #tpu.memory_space<vmem_shared>> -> memref<520x128xf32, #tpu.memory_space<vmem_shared>>
        %dma_start3A_166 = arith.constant 0 : i32
        %dma_start3A_167 = arith.constant 0 : i32
        %dma_start3A_168 = tpu.memref_slice %arg5[%dma_start3A_166, %dma_start3A_167] : memref<632x128xf32, #tpu.memory_space<hbm>> -> memref<520x128xf32, #tpu.memory_space<hbm>>
        tpu.enqueue_dma source(%dma_start3A_168 : memref<520x128xf32, #tpu.memory_space<hbm>>) target(%dma_start3A_165 : memref<520x128xf32, #tpu.memory_space<vmem_shared>>) target_semaphore(%run_scoped3A : memref<!tpu.dma_semaphore, #tpu.memory_space<semaphore_mem>>)
        %dma_wait3A_169 = arith.constant 9480 : i32
        %dma_wait3A_170 = arith.constant 0 : i32
        %dma_wait3A_171 = tpu.memref_slice %arg11[%dma_wait3A_169, %dma_wait3A_170] : memref<10128x128xf32, #tpu.memory_space<vmem_shared>> -> memref<520x128xf32, #tpu.memory_space<vmem_shared>>
        %dma_wait3A_172 = arith.constant 0 : i32
        %dma_wait3A_173 = arith.constant 0 : i32
        %dma_wait3A_174 = tpu.memref_slice %arg5[%dma_wait3A_172, %dma_wait3A_173] : memref<632x128xf32, #tpu.memory_space<hbm>> -> memref<520x128xf32, #tpu.memory_space<hbm>>
        tpu.wait_dma2 semaphore(%run_scoped3A : memref<!tpu.dma_semaphore, #tpu.memory_space<semaphore_mem>>) src(%dma_wait3A_174 : memref<520x128xf32, #tpu.memory_space<hbm>>) dst(%dma_wait3A_171 : memref<520x128xf32, #tpu.memory_space<vmem_shared>>)
        tpu.yield
      }) : () -> ()
    } else {
    }
    %barrier3A = arith.constant 0 : index
    tpu.barrier barrier_id(%barrier3A)
    %mul3A_7 = arith.constant 2 : i32
    %mul3A_8 = arith.muli %add3A, %mul3A_7 : i32
    %add3A_9 = arith.constant 0 : i32
    %add3A_10 = arith.addi %mul3A_8, %add3A_9 : i32
    %mul3A_11 = arith.constant 40 : i32
    %mul3A_12 = arith.muli %add3A_10, %mul3A_11 : i32
    "tpu.region"() ({
      %run_scoped3A = tpu.sem_alloc : memref<!tpu.dma_semaphore, #tpu.memory_space<semaphore_mem>>
      %dma_start3A_163 = arith.constant 0 : i32
      %dma_start3A_164 = tpu.memref_slice %arg2[%mul3A_12, %dma_start3A_163] : memref<2560x128xi32, #tpu.memory_space<hbm>> -> memref<40x128xi32, #tpu.memory_space<hbm>>
      %dma_start3A_165 = arith.constant 0 : i32
      %dma_start3A_166 = tpu.memref_slice %arg2[%mul3A_12, %dma_start3A_165] : memref<2560x128xi32, #tpu.memory_space<hbm>> -> memref<40x128xi32, #tpu.memory_space<hbm>>
      tpu.enqueue_dma source(%dma_start3A_166 : memref<40x128xi32, #tpu.memory_space<hbm>>) target(%arg7 : memref<40x128xi32, #tpu.memory_space<vmem>>) target_semaphore(%run_scoped3A : memref<!tpu.dma_semaphore, #tpu.memory_space<semaphore_mem>>)
      %dma_wait3A_167 = arith.constant 0 : i32
      %dma_wait3A_168 = tpu.memref_slice %arg2[%mul3A_12, %dma_wait3A_167] : memref<2560x128xi32, #tpu.memory_space<hbm>> -> memref<40x128xi32, #tpu.memory_space<hbm>>
      %dma_wait3A_169 = arith.constant 0 : i32
      %dma_wait3A_170 = tpu.memref_slice %arg2[%mul3A_12, %dma_wait3A_169] : memref<2560x128xi32, #tpu.memory_space<hbm>> -> memref<40x128xi32, #tpu.memory_space<hbm>>
      tpu.wait_dma2 semaphore(%run_scoped3A : memref<!tpu.dma_semaphore, #tpu.memory_space<semaphore_mem>>) src(%dma_wait3A_170 : memref<40x128xi32, #tpu.memory_space<hbm>>) dst(%arg7 : memref<40x128xi32, #tpu.memory_space<vmem>>)
      tpu.yield
    }) : () -> ()
    %mul3A_13 = arith.constant 2 : i32
    %mul3A_14 = arith.muli %add3A, %mul3A_13 : i32
    %add3A_15 = arith.constant 0 : i32
    %add3A_16 = arith.addi %mul3A_14, %add3A_15 : i32
    %mul3A_17 = arith.constant 40 : i32
    %mul3A_18 = arith.muli %add3A_16, %mul3A_17 : i32
    "tpu.region"() ({
      %run_scoped3A = tpu.sem_alloc : memref<!tpu.dma_semaphore, #tpu.memory_space<semaphore_mem>>
      %dma_start3A_163 = arith.constant 0 : i32
      %dma_start3A_164 = tpu.memref_slice %arg3[%mul3A_18, %dma_start3A_163] : memref<2560x128xi32, #tpu.memory_space<hbm>> -> memref<40x128xi32, #tpu.memory_space<hbm>>
      %dma_start3A_165 = arith.constant 0 : i32
      %dma_start3A_166 = tpu.memref_slice %arg3[%mul3A_18, %dma_start3A_165] : memref<2560x128xi32, #tpu.memory_space<hbm>> -> memref<40x128xi32, #tpu.memory_space<hbm>>
      tpu.enqueue_dma source(%dma_start3A_166 : memref<40x128xi32, #tpu.memory_space<hbm>>) target(%arg8 : memref<40x128xi32, #tpu.memory_space<vmem>>) target_semaphore(%run_scoped3A : memref<!tpu.dma_semaphore, #tpu.memory_space<semaphore_mem>>)
      %dma_wait3A_167 = arith.constant 0 : i32
      %dma_wait3A_168 = tpu.memref_slice %arg3[%mul3A_18, %dma_wait3A_167] : memref<2560x128xi32, #tpu.memory_space<hbm>> -> memref<40x128xi32, #tpu.memory_space<hbm>>
      %dma_wait3A_169 = arith.constant 0 : i32
      %dma_wait3A_170 = tpu.memref_slice %arg3[%mul3A_18, %dma_wait3A_169] : memref<2560x128xi32, #tpu.memory_space<hbm>> -> memref<40x128xi32, #tpu.memory_space<hbm>>
      tpu.wait_dma2 semaphore(%run_scoped3A : memref<!tpu.dma_semaphore, #tpu.memory_space<semaphore_mem>>) src(%dma_wait3A_170 : memref<40x128xi32, #tpu.memory_space<hbm>>) dst(%arg8 : memref<40x128xi32, #tpu.memory_space<vmem>>)
      tpu.yield
    }) : () -> ()
    %dma_start3A = arith.constant 0 : i32
    %dma_start3A_19 = arith.constant 0 : i32
    %dma_start3A_20 = tpu.memref_slice %arg7[%dma_start3A, %dma_start3A_19] : memref<40x128xi32, #tpu.memory_space<vmem>> -> memref<1x128xi32, #tpu.memory_space<vmem>>
    %dma_start3A_21 = tpu.memref_squeeze %dma_start3A_20 : memref<1x128xi32, #tpu.memory_space<vmem>> -> memref<128xi32, #tpu.memory_space<vmem>>
    %dma_start3A_22 = arith.constant 0 : i32
    %dma_start3A_23 = arith.constant 0 : i32
    %dma_start3A_24 = tpu.memref_slice %arg4[%dma_start3A_22, %dma_start3A_23] : memref<10000x128xf32, #tpu.memory_space<hbm>> -> memref<10000x128xf32, #tpu.memory_space<hbm>>
    tpu.enqueue_indirect_dma source(%dma_start3A_24 : memref<10000x128xf32, #tpu.memory_space<hbm>>) target(%arg9 : memref<128x128xf32, #tpu.memory_space<vmem>>) offsets(%dma_start3A_21 : memref<128xi32, #tpu.memory_space<vmem>>) semaphore(%arg12 : memref<!tpu.dma_semaphore, #tpu.memory_space<semaphore_mem>>)
    %dma_start3A_25 = arith.constant 1 : i32
    %dma_start3A_26 = arith.constant 0 : i32
    %dma_start3A_27 = tpu.memref_slice %arg7[%dma_start3A_25, %dma_start3A_26] : memref<40x128xi32, #tpu.memory_space<vmem>> -> memref<1x128xi32, #tpu.memory_space<vmem>>
    %dma_start3A_28 = tpu.memref_squeeze %dma_start3A_27 : memref<1x128xi32, #tpu.memory_space<vmem>> -> memref<128xi32, #tpu.memory_space<vmem>>
    %dma_start3A_29 = arith.constant 0 : i32
    %dma_start3A_30 = arith.constant 0 : i32
    %dma_start3A_31 = tpu.memref_slice %arg4[%dma_start3A_29, %dma_start3A_30] : memref<10000x128xf32, #tpu.memory_space<hbm>> -> memref<10000x128xf32, #tpu.memory_space<hbm>>
    tpu.enqueue_indirect_dma source(%dma_start3A_31 : memref<10000x128xf32, #tpu.memory_space<hbm>>) target(%arg10 : memref<128x128xf32, #tpu.memory_space<vmem>>) offsets(%dma_start3A_28 : memref<128xi32, #tpu.memory_space<vmem>>) semaphore(%arg13 : memref<!tpu.dma_semaphore, #tpu.memory_space<semaphore_mem>>)
    %dma_wait3A = arith.constant 0 : i32
    %dma_wait3A_32 = arith.constant 0 : i32
    %dma_wait3A_33 = tpu.memref_slice %arg7[%dma_wait3A, %dma_wait3A_32] : memref<40x128xi32, #tpu.memory_space<vmem>> -> memref<1x128xi32, #tpu.memory_space<vmem>>
    %dma_wait3A_34 = tpu.memref_squeeze %dma_wait3A_33 : memref<1x128xi32, #tpu.memory_space<vmem>> -> memref<128xi32, #tpu.memory_space<vmem>>
    %dma_wait3A_35 = arith.constant 0 : i32
    %dma_wait3A_36 = arith.constant 0 : i32
    %dma_wait3A_37 = tpu.memref_slice %arg4[%dma_wait3A_35, %dma_wait3A_36] : memref<10000x128xf32, #tpu.memory_space<hbm>> -> memref<10000x128xf32, #tpu.memory_space<hbm>>
    tpu.wait_indirect_dma semaphore(%arg12 : memref<!tpu.dma_semaphore, #tpu.memory_space<semaphore_mem>>) src(%dma_wait3A_37 : memref<10000x128xf32, #tpu.memory_space<hbm>>) dst(%arg9 : memref<128x128xf32, #tpu.memory_space<vmem>>)
    %dma_start3A_38 = arith.constant 0 : i32
    %dma_start3A_39 = arith.constant 0 : i32
    %dma_start3A_40 = tpu.memref_slice %arg8[%dma_start3A_38, %dma_start3A_39] : memref<40x128xi32, #tpu.memory_space<vmem>> -> memref<1x128xi32, #tpu.memory_space<vmem>>
    %dma_start3A_41 = tpu.memref_squeeze %dma_start3A_40 : memref<1x128xi32, #tpu.memory_space<vmem>> -> memref<128xi32, #tpu.memory_space<vmem>>
    %dma_start3A_42 = arith.constant 0 : i32
    %dma_start3A_43 = arith.constant 0 : i32
    %dma_start3A_44 = tpu.memref_slice %arg11[%dma_start3A_42, %dma_start3A_43] : memref<10128x128xf32, #tpu.memory_space<vmem_shared>> -> memref<10128x128xf32, #tpu.memory_space<vmem_shared>>
    tpu.enqueue_indirect_dma source(%arg9 : memref<128x128xf32, #tpu.memory_space<vmem>>) target(%dma_start3A_44 : memref<10128x128xf32, #tpu.memory_space<vmem_shared>>) offsets(%dma_start3A_41 : memref<128xi32, #tpu.memory_space<vmem>>) semaphore(%arg14 : memref<!tpu.dma_semaphore, #tpu.memory_space<semaphore_mem>>) {add = true}
    %scan3A = arith.constant 0 : i32
    %scan3A_45 = arith.constant 0 : i32
    %scan3A_46 = arith.constant 19 : i32
    %scan3A_47 = arith.addi %scan3A_45, %scan3A_46 : i32
    %scan3A_48 = arith.constant 1 : i32
    scf.for %scan3A_163 = %scan3A_45 to %scan3A_47 step %scan3A_48  : i32 {
      %mul3A_164 = arith.constant 2 : i32
      %mul3A_165 = arith.muli %mul3A_164, %scan3A_163 : i32
      %add3A_166 = arith.constant 1 : i32
      %add3A_167 = arith.addi %mul3A_165, %add3A_166 : i32
      %add3A_168 = arith.constant 0 : i32
      %add3A_169 = arith.addi %add3A_167, %add3A_168 : i32
      %sub3A = arith.constant 1 : i32
      %sub3A_170 = arith.subi %add3A_169, %sub3A : i32
      %dma_wait3A_171 = arith.constant 0 : i32
      %dma_wait3A_172 = tpu.memref_slice %arg8[%sub3A_170, %dma_wait3A_171] : memref<40x128xi32, #tpu.memory_space<vmem>> -> memref<1x128xi32, #tpu.memory_space<vmem>>
      %dma_wait3A_173 = tpu.memref_squeeze %dma_wait3A_172 : memref<1x128xi32, #tpu.memory_space<vmem>> -> memref<128xi32, #tpu.memory_space<vmem>>
      %dma_wait3A_174 = arith.constant 0 : i32
      %dma_wait3A_175 = arith.constant 0 : i32
      %dma_wait3A_176 = tpu.memref_slice %arg11[%dma_wait3A_174, %dma_wait3A_175] : memref<10128x128xf32, #tpu.memory_space<vmem_shared>> -> memref<10128x128xf32, #tpu.memory_space<vmem_shared>>
      tpu.wait_indirect_dma semaphore(%arg14 : memref<!tpu.dma_semaphore, #tpu.memory_space<semaphore_mem>>) src(%arg9 : memref<128x128xf32, #tpu.memory_space<vmem>>) dst(%dma_wait3A_176 : memref<10128x128xf32, #tpu.memory_space<vmem_shared>>)
      %add3A_177 = arith.constant 1 : i32
      %add3A_178 = arith.addi %add3A_169, %add3A_177 : i32
      %dma_start3A_179 = arith.constant 0 : i32
      %dma_start3A_180 = tpu.memref_slice %arg7[%add3A_178, %dma_start3A_179] : memref<40x128xi32, #tpu.memory_space<vmem>> -> memref<1x128xi32, #tpu.memory_space<vmem>>
      %dma_start3A_181 = tpu.memref_squeeze %dma_start3A_180 : memref<1x128xi32, #tpu.memory_space<vmem>> -> memref<128xi32, #tpu.memory_space<vmem>>
      %dma_start3A_182 = arith.constant 0 : i32
      %dma_start3A_183 = arith.constant 0 : i32
      %dma_start3A_184 = tpu.memref_slice %arg4[%dma_start3A_182, %dma_start3A_183] : memref<10000x128xf32, #tpu.memory_space<hbm>> -> memref<10000x128xf32, #tpu.memory_space<hbm>>
      tpu.enqueue_indirect_dma source(%dma_start3A_184 : memref<10000x128xf32, #tpu.memory_space<hbm>>) target(%arg9 : memref<128x128xf32, #tpu.memory_space<vmem>>) offsets(%dma_start3A_181 : memref<128xi32, #tpu.memory_space<vmem>>) semaphore(%arg12 : memref<!tpu.dma_semaphore, #tpu.memory_space<semaphore_mem>>)
      %dma_wait3A_185 = arith.constant 0 : i32
      %dma_wait3A_186 = tpu.memref_slice %arg7[%add3A_169, %dma_wait3A_185] : memref<40x128xi32, #tpu.memory_space<vmem>> -> memref<1x128xi32, #tpu.memory_space<vmem>>
      %dma_wait3A_187 = tpu.memref_squeeze %dma_wait3A_186 : memref<1x128xi32, #tpu.memory_space<vmem>> -> memref<128xi32, #tpu.memory_space<vmem>>
      %dma_wait3A_188 = arith.constant 0 : i32
      %dma_wait3A_189 = arith.constant 0 : i32
      %dma_wait3A_190 = tpu.memref_slice %arg4[%dma_wait3A_188, %dma_wait3A_189] : memref<10000x128xf32, #tpu.memory_space<hbm>> -> memref<10000x128xf32, #tpu.memory_space<hbm>>
      tpu.wait_indirect_dma semaphore(%arg13 : memref<!tpu.dma_semaphore, #tpu.memory_space<semaphore_mem>>) src(%dma_wait3A_190 : memref<10000x128xf32, #tpu.memory_space<hbm>>) dst(%arg10 : memref<128x128xf32, #tpu.memory_space<vmem>>)
      %dma_start3A_191 = arith.constant 0 : i32
      %dma_start3A_192 = tpu.memref_slice %arg8[%add3A_169, %dma_start3A_191] : memref<40x128xi32, #tpu.memory_space<vmem>> -> memref<1x128xi32, #tpu.memory_space<vmem>>
      %dma_start3A_193 = tpu.memref_squeeze %dma_start3A_192 : memref<1x128xi32, #tpu.memory_space<vmem>> -> memref<128xi32, #tpu.memory_space<vmem>>
      %dma_start3A_194 = arith.constant 0 : i32
      %dma_start3A_195 = arith.constant 0 : i32
      %dma_start3A_196 = tpu.memref_slice %arg11[%dma_start3A_194, %dma_start3A_195] : memref<10128x128xf32, #tpu.memory_space<vmem_shared>> -> memref<10128x128xf32, #tpu.memory_space<vmem_shared>>
      tpu.enqueue_indirect_dma source(%arg10 : memref<128x128xf32, #tpu.memory_space<vmem>>) target(%dma_start3A_196 : memref<10128x128xf32, #tpu.memory_space<vmem_shared>>) offsets(%dma_start3A_193 : memref<128xi32, #tpu.memory_space<vmem>>) semaphore(%arg15 : memref<!tpu.dma_semaphore, #tpu.memory_space<semaphore_mem>>) {add = true}
      %mul3A_197 = arith.constant 2 : i32
      %mul3A_198 = arith.muli %mul3A_197, %scan3A_163 : i32
      %add3A_199 = arith.constant 1 : i32
      %add3A_200 = arith.addi %mul3A_198, %add3A_199 : i32
      %add3A_201 = arith.constant 1 : i32
      %add3A_202 = arith.addi %add3A_200, %add3A_201 : i32
      %sub3A_203 = arith.constant 1 : i32
      %sub3A_204 = arith.subi %add3A_202, %sub3A_203 : i32
      %dma_wait3A_205 = arith.constant 0 : i32
      %dma_wait3A_206 = tpu.memref_slice %arg8[%sub3A_204, %dma_wait3A_205] : memref<40x128xi32, #tpu.memory_space<vmem>> -> memref<1x128xi32, #tpu.memory_space<vmem>>
      %dma_wait3A_207 = tpu.memref_squeeze %dma_wait3A_206 : memref<1x128xi32, #tpu.memory_space<vmem>> -> memref<128xi32, #tpu.memory_space<vmem>>
      %dma_wait3A_208 = arith.constant 0 : i32
      %dma_wait3A_209 = arith.constant 0 : i32
      %dma_wait3A_210 = tpu.memref_slice %arg11[%dma_wait3A_208, %dma_wait3A_209] : memref<10128x128xf32, #tpu.memory_space<vmem_shared>> -> memref<10128x128xf32, #tpu.memory_space<vmem_shared>>
      tpu.wait_indirect_dma semaphore(%arg15 : memref<!tpu.dma_semaphore, #tpu.memory_space<semaphore_mem>>) src(%arg10 : memref<128x128xf32, #tpu.memory_space<vmem>>) dst(%dma_wait3A_210 : memref<10128x128xf32, #tpu.memory_space<vmem_shared>>)
      %add3A_211 = arith.constant 1 : i32
      %add3A_212 = arith.addi %add3A_202, %add3A_211 : i32
      %dma_start3A_213 = arith.constant 0 : i32
      %dma_start3A_214 = tpu.memref_slice %arg7[%add3A_212, %dma_start3A_213] : memref<40x128xi32, #tpu.memory_space<vmem>> -> memref<1x128xi32, #tpu.memory_space<vmem>>
      %dma_start3A_215 = tpu.memref_squeeze %dma_start3A_214 : memref<1x128xi32, #tpu.memory_space<vmem>> -> memref<128xi32, #tpu.memory_space<vmem>>
      %dma_start3A_216 = arith.constant 0 : i32
      %dma_start3A_217 = arith.constant 0 : i32
      %dma_start3A_218 = tpu.memref_slice %arg4[%dma_start3A_216, %dma_start3A_217] : memref<10000x128xf32, #tpu.memory_space<hbm>> -> memref<10000x128xf32, #tpu.memory_space<hbm>>
      tpu.enqueue_indirect_dma source(%dma_start3A_218 : memref<10000x128xf32, #tpu.memory_space<hbm>>) target(%arg10 : memref<128x128xf32, #tpu.memory_space<vmem>>) offsets(%dma_start3A_215 : memref<128xi32, #tpu.memory_space<vmem>>) semaphore(%arg13 : memref<!tpu.dma_semaphore, #tpu.memory_space<semaphore_mem>>)
      %dma_wait3A_219 = arith.constant 0 : i32
      %dma_wait3A_220 = tpu.memref_slice %arg7[%add3A_202, %dma_wait3A_219] : memref<40x128xi32, #tpu.memory_space<vmem>> -> memref<1x128xi32, #tpu.memory_space<vmem>>
      %dma_wait3A_221 = tpu.memref_squeeze %dma_wait3A_220 : memref<1x128xi32, #tpu.memory_space<vmem>> -> memref<128xi32, #tpu.memory_space<vmem>>
      %dma_wait3A_222 = arith.constant 0 : i32
      %dma_wait3A_223 = arith.constant 0 : i32
      %dma_wait3A_224 = tpu.memref_slice %arg4[%dma_wait3A_222, %dma_wait3A_223] : memref<10000x128xf32, #tpu.memory_space<hbm>> -> memref<10000x128xf32, #tpu.memory_space<hbm>>
      tpu.wait_indirect_dma semaphore(%arg12 : memref<!tpu.dma_semaphore, #tpu.memory_space<semaphore_mem>>) src(%dma_wait3A_224 : memref<10000x128xf32, #tpu.memory_space<hbm>>) dst(%arg9 : memref<128x128xf32, #tpu.memory_space<vmem>>)
      %dma_start3A_225 = arith.constant 0 : i32
      %dma_start3A_226 = tpu.memref_slice %arg8[%add3A_202, %dma_start3A_225] : memref<40x128xi32, #tpu.memory_space<vmem>> -> memref<1x128xi32, #tpu.memory_space<vmem>>
      %dma_start3A_227 = tpu.memref_squeeze %dma_start3A_226 : memref<1x128xi32, #tpu.memory_space<vmem>> -> memref<128xi32, #tpu.memory_space<vmem>>
      %dma_start3A_228 = arith.constant 0 : i32
      %dma_start3A_229 = arith.constant 0 : i32
      %dma_start3A_230 = tpu.memref_slice %arg11[%dma_start3A_228, %dma_start3A_229] : memref<10128x128xf32, #tpu.memory_space<vmem_shared>> -> memref<10128x128xf32, #tpu.memory_space<vmem_shared>>
      tpu.enqueue_indirect_dma source(%arg9 : memref<128x128xf32, #tpu.memory_space<vmem>>) target(%dma_start3A_230 : memref<10128x128xf32, #tpu.memory_space<vmem_shared>>) offsets(%dma_start3A_227 : memref<128xi32, #tpu.memory_space<vmem>>) semaphore(%arg14 : memref<!tpu.dma_semaphore, #tpu.memory_space<semaphore_mem>>) {add = true}
    }
    %scan3A_49 = arith.constant 19 : i32
    %dma_wait3A_50 = arith.constant 38 : i32
    %dma_wait3A_51 = arith.constant 0 : i32
    %dma_wait3A_52 = tpu.memref_slice %arg8[%dma_wait3A_50, %dma_wait3A_51] : memref<40x128xi32, #tpu.memory_space<vmem>> -> memref<1x128xi32, #tpu.memory_space<vmem>>
    %dma_wait3A_53 = tpu.memref_squeeze %dma_wait3A_52 : memref<1x128xi32, #tpu.memory_space<vmem>> -> memref<128xi32, #tpu.memory_space<vmem>>
    %dma_wait3A_54 = arith.constant 0 : i32
    %dma_wait3A_55 = arith.constant 0 : i32
    %dma_wait3A_56 = tpu.memref_slice %arg11[%dma_wait3A_54, %dma_wait3A_55] : memref<10128x128xf32, #tpu.memory_space<vmem_shared>> -> memref<10128x128xf32, #tpu.memory_space<vmem_shared>>
    tpu.wait_indirect_dma semaphore(%arg14 : memref<!tpu.dma_semaphore, #tpu.memory_space<semaphore_mem>>) src(%arg9 : memref<128x128xf32, #tpu.memory_space<vmem>>) dst(%dma_wait3A_56 : memref<10128x128xf32, #tpu.memory_space<vmem_shared>>)
    %dma_wait3A_57 = arith.constant 39 : i32
    %dma_wait3A_58 = arith.constant 0 : i32
    %dma_wait3A_59 = tpu.memref_slice %arg7[%dma_wait3A_57, %dma_wait3A_58] : memref<40x128xi32, #tpu.memory_space<vmem>> -> memref<1x128xi32, #tpu.memory_space<vmem>>
    %dma_wait3A_60 = tpu.memref_squeeze %dma_wait3A_59 : memref<1x128xi32, #tpu.memory_space<vmem>> -> memref<128xi32, #tpu.memory_space<vmem>>
    %dma_wait3A_61 = arith.constant 0 : i32
    %dma_wait3A_62 = arith.constant 0 : i32
    %dma_wait3A_63 = tpu.memref_slice %arg4[%dma_wait3A_61, %dma_wait3A_62] : memref<10000x128xf32, #tpu.memory_space<hbm>> -> memref<10000x128xf32, #tpu.memory_space<hbm>>
    tpu.wait_indirect_dma semaphore(%arg13 : memref<!tpu.dma_semaphore, #tpu.memory_space<semaphore_mem>>) src(%dma_wait3A_63 : memref<10000x128xf32, #tpu.memory_space<hbm>>) dst(%arg10 : memref<128x128xf32, #tpu.memory_space<vmem>>)
    %dma_start3A_64 = arith.constant 39 : i32
    %dma_start3A_65 = arith.constant 0 : i32
    %dma_start3A_66 = tpu.memref_slice %arg8[%dma_start3A_64, %dma_start3A_65] : memref<40x128xi32, #tpu.memory_space<vmem>> -> memref<1x128xi32, #tpu.memory_space<vmem>>
    %dma_start3A_67 = tpu.memref_squeeze %dma_start3A_66 : memref<1x128xi32, #tpu.memory_space<vmem>> -> memref<128xi32, #tpu.memory_space<vmem>>
    %dma_start3A_68 = arith.constant 0 : i32
    %dma_start3A_69 = arith.constant 0 : i32
    %dma_start3A_70 = tpu.memref_slice %arg11[%dma_start3A_68, %dma_start3A_69] : memref<10128x128xf32, #tpu.memory_space<vmem_shared>> -> memref<10128x128xf32, #tpu.memory_space<vmem_shared>>
    tpu.enqueue_indirect_dma source(%arg10 : memref<128x128xf32, #tpu.memory_space<vmem>>) target(%dma_start3A_70 : memref<10128x128xf32, #tpu.memory_space<vmem_shared>>) offsets(%dma_start3A_67 : memref<128xi32, #tpu.memory_space<vmem>>) semaphore(%arg15 : memref<!tpu.dma_semaphore, #tpu.memory_space<semaphore_mem>>) {add = true}
    %dma_wait3A_71 = arith.constant 39 : i32
    %dma_wait3A_72 = arith.constant 0 : i32
    %dma_wait3A_73 = tpu.memref_slice %arg8[%dma_wait3A_71, %dma_wait3A_72] : memref<40x128xi32, #tpu.memory_space<vmem>> -> memref<1x128xi32, #tpu.memory_space<vmem>>
    %dma_wait3A_74 = tpu.memref_squeeze %dma_wait3A_73 : memref<1x128xi32, #tpu.memory_space<vmem>> -> memref<128xi32, #tpu.memory_space<vmem>>
    %dma_wait3A_75 = arith.constant 0 : i32
    %dma_wait3A_76 = arith.constant 0 : i32
    %dma_wait3A_77 = tpu.memref_slice %arg11[%dma_wait3A_75, %dma_wait3A_76] : memref<10128x128xf32, #tpu.memory_space<vmem_shared>> -> memref<10128x128xf32, #tpu.memory_space<vmem_shared>>
    tpu.wait_indirect_dma semaphore(%arg15 : memref<!tpu.dma_semaphore, #tpu.memory_space<semaphore_mem>>) src(%arg10 : memref<128x128xf32, #tpu.memory_space<vmem>>) dst(%dma_wait3A_77 : memref<10128x128xf32, #tpu.memory_space<vmem_shared>>)
    %mul3A_78 = arith.constant 2 : i32
    %mul3A_79 = arith.muli %add3A, %mul3A_78 : i32
    %add3A_80 = arith.constant 1 : i32
    %add3A_81 = arith.addi %mul3A_79, %add3A_80 : i32
    %mul3A_82 = arith.constant 40 : i32
    %mul3A_83 = arith.muli %add3A_81, %mul3A_82 : i32
    "tpu.region"() ({
      %run_scoped3A = tpu.sem_alloc : memref<!tpu.dma_semaphore, #tpu.memory_space<semaphore_mem>>
      %dma_start3A_163 = arith.constant 0 : i32
      %dma_start3A_164 = tpu.memref_slice %arg2[%mul3A_83, %dma_start3A_163] : memref<2560x128xi32, #tpu.memory_space<hbm>> -> memref<40x128xi32, #tpu.memory_space<hbm>>
      %dma_start3A_165 = arith.constant 0 : i32
      %dma_start3A_166 = tpu.memref_slice %arg2[%mul3A_83, %dma_start3A_165] : memref<2560x128xi32, #tpu.memory_space<hbm>> -> memref<40x128xi32, #tpu.memory_space<hbm>>
      tpu.enqueue_dma source(%dma_start3A_166 : memref<40x128xi32, #tpu.memory_space<hbm>>) target(%arg7 : memref<40x128xi32, #tpu.memory_space<vmem>>) target_semaphore(%run_scoped3A : memref<!tpu.dma_semaphore, #tpu.memory_space<semaphore_mem>>)
      %dma_wait3A_167 = arith.constant 0 : i32
      %dma_wait3A_168 = tpu.memref_slice %arg2[%mul3A_83, %dma_wait3A_167] : memref<2560x128xi32, #tpu.memory_space<hbm>> -> memref<40x128xi32, #tpu.memory_space<hbm>>
      %dma_wait3A_169 = arith.constant 0 : i32
      %dma_wait3A_170 = tpu.memref_slice %arg2[%mul3A_83, %dma_wait3A_169] : memref<2560x128xi32, #tpu.memory_space<hbm>> -> memref<40x128xi32, #tpu.memory_space<hbm>>
      tpu.wait_dma2 semaphore(%run_scoped3A : memref<!tpu.dma_semaphore, #tpu.memory_space<semaphore_mem>>) src(%dma_wait3A_170 : memref<40x128xi32, #tpu.memory_space<hbm>>) dst(%arg7 : memref<40x128xi32, #tpu.memory_space<vmem>>)
      tpu.yield
    }) : () -> ()
    %mul3A_84 = arith.constant 2 : i32
    %mul3A_85 = arith.muli %add3A, %mul3A_84 : i32
    %add3A_86 = arith.constant 1 : i32
    %add3A_87 = arith.addi %mul3A_85, %add3A_86 : i32
    %mul3A_88 = arith.constant 40 : i32
    %mul3A_89 = arith.muli %add3A_87, %mul3A_88 : i32
    "tpu.region"() ({
      %run_scoped3A = tpu.sem_alloc : memref<!tpu.dma_semaphore, #tpu.memory_space<semaphore_mem>>
      %dma_start3A_163 = arith.constant 0 : i32
      %dma_start3A_164 = tpu.memref_slice %arg3[%mul3A_89, %dma_start3A_163] : memref<2560x128xi32, #tpu.memory_space<hbm>> -> memref<40x128xi32, #tpu.memory_space<hbm>>
      %dma_start3A_165 = arith.constant 0 : i32
      %dma_start3A_166 = tpu.memref_slice %arg3[%mul3A_89, %dma_start3A_165] : memref<2560x128xi32, #tpu.memory_space<hbm>> -> memref<40x128xi32, #tpu.memory_space<hbm>>
      tpu.enqueue_dma source(%dma_start3A_166 : memref<40x128xi32, #tpu.memory_space<hbm>>) target(%arg8 : memref<40x128xi32, #tpu.memory_space<vmem>>) target_semaphore(%run_scoped3A : memref<!tpu.dma_semaphore, #tpu.memory_space<semaphore_mem>>)
      %dma_wait3A_167 = arith.constant 0 : i32
      %dma_wait3A_168 = tpu.memref_slice %arg3[%mul3A_89, %dma_wait3A_167] : memref<2560x128xi32, #tpu.memory_space<hbm>> -> memref<40x128xi32, #tpu.memory_space<hbm>>
      %dma_wait3A_169 = arith.constant 0 : i32
      %dma_wait3A_170 = tpu.memref_slice %arg3[%mul3A_89, %dma_wait3A_169] : memref<2560x128xi32, #tpu.memory_space<hbm>> -> memref<40x128xi32, #tpu.memory_space<hbm>>
      tpu.wait_dma2 semaphore(%run_scoped3A : memref<!tpu.dma_semaphore, #tpu.memory_space<semaphore_mem>>) src(%dma_wait3A_170 : memref<40x128xi32, #tpu.memory_space<hbm>>) dst(%arg8 : memref<40x128xi32, #tpu.memory_space<vmem>>)
      tpu.yield
    }) : () -> ()
    %dma_start3A_90 = arith.constant 0 : i32
    %dma_start3A_91 = arith.constant 0 : i32
    %dma_start3A_92 = tpu.memref_slice %arg7[%dma_start3A_90, %dma_start3A_91] : memref<40x128xi32, #tpu.memory_space<vmem>> -> memref<1x128xi32, #tpu.memory_space<vmem>>
    %dma_start3A_93 = tpu.memref_squeeze %dma_start3A_92 : memref<1x128xi32, #tpu.memory_space<vmem>> -> memref<128xi32, #tpu.memory_space<vmem>>
    %dma_start3A_94 = arith.constant 0 : i32
    %dma_start3A_95 = arith.constant 0 : i32
    %dma_start3A_96 = tpu.memref_slice %arg4[%dma_start3A_94, %dma_start3A_95] : memref<10000x128xf32, #tpu.memory_space<hbm>> -> memref<10000x128xf32, #tpu.memory_space<hbm>>
    tpu.enqueue_indirect_dma source(%dma_start3A_96 : memref<10000x128xf32, #tpu.memory_space<hbm>>) target(%arg9 : memref<128x128xf32, #tpu.memory_space<vmem>>) offsets(%dma_start3A_93 : memref<128xi32, #tpu.memory_space<vmem>>) semaphore(%arg12 : memref<!tpu.dma_semaphore, #tpu.memory_space<semaphore_mem>>)
    %dma_start3A_97 = arith.constant 1 : i32
    %dma_start3A_98 = arith.constant 0 : i32
    %dma_start3A_99 = tpu.memref_slice %arg7[%dma_start3A_97, %dma_start3A_98] : memref<40x128xi32, #tpu.memory_space<vmem>> -> memref<1x128xi32, #tpu.memory_space<vmem>>
    %dma_start3A_100 = tpu.memref_squeeze %dma_start3A_99 : memref<1x128xi32, #tpu.memory_space<vmem>> -> memref<128xi32, #tpu.memory_space<vmem>>
    %dma_start3A_101 = arith.constant 0 : i32
    %dma_start3A_102 = arith.constant 0 : i32
    %dma_start3A_103 = tpu.memref_slice %arg4[%dma_start3A_101, %dma_start3A_102] : memref<10000x128xf32, #tpu.memory_space<hbm>> -> memref<10000x128xf32, #tpu.memory_space<hbm>>
    tpu.enqueue_indirect_dma source(%dma_start3A_103 : memref<10000x128xf32, #tpu.memory_space<hbm>>) target(%arg10 : memref<128x128xf32, #tpu.memory_space<vmem>>) offsets(%dma_start3A_100 : memref<128xi32, #tpu.memory_space<vmem>>) semaphore(%arg13 : memref<!tpu.dma_semaphore, #tpu.memory_space<semaphore_mem>>)
    %dma_wait3A_104 = arith.constant 0 : i32
    %dma_wait3A_105 = arith.constant 0 : i32
    %dma_wait3A_106 = tpu.memref_slice %arg7[%dma_wait3A_104, %dma_wait3A_105] : memref<40x128xi32, #tpu.memory_space<vmem>> -> memref<1x128xi32, #tpu.memory_space<vmem>>
    %dma_wait3A_107 = tpu.memref_squeeze %dma_wait3A_106 : memref<1x128xi32, #tpu.memory_space<vmem>> -> memref<128xi32, #tpu.memory_space<vmem>>
    %dma_wait3A_108 = arith.constant 0 : i32
    %dma_wait3A_109 = arith.constant 0 : i32
    %dma_wait3A_110 = tpu.memref_slice %arg4[%dma_wait3A_108, %dma_wait3A_109] : memref<10000x128xf32, #tpu.memory_space<hbm>> -> memref<10000x128xf32, #tpu.memory_space<hbm>>
    tpu.wait_indirect_dma semaphore(%arg12 : memref<!tpu.dma_semaphore, #tpu.memory_space<semaphore_mem>>) src(%dma_wait3A_110 : memref<10000x128xf32, #tpu.memory_space<hbm>>) dst(%arg9 : memref<128x128xf32, #tpu.memory_space<vmem>>)
    %dma_start3A_111 = arith.constant 0 : i32
    %dma_start3A_112 = arith.constant 0 : i32
    %dma_start3A_113 = tpu.memref_slice %arg8[%dma_start3A_111, %dma_start3A_112] : memref<40x128xi32, #tpu.memory_space<vmem>> -> memref<1x128xi32, #tpu.memory_space<vmem>>
    %dma_start3A_114 = tpu.memref_squeeze %dma_start3A_113 : memref<1x128xi32, #tpu.memory_space<vmem>> -> memref<128xi32, #tpu.memory_space<vmem>>
    %dma_start3A_115 = arith.constant 0 : i32
    %dma_start3A_116 = arith.constant 0 : i32
    %dma_start3A_117 = tpu.memref_slice %arg11[%dma_start3A_115, %dma_start3A_116] : memref<10128x128xf32, #tpu.memory_space<vmem_shared>> -> memref<10128x128xf32, #tpu.memory_space<vmem_shared>>
    tpu.enqueue_indirect_dma source(%arg9 : memref<128x128xf32, #tpu.memory_space<vmem>>) target(%dma_start3A_117 : memref<10128x128xf32, #tpu.memory_space<vmem_shared>>) offsets(%dma_start3A_114 : memref<128xi32, #tpu.memory_space<vmem>>) semaphore(%arg14 : memref<!tpu.dma_semaphore, #tpu.memory_space<semaphore_mem>>) {add = true}
    %scan3A_118 = arith.constant 0 : i32
    %scan3A_119 = arith.constant 0 : i32
    %scan3A_120 = arith.constant 19 : i32
    %scan3A_121 = arith.addi %scan3A_119, %scan3A_120 : i32
    %scan3A_122 = arith.constant 1 : i32
    scf.for %scan3A_163 = %scan3A_119 to %scan3A_121 step %scan3A_122  : i32 {
      %mul3A_164 = arith.constant 2 : i32
      %mul3A_165 = arith.muli %mul3A_164, %scan3A_163 : i32
      %add3A_166 = arith.constant 1 : i32
      %add3A_167 = arith.addi %mul3A_165, %add3A_166 : i32
      %add3A_168 = arith.constant 0 : i32
      %add3A_169 = arith.addi %add3A_167, %add3A_168 : i32
      %sub3A = arith.constant 1 : i32
      %sub3A_170 = arith.subi %add3A_169, %sub3A : i32
      %dma_wait3A_171 = arith.constant 0 : i32
      %dma_wait3A_172 = tpu.memref_slice %arg8[%sub3A_170, %dma_wait3A_171] : memref<40x128xi32, #tpu.memory_space<vmem>> -> memref<1x128xi32, #tpu.memory_space<vmem>>
      %dma_wait3A_173 = tpu.memref_squeeze %dma_wait3A_172 : memref<1x128xi32, #tpu.memory_space<vmem>> -> memref<128xi32, #tpu.memory_space<vmem>>
      %dma_wait3A_174 = arith.constant 0 : i32
      %dma_wait3A_175 = arith.constant 0 : i32
      %dma_wait3A_176 = tpu.memref_slice %arg11[%dma_wait3A_174, %dma_wait3A_175] : memref<10128x128xf32, #tpu.memory_space<vmem_shared>> -> memref<10128x128xf32, #tpu.memory_space<vmem_shared>>
      tpu.wait_indirect_dma semaphore(%arg14 : memref<!tpu.dma_semaphore, #tpu.memory_space<semaphore_mem>>) src(%arg9 : memref<128x128xf32, #tpu.memory_space<vmem>>) dst(%dma_wait3A_176 : memref<10128x128xf32, #tpu.memory_space<vmem_shared>>)
      %add3A_177 = arith.constant 1 : i32
      %add3A_178 = arith.addi %add3A_169, %add3A_177 : i32
      %dma_start3A_179 = arith.constant 0 : i32
      %dma_start3A_180 = tpu.memref_slice %arg7[%add3A_178, %dma_start3A_179] : memref<40x128xi32, #tpu.memory_space<vmem>> -> memref<1x128xi32, #tpu.memory_space<vmem>>
      %dma_start3A_181 = tpu.memref_squeeze %dma_start3A_180 : memref<1x128xi32, #tpu.memory_space<vmem>> -> memref<128xi32, #tpu.memory_space<vmem>>
      %dma_start3A_182 = arith.constant 0 : i32
      %dma_start3A_183 = arith.constant 0 : i32
      %dma_start3A_184 = tpu.memref_slice %arg4[%dma_start3A_182, %dma_start3A_183] : memref<10000x128xf32, #tpu.memory_space<hbm>> -> memref<10000x128xf32, #tpu.memory_space<hbm>>
      tpu.enqueue_indirect_dma source(%dma_start3A_184 : memref<10000x128xf32, #tpu.memory_space<hbm>>) target(%arg9 : memref<128x128xf32, #tpu.memory_space<vmem>>) offsets(%dma_start3A_181 : memref<128xi32, #tpu.memory_space<vmem>>) semaphore(%arg12 : memref<!tpu.dma_semaphore, #tpu.memory_space<semaphore_mem>>)
      %dma_wait3A_185 = arith.constant 0 : i32
      %dma_wait3A_186 = tpu.memref_slice %arg7[%add3A_169, %dma_wait3A_185] : memref<40x128xi32, #tpu.memory_space<vmem>> -> memref<1x128xi32, #tpu.memory_space<vmem>>
      %dma_wait3A_187 = tpu.memref_squeeze %dma_wait3A_186 : memref<1x128xi32, #tpu.memory_space<vmem>> -> memref<128xi32, #tpu.memory_space<vmem>>
      %dma_wait3A_188 = arith.constant 0 : i32
      %dma_wait3A_189 = arith.constant 0 : i32
      %dma_wait3A_190 = tpu.memref_slice %arg4[%dma_wait3A_188, %dma_wait3A_189] : memref<10000x128xf32, #tpu.memory_space<hbm>> -> memref<10000x128xf32, #tpu.memory_space<hbm>>
      tpu.wait_indirect_dma semaphore(%arg13 : memref<!tpu.dma_semaphore, #tpu.memory_space<semaphore_mem>>) src(%dma_wait3A_190 : memref<10000x128xf32, #tpu.memory_space<hbm>>) dst(%arg10 : memref<128x128xf32, #tpu.memory_space<vmem>>)
      %dma_start3A_191 = arith.constant 0 : i32
      %dma_start3A_192 = tpu.memref_slice %arg8[%add3A_169, %dma_start3A_191] : memref<40x128xi32, #tpu.memory_space<vmem>> -> memref<1x128xi32, #tpu.memory_space<vmem>>
      %dma_start3A_193 = tpu.memref_squeeze %dma_start3A_192 : memref<1x128xi32, #tpu.memory_space<vmem>> -> memref<128xi32, #tpu.memory_space<vmem>>
      %dma_start3A_194 = arith.constant 0 : i32
      %dma_start3A_195 = arith.constant 0 : i32
      %dma_start3A_196 = tpu.memref_slice %arg11[%dma_start3A_194, %dma_start3A_195] : memref<10128x128xf32, #tpu.memory_space<vmem_shared>> -> memref<10128x128xf32, #tpu.memory_space<vmem_shared>>
      tpu.enqueue_indirect_dma source(%arg10 : memref<128x128xf32, #tpu.memory_space<vmem>>) target(%dma_start3A_196 : memref<10128x128xf32, #tpu.memory_space<vmem_shared>>) offsets(%dma_start3A_193 : memref<128xi32, #tpu.memory_space<vmem>>) semaphore(%arg15 : memref<!tpu.dma_semaphore, #tpu.memory_space<semaphore_mem>>) {add = true}
      %mul3A_197 = arith.constant 2 : i32
      %mul3A_198 = arith.muli %mul3A_197, %scan3A_163 : i32
      %add3A_199 = arith.constant 1 : i32
      %add3A_200 = arith.addi %mul3A_198, %add3A_199 : i32
      %add3A_201 = arith.constant 1 : i32
      %add3A_202 = arith.addi %add3A_200, %add3A_201 : i32
      %sub3A_203 = arith.constant 1 : i32
      %sub3A_204 = arith.subi %add3A_202, %sub3A_203 : i32
      %dma_wait3A_205 = arith.constant 0 : i32
      %dma_wait3A_206 = tpu.memref_slice %arg8[%sub3A_204, %dma_wait3A_205] : memref<40x128xi32, #tpu.memory_space<vmem>> -> memref<1x128xi32, #tpu.memory_space<vmem>>
      %dma_wait3A_207 = tpu.memref_squeeze %dma_wait3A_206 : memref<1x128xi32, #tpu.memory_space<vmem>> -> memref<128xi32, #tpu.memory_space<vmem>>
      %dma_wait3A_208 = arith.constant 0 : i32
      %dma_wait3A_209 = arith.constant 0 : i32
      %dma_wait3A_210 = tpu.memref_slice %arg11[%dma_wait3A_208, %dma_wait3A_209] : memref<10128x128xf32, #tpu.memory_space<vmem_shared>> -> memref<10128x128xf32, #tpu.memory_space<vmem_shared>>
      tpu.wait_indirect_dma semaphore(%arg15 : memref<!tpu.dma_semaphore, #tpu.memory_space<semaphore_mem>>) src(%arg10 : memref<128x128xf32, #tpu.memory_space<vmem>>) dst(%dma_wait3A_210 : memref<10128x128xf32, #tpu.memory_space<vmem_shared>>)
      %add3A_211 = arith.constant 1 : i32
      %add3A_212 = arith.addi %add3A_202, %add3A_211 : i32
      %dma_start3A_213 = arith.constant 0 : i32
      %dma_start3A_214 = tpu.memref_slice %arg7[%add3A_212, %dma_start3A_213] : memref<40x128xi32, #tpu.memory_space<vmem>> -> memref<1x128xi32, #tpu.memory_space<vmem>>
      %dma_start3A_215 = tpu.memref_squeeze %dma_start3A_214 : memref<1x128xi32, #tpu.memory_space<vmem>> -> memref<128xi32, #tpu.memory_space<vmem>>
      %dma_start3A_216 = arith.constant 0 : i32
      %dma_start3A_217 = arith.constant 0 : i32
      %dma_start3A_218 = tpu.memref_slice %arg4[%dma_start3A_216, %dma_start3A_217] : memref<10000x128xf32, #tpu.memory_space<hbm>> -> memref<10000x128xf32, #tpu.memory_space<hbm>>
      tpu.enqueue_indirect_dma source(%dma_start3A_218 : memref<10000x128xf32, #tpu.memory_space<hbm>>) target(%arg10 : memref<128x128xf32, #tpu.memory_space<vmem>>) offsets(%dma_start3A_215 : memref<128xi32, #tpu.memory_space<vmem>>) semaphore(%arg13 : memref<!tpu.dma_semaphore, #tpu.memory_space<semaphore_mem>>)
      %dma_wait3A_219 = arith.constant 0 : i32
      %dma_wait3A_220 = tpu.memref_slice %arg7[%add3A_202, %dma_wait3A_219] : memref<40x128xi32, #tpu.memory_space<vmem>> -> memref<1x128xi32, #tpu.memory_space<vmem>>
      %dma_wait3A_221 = tpu.memref_squeeze %dma_wait3A_220 : memref<1x128xi32, #tpu.memory_space<vmem>> -> memref<128xi32, #tpu.memory_space<vmem>>
      %dma_wait3A_222 = arith.constant 0 : i32
      %dma_wait3A_223 = arith.constant 0 : i32
      %dma_wait3A_224 = tpu.memref_slice %arg4[%dma_wait3A_222, %dma_wait3A_223] : memref<10000x128xf32, #tpu.memory_space<hbm>> -> memref<10000x128xf32, #tpu.memory_space<hbm>>
      tpu.wait_indirect_dma semaphore(%arg12 : memref<!tpu.dma_semaphore, #tpu.memory_space<semaphore_mem>>) src(%dma_wait3A_224 : memref<10000x128xf32, #tpu.memory_space<hbm>>) dst(%arg9 : memref<128x128xf32, #tpu.memory_space<vmem>>)
      %dma_start3A_225 = arith.constant 0 : i32
      %dma_start3A_226 = tpu.memref_slice %arg8[%add3A_202, %dma_start3A_225] : memref<40x128xi32, #tpu.memory_space<vmem>> -> memref<1x128xi32, #tpu.memory_space<vmem>>
      %dma_start3A_227 = tpu.memref_squeeze %dma_start3A_226 : memref<1x128xi32, #tpu.memory_space<vmem>> -> memref<128xi32, #tpu.memory_space<vmem>>
      %dma_start3A_228 = arith.constant 0 : i32
      %dma_start3A_229 = arith.constant 0 : i32
      %dma_start3A_230 = tpu.memref_slice %arg11[%dma_start3A_228, %dma_start3A_229] : memref<10128x128xf32, #tpu.memory_space<vmem_shared>> -> memref<10128x128xf32, #tpu.memory_space<vmem_shared>>
      tpu.enqueue_indirect_dma source(%arg9 : memref<128x128xf32, #tpu.memory_space<vmem>>) target(%dma_start3A_230 : memref<10128x128xf32, #tpu.memory_space<vmem_shared>>) offsets(%dma_start3A_227 : memref<128xi32, #tpu.memory_space<vmem>>) semaphore(%arg14 : memref<!tpu.dma_semaphore, #tpu.memory_space<semaphore_mem>>) {add = true}
    }
    %scan3A_123 = arith.constant 19 : i32
    %dma_wait3A_124 = arith.constant 38 : i32
    %dma_wait3A_125 = arith.constant 0 : i32
    %dma_wait3A_126 = tpu.memref_slice %arg8[%dma_wait3A_124, %dma_wait3A_125] : memref<40x128xi32, #tpu.memory_space<vmem>> -> memref<1x128xi32, #tpu.memory_space<vmem>>
    %dma_wait3A_127 = tpu.memref_squeeze %dma_wait3A_126 : memref<1x128xi32, #tpu.memory_space<vmem>> -> memref<128xi32, #tpu.memory_space<vmem>>
    %dma_wait3A_128 = arith.constant 0 : i32
    %dma_wait3A_129 = arith.constant 0 : i32
    %dma_wait3A_130 = tpu.memref_slice %arg11[%dma_wait3A_128, %dma_wait3A_129] : memref<10128x128xf32, #tpu.memory_space<vmem_shared>> -> memref<10128x128xf32, #tpu.memory_space<vmem_shared>>
    tpu.wait_indirect_dma semaphore(%arg14 : memref<!tpu.dma_semaphore, #tpu.memory_space<semaphore_mem>>) src(%arg9 : memref<128x128xf32, #tpu.memory_space<vmem>>) dst(%dma_wait3A_130 : memref<10128x128xf32, #tpu.memory_space<vmem_shared>>)
    %dma_wait3A_131 = arith.constant 39 : i32
    %dma_wait3A_132 = arith.constant 0 : i32
    %dma_wait3A_133 = tpu.memref_slice %arg7[%dma_wait3A_131, %dma_wait3A_132] : memref<40x128xi32, #tpu.memory_space<vmem>> -> memref<1x128xi32, #tpu.memory_space<vmem>>
    %dma_wait3A_134 = tpu.memref_squeeze %dma_wait3A_133 : memref<1x128xi32, #tpu.memory_space<vmem>> -> memref<128xi32, #tpu.memory_space<vmem>>
    %dma_wait3A_135 = arith.constant 0 : i32
    %dma_wait3A_136 = arith.constant 0 : i32
    %dma_wait3A_137 = tpu.memref_slice %arg4[%dma_wait3A_135, %dma_wait3A_136] : memref<10000x128xf32, #tpu.memory_space<hbm>> -> memref<10000x128xf32, #tpu.memory_space<hbm>>
    tpu.wait_indirect_dma semaphore(%arg13 : memref<!tpu.dma_semaphore, #tpu.memory_space<semaphore_mem>>) src(%dma_wait3A_137 : memref<10000x128xf32, #tpu.memory_space<hbm>>) dst(%arg10 : memref<128x128xf32, #tpu.memory_space<vmem>>)
    %dma_start3A_138 = arith.constant 39 : i32
    %dma_start3A_139 = arith.constant 0 : i32
    %dma_start3A_140 = tpu.memref_slice %arg8[%dma_start3A_138, %dma_start3A_139] : memref<40x128xi32, #tpu.memory_space<vmem>> -> memref<1x128xi32, #tpu.memory_space<vmem>>
    %dma_start3A_141 = tpu.memref_squeeze %dma_start3A_140 : memref<1x128xi32, #tpu.memory_space<vmem>> -> memref<128xi32, #tpu.memory_space<vmem>>
    %dma_start3A_142 = arith.constant 0 : i32
    %dma_start3A_143 = arith.constant 0 : i32
    %dma_start3A_144 = tpu.memref_slice %arg11[%dma_start3A_142, %dma_start3A_143] : memref<10128x128xf32, #tpu.memory_space<vmem_shared>> -> memref<10128x128xf32, #tpu.memory_space<vmem_shared>>
    tpu.enqueue_indirect_dma source(%arg10 : memref<128x128xf32, #tpu.memory_space<vmem>>) target(%dma_start3A_144 : memref<10128x128xf32, #tpu.memory_space<vmem_shared>>) offsets(%dma_start3A_141 : memref<128xi32, #tpu.memory_space<vmem>>) semaphore(%arg15 : memref<!tpu.dma_semaphore, #tpu.memory_space<semaphore_mem>>) {add = true}
    %dma_wait3A_145 = arith.constant 39 : i32
    %dma_wait3A_146 = arith.constant 0 : i32
    %dma_wait3A_147 = tpu.memref_slice %arg8[%dma_wait3A_145, %dma_wait3A_146] : memref<40x128xi32, #tpu.memory_space<vmem>> -> memref<1x128xi32, #tpu.memory_space<vmem>>
    %dma_wait3A_148 = tpu.memref_squeeze %dma_wait3A_147 : memref<1x128xi32, #tpu.memory_space<vmem>> -> memref<128xi32, #tpu.memory_space<vmem>>
    %dma_wait3A_149 = arith.constant 0 : i32
    %dma_wait3A_150 = arith.constant 0 : i32
    %dma_wait3A_151 = tpu.memref_slice %arg11[%dma_wait3A_149, %dma_wait3A_150] : memref<10128x128xf32, #tpu.memory_space<vmem_shared>> -> memref<10128x128xf32, #tpu.memory_space<vmem_shared>>
    tpu.wait_indirect_dma semaphore(%arg15 : memref<!tpu.dma_semaphore, #tpu.memory_space<semaphore_mem>>) src(%arg10 : memref<128x128xf32, #tpu.memory_space<vmem>>) dst(%dma_wait3A_151 : memref<10128x128xf32, #tpu.memory_space<vmem_shared>>)
    %barrier3A_152 = arith.constant 0 : index
    tpu.barrier barrier_id(%barrier3A_152)
    %lt3A_153 = arith.constant 15 : i32
    %lt3A_154 = arith.cmpi slt, %arg1, %lt3A_153 : i32
    %convert_element_type3A_155 = arith.extui %lt3A_154 : i1 to i32
    %cond3A_156 = arith.constant 0 : i32
    %cond3A_157 = arith.cmpi ne, %convert_element_type3A_155, %cond3A_156 : i32
    scf.if %cond3A_157 {
      %mul3A_163 = arith.constant 632 : i32
      %mul3A_164 = arith.muli %arg1, %mul3A_163 : i32
      %mul3A_165 = arith.constant 632 : i32
      %mul3A_166 = arith.muli %arg1, %mul3A_165 : i32
      "tpu.region"() ({
        %run_scoped3A = tpu.sem_alloc : memref<!tpu.dma_semaphore, #tpu.memory_space<semaphore_mem>>
        %dma_start3A_167 = arith.constant 0 : i32
        %dma_start3A_168 = arith.constant 0 : i32
        %dma_start3A_169 = tpu.memref_slice %arg6[%arg0, %dma_start3A_167, %dma_start3A_168] : memref<2x10000x128xf32, #tpu.memory_space<hbm>> -> memref<1x10000x128xf32, #tpu.memory_space<hbm>>
        %dma_start3A_170 = tpu.memref_squeeze %dma_start3A_169 : memref<1x10000x128xf32, #tpu.memory_space<hbm>> -> memref<10000x128xf32, #tpu.memory_space<hbm>>
        %dma_start3A_171 = arith.constant 0 : i32
        %dma_start3A_172 = tpu.memref_slice %dma_start3A_170[%mul3A_166, %dma_start3A_171] : memref<10000x128xf32, #tpu.memory_space<hbm>> -> memref<632x128xf32, #tpu.memory_space<hbm>>
        %dma_start3A_173 = arith.constant 0 : i32
        %dma_start3A_174 = tpu.memref_slice %arg11[%mul3A_164, %dma_start3A_173] : memref<10128x128xf32, #tpu.memory_space<vmem_shared>> -> memref<632x128xf32, #tpu.memory_space<vmem_shared>>
        tpu.enqueue_dma source(%dma_start3A_174 : memref<632x128xf32, #tpu.memory_space<vmem_shared>>) target(%dma_start3A_172 : memref<632x128xf32, #tpu.memory_space<hbm>>) target_semaphore(%run_scoped3A : memref<!tpu.dma_semaphore, #tpu.memory_space<semaphore_mem>>)
        %dma_wait3A_175 = arith.constant 0 : i32
        %dma_wait3A_176 = arith.constant 0 : i32
        %dma_wait3A_177 = tpu.memref_slice %arg6[%arg0, %dma_wait3A_175, %dma_wait3A_176] : memref<2x10000x128xf32, #tpu.memory_space<hbm>> -> memref<1x10000x128xf32, #tpu.memory_space<hbm>>
        %dma_wait3A_178 = tpu.memref_squeeze %dma_wait3A_177 : memref<1x10000x128xf32, #tpu.memory_space<hbm>> -> memref<10000x128xf32, #tpu.memory_space<hbm>>
        %dma_wait3A_179 = arith.constant 0 : i32
        %dma_wait3A_180 = tpu.memref_slice %dma_wait3A_178[%mul3A_166, %dma_wait3A_179] : memref<10000x128xf32, #tpu.memory_space<hbm>> -> memref<632x128xf32, #tpu.memory_space<hbm>>
        %dma_wait3A_181 = arith.constant 0 : i32
        %dma_wait3A_182 = tpu.memref_slice %arg11[%mul3A_164, %dma_wait3A_181] : memref<10128x128xf32, #tpu.memory_space<vmem_shared>> -> memref<632x128xf32, #tpu.memory_space<vmem_shared>>
        tpu.wait_dma2 semaphore(%run_scoped3A : memref<!tpu.dma_semaphore, #tpu.memory_space<semaphore_mem>>) src(%dma_wait3A_182 : memref<632x128xf32, #tpu.memory_space<vmem_shared>>) dst(%dma_wait3A_180 : memref<632x128xf32, #tpu.memory_space<hbm>>)
        tpu.yield
      }) : () -> ()
    } else {
    }
    %eq3A_158 = arith.constant 15 : i32
    %eq3A_159 = arith.cmpi eq, %arg1, %eq3A_158 : i32
    %convert_element_type3A_160 = arith.extui %eq3A_159 : i1 to i32
    %cond3A_161 = arith.constant 0 : i32
    %cond3A_162 = arith.cmpi ne, %convert_element_type3A_160, %cond3A_161 : i32
    scf.if %cond3A_162 {
      "tpu.region"() ({
        %run_scoped3A = tpu.sem_alloc : memref<!tpu.dma_semaphore, #tpu.memory_space<semaphore_mem>>
        %dma_start3A_163 = arith.constant 0 : i32
        %dma_start3A_164 = arith.constant 0 : i32
        %dma_start3A_165 = tpu.memref_slice %arg6[%arg0, %dma_start3A_163, %dma_start3A_164] : memref<2x10000x128xf32, #tpu.memory_space<hbm>> -> memref<1x10000x128xf32, #tpu.memory_space<hbm>>
        %dma_start3A_166 = tpu.memref_squeeze %dma_start3A_165 : memref<1x10000x128xf32, #tpu.memory_space<hbm>> -> memref<10000x128xf32, #tpu.memory_space<hbm>>
        %dma_start3A_167 = arith.constant 9480 : i32
        %dma_start3A_168 = arith.constant 0 : i32
        %dma_start3A_169 = tpu.memref_slice %dma_start3A_166[%dma_start3A_167, %dma_start3A_168] : memref<10000x128xf32, #tpu.memory_space<hbm>> -> memref<520x128xf32, #tpu.memory_space<hbm>>
        %dma_start3A_170 = arith.constant 9480 : i32
        %dma_start3A_171 = arith.constant 0 : i32
        %dma_start3A_172 = tpu.memref_slice %arg11[%dma_start3A_170, %dma_start3A_171] : memref<10128x128xf32, #tpu.memory_space<vmem_shared>> -> memref<520x128xf32, #tpu.memory_space<vmem_shared>>
        tpu.enqueue_dma source(%dma_start3A_172 : memref<520x128xf32, #tpu.memory_space<vmem_shared>>) target(%dma_start3A_169 : memref<520x128xf32, #tpu.memory_space<hbm>>) target_semaphore(%run_scoped3A : memref<!tpu.dma_semaphore, #tpu.memory_space<semaphore_mem>>)
        %dma_wait3A_173 = arith.constant 0 : i32
        %dma_wait3A_174 = arith.constant 0 : i32
        %dma_wait3A_175 = tpu.memref_slice %arg6[%arg0, %dma_wait3A_173, %dma_wait3A_174] : memref<2x10000x128xf32, #tpu.memory_space<hbm>> -> memref<1x10000x128xf32, #tpu.memory_space<hbm>>
        %dma_wait3A_176 = tpu.memref_squeeze %dma_wait3A_175 : memref<1x10000x128xf32, #tpu.memory_space<hbm>> -> memref<10000x128xf32, #tpu.memory_space<hbm>>
        %dma_wait3A_177 = arith.constant 9480 : i32
        %dma_wait3A_178 = arith.constant 0 : i32
        %dma_wait3A_179 = tpu.memref_slice %dma_wait3A_176[%dma_wait3A_177, %dma_wait3A_178] : memref<10000x128xf32, #tpu.memory_space<hbm>> -> memref<520x128xf32, #tpu.memory_space<hbm>>
        %dma_wait3A_180 = arith.constant 9480 : i32
        %dma_wait3A_181 = arith.constant 0 : i32
        %dma_wait3A_182 = tpu.memref_slice %arg11[%dma_wait3A_180, %dma_wait3A_181] : memref<10128x128xf32, #tpu.memory_space<vmem_shared>> -> memref<520x128xf32, #tpu.memory_space<vmem_shared>>
        tpu.wait_dma2 semaphore(%run_scoped3A : memref<!tpu.dma_semaphore, #tpu.memory_space<semaphore_mem>>) src(%dma_wait3A_182 : memref<520x128xf32, #tpu.memory_space<vmem_shared>>) dst(%dma_wait3A_179 : memref<520x128xf32, #tpu.memory_space<hbm>>)
        tpu.yield
      }) : () -> ()
    } else {
    }
    return
  }
}

#map = affine_map<(d0, d1) -> (0, 0)>
#map1 = affine_map<(d0, d1) -> (0, 0, 0)>
module attributes {stable_mosaic.version = 14 : i64} {
  func.func @spmm(%arg0: i32, %arg1: i32, %arg2: memref<2560x128xi32, #tpu.memory_space<hbm>>, %arg3: memref<2560x128xi32, #tpu.memory_space<hbm>>, %arg4: memref<10000x128xf32, #tpu.memory_space<hbm>>, %arg5: memref<632x128xf32, #tpu.memory_space<hbm>>, %arg6: memref<2x10000x128xf32, #tpu.memory_space<hbm>>, %arg7: memref<40x128xi32, #tpu.memory_space<vmem>>, %arg8: memref<40x128xi32, #tpu.memory_space<vmem>>, %arg9: memref<128x128xf32, #tpu.memory_space<vmem>>, %arg10: memref<128x128xf32, #tpu.memory_space<vmem>>, %arg11: memref<10128x128xf32, #tpu.memory_space<vmem_shared>>, %arg12: memref<!tpu.dma_semaphore, #tpu.memory_space<semaphore_mem>>, %arg13: memref<!tpu.dma_semaphore, #tpu.memory_space<semaphore_mem>>, %arg14: memref<!tpu.dma_semaphore, #tpu.memory_space<semaphore_mem>>, %arg15: memref<!tpu.dma_semaphore, #tpu.memory_space<semaphore_mem>>) attributes {dimension_semantics = [#tpu.dimension_semantics<core_parallel>, #tpu.dimension_semantics<subcore_parallel>], iteration_bounds = array<i64: 2, 16>, scalar_prefetch = 0 : i64, scratch_operands = 9 : i64, tpu.core_type = #tpu.core_type<sc_vector_subcore>, window_params = [{transform_indices = #map}, {transform_indices = #map}, {transform_indices = #map}, {transform_indices = #map}, {transform_indices = #map1}]} {
    %mul3A = arith.constant 16 : i32
    %mul3A_0 = arith.muli %arg0, %mul3A : i32
    %add3A = arith.addi %mul3A_0, %arg1 : i32
    %lt3A = arith.constant 15 : i32
    %lt3A_1 = arith.cmpi slt, %arg1, %lt3A : i32
    %convert_element_type3A = arith.extui %lt3A_1 : i1 to i32
    %cond3A = arith.constant 0 : i32
    %cond3A_2 = arith.cmpi ne, %convert_element_type3A, %cond3A : i32
    scf.if %cond3A_2 {
      %mul3A_163 = arith.constant 632 : i32
      %mul3A_164 = arith.muli %arg1, %mul3A_163 : i32
      "tpu.region"() ({
        %run_scoped3A = tpu.sem_alloc : memref<!tpu.dma_semaphore, #tpu.memory_space<semaphore_mem>>
        %dma_start3A_165 = arith.constant 0 : i32
        %dma_start3A_166 = tpu.memref_slice %arg11[%mul3A_164, %dma_start3A_165] : memref<10128x128xf32, #tpu.memory_space<vmem_shared>> -> memref<632x128xf32, #tpu.memory_space<vmem_shared>>
        %dma_start3A_167 = arith.constant 0 : i32
        %dma_start3A_168 = arith.constant 0 : i32
        %dma_start3A_169 = tpu.memref_slice %arg5[%dma_start3A_167, %dma_start3A_168] : memref<632x128xf32, #tpu.memory_space<hbm>> -> memref<632x128xf32, #tpu.memory_space<hbm>>
        tpu.enqueue_dma source(%dma_start3A_169 : memref<632x128xf32, #tpu.memory_space<hbm>>) target(%dma_start3A_166 : memref<632x128xf32, #tpu.memory_space<vmem_shared>>) target_semaphore(%run_scoped3A : memref<!tpu.dma_semaphore, #tpu.memory_space<semaphore_mem>>)
        %dma_wait3A_170 = arith.constant 0 : i32
        %dma_wait3A_171 = tpu.memref_slice %arg11[%mul3A_164, %dma_wait3A_170] : memref<10128x128xf32, #tpu.memory_space<vmem_shared>> -> memref<632x128xf32, #tpu.memory_space<vmem_shared>>
        %dma_wait3A_172 = arith.constant 0 : i32
        %dma_wait3A_173 = arith.constant 0 : i32
        %dma_wait3A_174 = tpu.memref_slice %arg5[%dma_wait3A_172, %dma_wait3A_173] : memref<632x128xf32, #tpu.memory_space<hbm>> -> memref<632x128xf32, #tpu.memory_space<hbm>>
        tpu.wait_dma2 semaphore(%run_scoped3A : memref<!tpu.dma_semaphore, #tpu.memory_space<semaphore_mem>>) src(%dma_wait3A_174 : memref<632x128xf32, #tpu.memory_space<hbm>>) dst(%dma_wait3A_171 : memref<632x128xf32, #tpu.memory_space<vmem_shared>>)
        tpu.yield
      }) : () -> ()
    } else {
    }
    %eq3A = arith.constant 15 : i32
    %eq3A_3 = arith.cmpi eq, %arg1, %eq3A : i32
    %convert_element_type3A_4 = arith.extui %eq3A_3 : i1 to i32
    %cond3A_5 = arith.constant 0 : i32
    %cond3A_6 = arith.cmpi ne, %convert_element_type3A_4, %cond3A_5 : i32
    scf.if %cond3A_6 {
      "tpu.region"() ({
        %run_scoped3A = tpu.sem_alloc : memref<!tpu.dma_semaphore, #tpu.memory_space<semaphore_mem>>
        %dma_start3A_163 = arith.constant 9480 : i32
        %dma_start3A_164 = arith.constant 0 : i32
        %dma_start3A_165 = tpu.memref_slice %arg11[%dma_start3A_163, %dma_start3A_164] : memref<10128x128xf32, #tpu.memory_space<vmem_shared>> -> memref<520x128xf32, #tpu.memory_space<vmem_shared>>
        %dma_start3A_166 = arith.constant 0 : i32
        %dma_start3A_167 = arith.constant 0 : i32
        %dma_start3A_168 = tpu.memref_slice %arg5[%dma_start3A_166, %dma_start3A_167] : memref<632x128xf32, #tpu.memory_space<hbm>> -> memref<520x128xf32, #tpu.memory_space<hbm>>
        tpu.enqueue_dma source(%dma_start3A_168 : memref<520x128xf32, #tpu.memory_space<hbm>>) target(%dma_start3A_165 : memref<520x128xf32, #tpu.memory_space<vmem_shared>>) target_semaphore(%run_scoped3A : memref<!tpu.dma_semaphore, #tpu.memory_space<semaphore_mem>>)
        %dma_wait3A_169 = arith.constant 9480 : i32
        %dma_wait3A_170 = arith.constant 0 : i32
        %dma_wait3A_171 = tpu.memref_slice %arg11[%dma_wait3A_169, %dma_wait3A_170] : memref<10128x128xf32, #tpu.memory_space<vmem_shared>> -> memref<520x128xf32, #tpu.memory_space<vmem_shared>>
        %dma_wait3A_172 = arith.constant 0 : i32
        %dma_wait3A_173 = arith.constant 0 : i32
        %dma_wait3A_174 = tpu.memref_slice %arg5[%dma_wait3A_172, %dma_wait3A_173] : memref<632x128xf32, #tpu.memory_space<hbm>> -> memref<520x128xf32, #tpu.memory_space<hbm>>
        tpu.wait_dma2 semaphore(%run_scoped3A : memref<!tpu.dma_semaphore, #tpu.memory_space<semaphore_mem>>) src(%dma_wait3A_174 : memref<520x128xf32, #tpu.memory_space<hbm>>) dst(%dma_wait3A_171 : memref<520x128xf32, #tpu.memory_space<vmem_shared>>)
        tpu.yield
      }) : () -> ()
    } else {
    }
    %barrier3A = arith.constant 0 : index
    tpu.barrier barrier_id(%barrier3A)
    %mul3A_7 = arith.constant 2 : i32
    %mul3A_8 = arith.muli %add3A, %mul3A_7 : i32
    %add3A_9 = arith.constant 0 : i32
    %add3A_10 = arith.addi %mul3A_8, %add3A_9 : i32
    %mul3A_11 = arith.constant 40 : i32
    %mul3A_12 = arith.muli %add3A_10, %mul3A_11 : i32
    "tpu.region"() ({
      %run_scoped3A = tpu.sem_alloc : memref<!tpu.dma_semaphore, #tpu.memory_space<semaphore_mem>>
      %dma_start3A_163 = arith.constant 0 : i32
      %dma_start3A_164 = tpu.memref_slice %arg2[%mul3A_12, %dma_start3A_163] : memref<2560x128xi32, #tpu.memory_space<hbm>> -> memref<40x128xi32, #tpu.memory_space<hbm>>
      %dma_start3A_165 = arith.constant 0 : i32
      %dma_start3A_166 = tpu.memref_slice %arg2[%mul3A_12, %dma_start3A_165] : memref<2560x128xi32, #tpu.memory_space<hbm>> -> memref<40x128xi32, #tpu.memory_space<hbm>>
      tpu.enqueue_dma source(%dma_start3A_166 : memref<40x128xi32, #tpu.memory_space<hbm>>) target(%arg7 : memref<40x128xi32, #tpu.memory_space<vmem>>) target_semaphore(%run_scoped3A : memref<!tpu.dma_semaphore, #tpu.memory_space<semaphore_mem>>)
      %dma_wait3A_167 = arith.constant 0 : i32
      %dma_wait3A_168 = tpu.memref_slice %arg2[%mul3A_12, %dma_wait3A_167] : memref<2560x128xi32, #tpu.memory_space<hbm>> -> memref<40x128xi32, #tpu.memory_space<hbm>>
      %dma_wait3A_169 = arith.constant 0 : i32
      %dma_wait3A_170 = tpu.memref_slice %arg2[%mul3A_12, %dma_wait3A_169] : memref<2560x128xi32, #tpu.memory_space<hbm>> -> memref<40x128xi32, #tpu.memory_space<hbm>>
      tpu.wait_dma2 semaphore(%run_scoped3A : memref<!tpu.dma_semaphore, #tpu.memory_space<semaphore_mem>>) src(%dma_wait3A_170 : memref<40x128xi32, #tpu.memory_space<hbm>>) dst(%arg7 : memref<40x128xi32, #tpu.memory_space<vmem>>)
      tpu.yield
    }) : () -> ()
    %mul3A_13 = arith.constant 2 : i32
    %mul3A_14 = arith.muli %add3A, %mul3A_13 : i32
    %add3A_15 = arith.constant 0 : i32
    %add3A_16 = arith.addi %mul3A_14, %add3A_15 : i32
    %mul3A_17 = arith.constant 40 : i32
    %mul3A_18 = arith.muli %add3A_16, %mul3A_17 : i32
    "tpu.region"() ({
      %run_scoped3A = tpu.sem_alloc : memref<!tpu.dma_semaphore, #tpu.memory_space<semaphore_mem>>
      %dma_start3A_163 = arith.constant 0 : i32
      %dma_start3A_164 = tpu.memref_slice %arg3[%mul3A_18, %dma_start3A_163] : memref<2560x128xi32, #tpu.memory_space<hbm>> -> memref<40x128xi32, #tpu.memory_space<hbm>>
      %dma_start3A_165 = arith.constant 0 : i32
      %dma_start3A_166 = tpu.memref_slice %arg3[%mul3A_18, %dma_start3A_165] : memref<2560x128xi32, #tpu.memory_space<hbm>> -> memref<40x128xi32, #tpu.memory_space<hbm>>
      tpu.enqueue_dma source(%dma_start3A_166 : memref<40x128xi32, #tpu.memory_space<hbm>>) target(%arg8 : memref<40x128xi32, #tpu.memory_space<vmem>>) target_semaphore(%run_scoped3A : memref<!tpu.dma_semaphore, #tpu.memory_space<semaphore_mem>>)
      %dma_wait3A_167 = arith.constant 0 : i32
      %dma_wait3A_168 = tpu.memref_slice %arg3[%mul3A_18, %dma_wait3A_167] : memref<2560x128xi32, #tpu.memory_space<hbm>> -> memref<40x128xi32, #tpu.memory_space<hbm>>
      %dma_wait3A_169 = arith.constant 0 : i32
      %dma_wait3A_170 = tpu.memref_slice %arg3[%mul3A_18, %dma_wait3A_169] : memref<2560x128xi32, #tpu.memory_space<hbm>> -> memref<40x128xi32, #tpu.memory_space<hbm>>
      tpu.wait_dma2 semaphore(%run_scoped3A : memref<!tpu.dma_semaphore, #tpu.memory_space<semaphore_mem>>) src(%dma_wait3A_170 : memref<40x128xi32, #tpu.memory_space<hbm>>) dst(%arg8 : memref<40x128xi32, #tpu.memory_space<vmem>>)
      tpu.yield
    }) : () -> ()
    %dma_start3A = arith.constant 0 : i32
    %dma_start3A_19 = arith.constant 0 : i32
    %dma_start3A_20 = tpu.memref_slice %arg7[%dma_start3A, %dma_start3A_19] : memref<40x128xi32, #tpu.memory_space<vmem>> -> memref<1x128xi32, #tpu.memory_space<vmem>>
    %dma_start3A_21 = tpu.memref_squeeze %dma_start3A_20 : memref<1x128xi32, #tpu.memory_space<vmem>> -> memref<128xi32, #tpu.memory_space<vmem>>
    %dma_start3A_22 = arith.constant 0 : i32
    %dma_start3A_23 = arith.constant 0 : i32
    %dma_start3A_24 = tpu.memref_slice %arg4[%dma_start3A_22, %dma_start3A_23] : memref<10000x128xf32, #tpu.memory_space<hbm>> -> memref<10000x128xf32, #tpu.memory_space<hbm>>
    tpu.enqueue_indirect_dma source(%dma_start3A_24 : memref<10000x128xf32, #tpu.memory_space<hbm>>) target(%arg9 : memref<128x128xf32, #tpu.memory_space<vmem>>) offsets(%dma_start3A_21 : memref<128xi32, #tpu.memory_space<vmem>>) semaphore(%arg12 : memref<!tpu.dma_semaphore, #tpu.memory_space<semaphore_mem>>)
    %dma_start3A_25 = arith.constant 1 : i32
    %dma_start3A_26 = arith.constant 0 : i32
    %dma_start3A_27 = tpu.memref_slice %arg7[%dma_start3A_25, %dma_start3A_26] : memref<40x128xi32, #tpu.memory_space<vmem>> -> memref<1x128xi32, #tpu.memory_space<vmem>>
    %dma_start3A_28 = tpu.memref_squeeze %dma_start3A_27 : memref<1x128xi32, #tpu.memory_space<vmem>> -> memref<128xi32, #tpu.memory_space<vmem>>
    %dma_start3A_29 = arith.constant 0 : i32
    %dma_start3A_30 = arith.constant 0 : i32
    %dma_start3A_31 = tpu.memref_slice %arg4[%dma_start3A_29, %dma_start3A_30] : memref<10000x128xf32, #tpu.memory_space<hbm>> -> memref<10000x128xf32, #tpu.memory_space<hbm>>
    tpu.enqueue_indirect_dma source(%dma_start3A_31 : memref<10000x128xf32, #tpu.memory_space<hbm>>) target(%arg10 : memref<128x128xf32, #tpu.memory_space<vmem>>) offsets(%dma_start3A_28 : memref<128xi32, #tpu.memory_space<vmem>>) semaphore(%arg13 : memref<!tpu.dma_semaphore, #tpu.memory_space<semaphore_mem>>)
    %dma_wait3A = arith.constant 0 : i32
    %dma_wait3A_32 = arith.constant 0 : i32
    %dma_wait3A_33 = tpu.memref_slice %arg7[%dma_wait3A, %dma_wait3A_32] : memref<40x128xi32, #tpu.memory_space<vmem>> -> memref<1x128xi32, #tpu.memory_space<vmem>>
    %dma_wait3A_34 = tpu.memref_squeeze %dma_wait3A_33 : memref<1x128xi32, #tpu.memory_space<vmem>> -> memref<128xi32, #tpu.memory_space<vmem>>
    %dma_wait3A_35 = arith.constant 0 : i32
    %dma_wait3A_36 = arith.constant 0 : i32
    %dma_wait3A_37 = tpu.memref_slice %arg4[%dma_wait3A_35, %dma_wait3A_36] : memref<10000x128xf32, #tpu.memory_space<hbm>> -> memref<10000x128xf32, #tpu.memory_space<hbm>>
    tpu.wait_indirect_dma semaphore(%arg12 : memref<!tpu.dma_semaphore, #tpu.memory_space<semaphore_mem>>) src(%dma_wait3A_37 : memref<10000x128xf32, #tpu.memory_space<hbm>>) dst(%arg9 : memref<128x128xf32, #tpu.memory_space<vmem>>)
    %dma_start3A_38 = arith.constant 0 : i32
    %dma_start3A_39 = arith.constant 0 : i32
    %dma_start3A_40 = tpu.memref_slice %arg8[%dma_start3A_38, %dma_start3A_39] : memref<40x128xi32, #tpu.memory_space<vmem>> -> memref<1x128xi32, #tpu.memory_space<vmem>>
    %dma_start3A_41 = tpu.memref_squeeze %dma_start3A_40 : memref<1x128xi32, #tpu.memory_space<vmem>> -> memref<128xi32, #tpu.memory_space<vmem>>
    %dma_start3A_42 = arith.constant 0 : i32
    %dma_start3A_43 = arith.constant 0 : i32
    %dma_start3A_44 = tpu.memref_slice %arg11[%dma_start3A_42, %dma_start3A_43] : memref<10128x128xf32, #tpu.memory_space<vmem_shared>> -> memref<10128x128xf32, #tpu.memory_space<vmem_shared>>
    tpu.enqueue_indirect_dma source(%arg9 : memref<128x128xf32, #tpu.memory_space<vmem>>) target(%dma_start3A_44 : memref<10128x128xf32, #tpu.memory_space<vmem_shared>>) offsets(%dma_start3A_41 : memref<128xi32, #tpu.memory_space<vmem>>) semaphore(%arg14 : memref<!tpu.dma_semaphore, #tpu.memory_space<semaphore_mem>>) {add = true}
    %scan3A = arith.constant 0 : i32
    %scan3A_45 = arith.constant 0 : i32
    %scan3A_46 = arith.constant 19 : i32
    %scan3A_47 = arith.addi %scan3A_45, %scan3A_46 : i32
    %scan3A_48 = arith.constant 1 : i32
    scf.for %scan3A_163 = %scan3A_45 to %scan3A_47 step %scan3A_48  : i32 {
      %mul3A_164 = arith.constant 2 : i32
      %mul3A_165 = arith.muli %mul3A_164, %scan3A_163 : i32
      %add3A_166 = arith.constant 1 : i32
      %add3A_167 = arith.addi %mul3A_165, %add3A_166 : i32
      %add3A_168 = arith.constant 0 : i32
      %add3A_169 = arith.addi %add3A_167, %add3A_168 : i32
      %sub3A = arith.constant 1 : i32
      %sub3A_170 = arith.subi %add3A_169, %sub3A : i32
      %dma_wait3A_171 = arith.constant 0 : i32
      %dma_wait3A_172 = tpu.memref_slice %arg8[%sub3A_170, %dma_wait3A_171] : memref<40x128xi32, #tpu.memory_space<vmem>> -> memref<1x128xi32, #tpu.memory_space<vmem>>
      %dma_wait3A_173 = tpu.memref_squeeze %dma_wait3A_172 : memref<1x128xi32, #tpu.memory_space<vmem>> -> memref<128xi32, #tpu.memory_space<vmem>>
      %dma_wait3A_174 = arith.constant 0 : i32
      %dma_wait3A_175 = arith.constant 0 : i32
      %dma_wait3A_176 = tpu.memref_slice %arg11[%dma_wait3A_174, %dma_wait3A_175] : memref<10128x128xf32, #tpu.memory_space<vmem_shared>> -> memref<10128x128xf32, #tpu.memory_space<vmem_shared>>
      tpu.wait_indirect_dma semaphore(%arg14 : memref<!tpu.dma_semaphore, #tpu.memory_space<semaphore_mem>>) src(%arg9 : memref<128x128xf32, #tpu.memory_space<vmem>>) dst(%dma_wait3A_176 : memref<10128x128xf32, #tpu.memory_space<vmem_shared>>)
      %add3A_177 = arith.constant 1 : i32
      %add3A_178 = arith.addi %add3A_169, %add3A_177 : i32
      %dma_start3A_179 = arith.constant 0 : i32
      %dma_start3A_180 = tpu.memref_slice %arg7[%add3A_178, %dma_start3A_179] : memref<40x128xi32, #tpu.memory_space<vmem>> -> memref<1x128xi32, #tpu.memory_space<vmem>>
      %dma_start3A_181 = tpu.memref_squeeze %dma_start3A_180 : memref<1x128xi32, #tpu.memory_space<vmem>> -> memref<128xi32, #tpu.memory_space<vmem>>
      %dma_start3A_182 = arith.constant 0 : i32
      %dma_start3A_183 = arith.constant 0 : i32
      %dma_start3A_184 = tpu.memref_slice %arg4[%dma_start3A_182, %dma_start3A_183] : memref<10000x128xf32, #tpu.memory_space<hbm>> -> memref<10000x128xf32, #tpu.memory_space<hbm>>
      tpu.enqueue_indirect_dma source(%dma_start3A_184 : memref<10000x128xf32, #tpu.memory_space<hbm>>) target(%arg9 : memref<128x128xf32, #tpu.memory_space<vmem>>) offsets(%dma_start3A_181 : memref<128xi32, #tpu.memory_space<vmem>>) semaphore(%arg12 : memref<!tpu.dma_semaphore, #tpu.memory_space<semaphore_mem>>)
      %dma_wait3A_185 = arith.constant 0 : i32
      %dma_wait3A_186 = tpu.memref_slice %arg7[%add3A_169, %dma_wait3A_185] : memref<40x128xi32, #tpu.memory_space<vmem>> -> memref<1x128xi32, #tpu.memory_space<vmem>>
      %dma_wait3A_187 = tpu.memref_squeeze %dma_wait3A_186 : memref<1x128xi32, #tpu.memory_space<vmem>> -> memref<128xi32, #tpu.memory_space<vmem>>
      %dma_wait3A_188 = arith.constant 0 : i32
      %dma_wait3A_189 = arith.constant 0 : i32
      %dma_wait3A_190 = tpu.memref_slice %arg4[%dma_wait3A_188, %dma_wait3A_189] : memref<10000x128xf32, #tpu.memory_space<hbm>> -> memref<10000x128xf32, #tpu.memory_space<hbm>>
      tpu.wait_indirect_dma semaphore(%arg13 : memref<!tpu.dma_semaphore, #tpu.memory_space<semaphore_mem>>) src(%dma_wait3A_190 : memref<10000x128xf32, #tpu.memory_space<hbm>>) dst(%arg10 : memref<128x128xf32, #tpu.memory_space<vmem>>)
      %dma_start3A_191 = arith.constant 0 : i32
      %dma_start3A_192 = tpu.memref_slice %arg8[%add3A_169, %dma_start3A_191] : memref<40x128xi32, #tpu.memory_space<vmem>> -> memref<1x128xi32, #tpu.memory_space<vmem>>
      %dma_start3A_193 = tpu.memref_squeeze %dma_start3A_192 : memref<1x128xi32, #tpu.memory_space<vmem>> -> memref<128xi32, #tpu.memory_space<vmem>>
      %dma_start3A_194 = arith.constant 0 : i32
      %dma_start3A_195 = arith.constant 0 : i32
      %dma_start3A_196 = tpu.memref_slice %arg11[%dma_start3A_194, %dma_start3A_195] : memref<10128x128xf32, #tpu.memory_space<vmem_shared>> -> memref<10128x128xf32, #tpu.memory_space<vmem_shared>>
      tpu.enqueue_indirect_dma source(%arg10 : memref<128x128xf32, #tpu.memory_space<vmem>>) target(%dma_start3A_196 : memref<10128x128xf32, #tpu.memory_space<vmem_shared>>) offsets(%dma_start3A_193 : memref<128xi32, #tpu.memory_space<vmem>>) semaphore(%arg15 : memref<!tpu.dma_semaphore, #tpu.memory_space<semaphore_mem>>) {add = true}
      %mul3A_197 = arith.constant 2 : i32
      %mul3A_198 = arith.muli %mul3A_197, %scan3A_163 : i32
      %add3A_199 = arith.constant 1 : i32
      %add3A_200 = arith.addi %mul3A_198, %add3A_199 : i32
      %add3A_201 = arith.constant 1 : i32
      %add3A_202 = arith.addi %add3A_200, %add3A_201 : i32
      %sub3A_203 = arith.constant 1 : i32
      %sub3A_204 = arith.subi %add3A_202, %sub3A_203 : i32
      %dma_wait3A_205 = arith.constant 0 : i32
      %dma_wait3A_206 = tpu.memref_slice %arg8[%sub3A_204, %dma_wait3A_205] : memref<40x128xi32, #tpu.memory_space<vmem>> -> memref<1x128xi32, #tpu.memory_space<vmem>>
      %dma_wait3A_207 = tpu.memref_squeeze %dma_wait3A_206 : memref<1x128xi32, #tpu.memory_space<vmem>> -> memref<128xi32, #tpu.memory_space<vmem>>
      %dma_wait3A_208 = arith.constant 0 : i32
      %dma_wait3A_209 = arith.constant 0 : i32
      %dma_wait3A_210 = tpu.memref_slice %arg11[%dma_wait3A_208, %dma_wait3A_209] : memref<10128x128xf32, #tpu.memory_space<vmem_shared>> -> memref<10128x128xf32, #tpu.memory_space<vmem_shared>>
      tpu.wait_indirect_dma semaphore(%arg15 : memref<!tpu.dma_semaphore, #tpu.memory_space<semaphore_mem>>) src(%arg10 : memref<128x128xf32, #tpu.memory_space<vmem>>) dst(%dma_wait3A_210 : memref<10128x128xf32, #tpu.memory_space<vmem_shared>>)
      %add3A_211 = arith.constant 1 : i32
      %add3A_212 = arith.addi %add3A_202, %add3A_211 : i32
      %dma_start3A_213 = arith.constant 0 : i32
      %dma_start3A_214 = tpu.memref_slice %arg7[%add3A_212, %dma_start3A_213] : memref<40x128xi32, #tpu.memory_space<vmem>> -> memref<1x128xi32, #tpu.memory_space<vmem>>
      %dma_start3A_215 = tpu.memref_squeeze %dma_start3A_214 : memref<1x128xi32, #tpu.memory_space<vmem>> -> memref<128xi32, #tpu.memory_space<vmem>>
      %dma_start3A_216 = arith.constant 0 : i32
      %dma_start3A_217 = arith.constant 0 : i32
      %dma_start3A_218 = tpu.memref_slice %arg4[%dma_start3A_216, %dma_start3A_217] : memref<10000x128xf32, #tpu.memory_space<hbm>> -> memref<10000x128xf32, #tpu.memory_space<hbm>>
      tpu.enqueue_indirect_dma source(%dma_start3A_218 : memref<10000x128xf32, #tpu.memory_space<hbm>>) target(%arg10 : memref<128x128xf32, #tpu.memory_space<vmem>>) offsets(%dma_start3A_215 : memref<128xi32, #tpu.memory_space<vmem>>) semaphore(%arg13 : memref<!tpu.dma_semaphore, #tpu.memory_space<semaphore_mem>>)
      %dma_wait3A_219 = arith.constant 0 : i32
      %dma_wait3A_220 = tpu.memref_slice %arg7[%add3A_202, %dma_wait3A_219] : memref<40x128xi32, #tpu.memory_space<vmem>> -> memref<1x128xi32, #tpu.memory_space<vmem>>
      %dma_wait3A_221 = tpu.memref_squeeze %dma_wait3A_220 : memref<1x128xi32, #tpu.memory_space<vmem>> -> memref<128xi32, #tpu.memory_space<vmem>>
      %dma_wait3A_222 = arith.constant 0 : i32
      %dma_wait3A_223 = arith.constant 0 : i32
      %dma_wait3A_224 = tpu.memref_slice %arg4[%dma_wait3A_222, %dma_wait3A_223] : memref<10000x128xf32, #tpu.memory_space<hbm>> -> memref<10000x128xf32, #tpu.memory_space<hbm>>
      tpu.wait_indirect_dma semaphore(%arg12 : memref<!tpu.dma_semaphore, #tpu.memory_space<semaphore_mem>>) src(%dma_wait3A_224 : memref<10000x128xf32, #tpu.memory_space<hbm>>) dst(%arg9 : memref<128x128xf32, #tpu.memory_space<vmem>>)
      %dma_start3A_225 = arith.constant 0 : i32
      %dma_start3A_226 = tpu.memref_slice %arg8[%add3A_202, %dma_start3A_225] : memref<40x128xi32, #tpu.memory_space<vmem>> -> memref<1x128xi32, #tpu.memory_space<vmem>>
      %dma_start3A_227 = tpu.memref_squeeze %dma_start3A_226 : memref<1x128xi32, #tpu.memory_space<vmem>> -> memref<128xi32, #tpu.memory_space<vmem>>
      %dma_start3A_228 = arith.constant 0 : i32
      %dma_start3A_229 = arith.constant 0 : i32
      %dma_start3A_230 = tpu.memref_slice %arg11[%dma_start3A_228, %dma_start3A_229] : memref<10128x128xf32, #tpu.memory_space<vmem_shared>> -> memref<10128x128xf32, #tpu.memory_space<vmem_shared>>
      tpu.enqueue_indirect_dma source(%arg9 : memref<128x128xf32, #tpu.memory_space<vmem>>) target(%dma_start3A_230 : memref<10128x128xf32, #tpu.memory_space<vmem_shared>>) offsets(%dma_start3A_227 : memref<128xi32, #tpu.memory_space<vmem>>) semaphore(%arg14 : memref<!tpu.dma_semaphore, #tpu.memory_space<semaphore_mem>>) {add = true}
    }
    %scan3A_49 = arith.constant 19 : i32
    %dma_wait3A_50 = arith.constant 38 : i32
    %dma_wait3A_51 = arith.constant 0 : i32
    %dma_wait3A_52 = tpu.memref_slice %arg8[%dma_wait3A_50, %dma_wait3A_51] : memref<40x128xi32, #tpu.memory_space<vmem>> -> memref<1x128xi32, #tpu.memory_space<vmem>>
    %dma_wait3A_53 = tpu.memref_squeeze %dma_wait3A_52 : memref<1x128xi32, #tpu.memory_space<vmem>> -> memref<128xi32, #tpu.memory_space<vmem>>
    %dma_wait3A_54 = arith.constant 0 : i32
    %dma_wait3A_55 = arith.constant 0 : i32
    %dma_wait3A_56 = tpu.memref_slice %arg11[%dma_wait3A_54, %dma_wait3A_55] : memref<10128x128xf32, #tpu.memory_space<vmem_shared>> -> memref<10128x128xf32, #tpu.memory_space<vmem_shared>>
    tpu.wait_indirect_dma semaphore(%arg14 : memref<!tpu.dma_semaphore, #tpu.memory_space<semaphore_mem>>) src(%arg9 : memref<128x128xf32, #tpu.memory_space<vmem>>) dst(%dma_wait3A_56 : memref<10128x128xf32, #tpu.memory_space<vmem_shared>>)
    %dma_wait3A_57 = arith.constant 39 : i32
    %dma_wait3A_58 = arith.constant 0 : i32
    %dma_wait3A_59 = tpu.memref_slice %arg7[%dma_wait3A_57, %dma_wait3A_58] : memref<40x128xi32, #tpu.memory_space<vmem>> -> memref<1x128xi32, #tpu.memory_space<vmem>>
    %dma_wait3A_60 = tpu.memref_squeeze %dma_wait3A_59 : memref<1x128xi32, #tpu.memory_space<vmem>> -> memref<128xi32, #tpu.memory_space<vmem>>
    %dma_wait3A_61 = arith.constant 0 : i32
    %dma_wait3A_62 = arith.constant 0 : i32
    %dma_wait3A_63 = tpu.memref_slice %arg4[%dma_wait3A_61, %dma_wait3A_62] : memref<10000x128xf32, #tpu.memory_space<hbm>> -> memref<10000x128xf32, #tpu.memory_space<hbm>>
    tpu.wait_indirect_dma semaphore(%arg13 : memref<!tpu.dma_semaphore, #tpu.memory_space<semaphore_mem>>) src(%dma_wait3A_63 : memref<10000x128xf32, #tpu.memory_space<hbm>>) dst(%arg10 : memref<128x128xf32, #tpu.memory_space<vmem>>)
    %dma_start3A_64 = arith.constant 39 : i32
    %dma_start3A_65 = arith.constant 0 : i32
    %dma_start3A_66 = tpu.memref_slice %arg8[%dma_start3A_64, %dma_start3A_65] : memref<40x128xi32, #tpu.memory_space<vmem>> -> memref<1x128xi32, #tpu.memory_space<vmem>>
    %dma_start3A_67 = tpu.memref_squeeze %dma_start3A_66 : memref<1x128xi32, #tpu.memory_space<vmem>> -> memref<128xi32, #tpu.memory_space<vmem>>
    %dma_start3A_68 = arith.constant 0 : i32
    %dma_start3A_69 = arith.constant 0 : i32
    %dma_start3A_70 = tpu.memref_slice %arg11[%dma_start3A_68, %dma_start3A_69] : memref<10128x128xf32, #tpu.memory_space<vmem_shared>> -> memref<10128x128xf32, #tpu.memory_space<vmem_shared>>
    tpu.enqueue_indirect_dma source(%arg10 : memref<128x128xf32, #tpu.memory_space<vmem>>) target(%dma_start3A_70 : memref<10128x128xf32, #tpu.memory_space<vmem_shared>>) offsets(%dma_start3A_67 : memref<128xi32, #tpu.memory_space<vmem>>) semaphore(%arg15 : memref<!tpu.dma_semaphore, #tpu.memory_space<semaphore_mem>>) {add = true}
    %dma_wait3A_71 = arith.constant 39 : i32
    %dma_wait3A_72 = arith.constant 0 : i32
    %dma_wait3A_73 = tpu.memref_slice %arg8[%dma_wait3A_71, %dma_wait3A_72] : memref<40x128xi32, #tpu.memory_space<vmem>> -> memref<1x128xi32, #tpu.memory_space<vmem>>
    %dma_wait3A_74 = tpu.memref_squeeze %dma_wait3A_73 : memref<1x128xi32, #tpu.memory_space<vmem>> -> memref<128xi32, #tpu.memory_space<vmem>>
    %dma_wait3A_75 = arith.constant 0 : i32
    %dma_wait3A_76 = arith.constant 0 : i32
    %dma_wait3A_77 = tpu.memref_slice %arg11[%dma_wait3A_75, %dma_wait3A_76] : memref<10128x128xf32, #tpu.memory_space<vmem_shared>> -> memref<10128x128xf32, #tpu.memory_space<vmem_shared>>
    tpu.wait_indirect_dma semaphore(%arg15 : memref<!tpu.dma_semaphore, #tpu.memory_space<semaphore_mem>>) src(%arg10 : memref<128x128xf32, #tpu.memory_space<vmem>>) dst(%dma_wait3A_77 : memref<10128x128xf32, #tpu.memory_space<vmem_shared>>)
    %mul3A_78 = arith.constant 2 : i32
    %mul3A_79 = arith.muli %add3A, %mul3A_78 : i32
    %add3A_80 = arith.constant 1 : i32
    %add3A_81 = arith.addi %mul3A_79, %add3A_80 : i32
    %mul3A_82 = arith.constant 40 : i32
    %mul3A_83 = arith.muli %add3A_81, %mul3A_82 : i32
    "tpu.region"() ({
      %run_scoped3A = tpu.sem_alloc : memref<!tpu.dma_semaphore, #tpu.memory_space<semaphore_mem>>
      %dma_start3A_163 = arith.constant 0 : i32
      %dma_start3A_164 = tpu.memref_slice %arg2[%mul3A_83, %dma_start3A_163] : memref<2560x128xi32, #tpu.memory_space<hbm>> -> memref<40x128xi32, #tpu.memory_space<hbm>>
      %dma_start3A_165 = arith.constant 0 : i32
      %dma_start3A_166 = tpu.memref_slice %arg2[%mul3A_83, %dma_start3A_165] : memref<2560x128xi32, #tpu.memory_space<hbm>> -> memref<40x128xi32, #tpu.memory_space<hbm>>
      tpu.enqueue_dma source(%dma_start3A_166 : memref<40x128xi32, #tpu.memory_space<hbm>>) target(%arg7 : memref<40x128xi32, #tpu.memory_space<vmem>>) target_semaphore(%run_scoped3A : memref<!tpu.dma_semaphore, #tpu.memory_space<semaphore_mem>>)
      %dma_wait3A_167 = arith.constant 0 : i32
      %dma_wait3A_168 = tpu.memref_slice %arg2[%mul3A_83, %dma_wait3A_167] : memref<2560x128xi32, #tpu.memory_space<hbm>> -> memref<40x128xi32, #tpu.memory_space<hbm>>
      %dma_wait3A_169 = arith.constant 0 : i32
      %dma_wait3A_170 = tpu.memref_slice %arg2[%mul3A_83, %dma_wait3A_169] : memref<2560x128xi32, #tpu.memory_space<hbm>> -> memref<40x128xi32, #tpu.memory_space<hbm>>
      tpu.wait_dma2 semaphore(%run_scoped3A : memref<!tpu.dma_semaphore, #tpu.memory_space<semaphore_mem>>) src(%dma_wait3A_170 : memref<40x128xi32, #tpu.memory_space<hbm>>) dst(%arg7 : memref<40x128xi32, #tpu.memory_space<vmem>>)
      tpu.yield
    }) : () -> ()
    %mul3A_84 = arith.constant 2 : i32
    %mul3A_85 = arith.muli %add3A, %mul3A_84 : i32
    %add3A_86 = arith.constant 1 : i32
    %add3A_87 = arith.addi %mul3A_85, %add3A_86 : i32
    %mul3A_88 = arith.constant 40 : i32
    %mul3A_89 = arith.muli %add3A_87, %mul3A_88 : i32
    "tpu.region"() ({
      %run_scoped3A = tpu.sem_alloc : memref<!tpu.dma_semaphore, #tpu.memory_space<semaphore_mem>>
      %dma_start3A_163 = arith.constant 0 : i32
      %dma_start3A_164 = tpu.memref_slice %arg3[%mul3A_89, %dma_start3A_163] : memref<2560x128xi32, #tpu.memory_space<hbm>> -> memref<40x128xi32, #tpu.memory_space<hbm>>
      %dma_start3A_165 = arith.constant 0 : i32
      %dma_start3A_166 = tpu.memref_slice %arg3[%mul3A_89, %dma_start3A_165] : memref<2560x128xi32, #tpu.memory_space<hbm>> -> memref<40x128xi32, #tpu.memory_space<hbm>>
      tpu.enqueue_dma source(%dma_start3A_166 : memref<40x128xi32, #tpu.memory_space<hbm>>) target(%arg8 : memref<40x128xi32, #tpu.memory_space<vmem>>) target_semaphore(%run_scoped3A : memref<!tpu.dma_semaphore, #tpu.memory_space<semaphore_mem>>)
      %dma_wait3A_167 = arith.constant 0 : i32
      %dma_wait3A_168 = tpu.memref_slice %arg3[%mul3A_89, %dma_wait3A_167] : memref<2560x128xi32, #tpu.memory_space<hbm>> -> memref<40x128xi32, #tpu.memory_space<hbm>>
      %dma_wait3A_169 = arith.constant 0 : i32
      %dma_wait3A_170 = tpu.memref_slice %arg3[%mul3A_89, %dma_wait3A_169] : memref<2560x128xi32, #tpu.memory_space<hbm>> -> memref<40x128xi32, #tpu.memory_space<hbm>>
      tpu.wait_dma2 semaphore(%run_scoped3A : memref<!tpu.dma_semaphore, #tpu.memory_space<semaphore_mem>>) src(%dma_wait3A_170 : memref<40x128xi32, #tpu.memory_space<hbm>>) dst(%arg8 : memref<40x128xi32, #tpu.memory_space<vmem>>)
      tpu.yield
    }) : () -> ()
    %dma_start3A_90 = arith.constant 0 : i32
    %dma_start3A_91 = arith.constant 0 : i32
    %dma_start3A_92 = tpu.memref_slice %arg7[%dma_start3A_90, %dma_start3A_91] : memref<40x128xi32, #tpu.memory_space<vmem>> -> memref<1x128xi32, #tpu.memory_space<vmem>>
    %dma_start3A_93 = tpu.memref_squeeze %dma_start3A_92 : memref<1x128xi32, #tpu.memory_space<vmem>> -> memref<128xi32, #tpu.memory_space<vmem>>
    %dma_start3A_94 = arith.constant 0 : i32
    %dma_start3A_95 = arith.constant 0 : i32
    %dma_start3A_96 = tpu.memref_slice %arg4[%dma_start3A_94, %dma_start3A_95] : memref<10000x128xf32, #tpu.memory_space<hbm>> -> memref<10000x128xf32, #tpu.memory_space<hbm>>
    tpu.enqueue_indirect_dma source(%dma_start3A_96 : memref<10000x128xf32, #tpu.memory_space<hbm>>) target(%arg9 : memref<128x128xf32, #tpu.memory_space<vmem>>) offsets(%dma_start3A_93 : memref<128xi32, #tpu.memory_space<vmem>>) semaphore(%arg12 : memref<!tpu.dma_semaphore, #tpu.memory_space<semaphore_mem>>)
    %dma_start3A_97 = arith.constant 1 : i32
    %dma_start3A_98 = arith.constant 0 : i32
    %dma_start3A_99 = tpu.memref_slice %arg7[%dma_start3A_97, %dma_start3A_98] : memref<40x128xi32, #tpu.memory_space<vmem>> -> memref<1x128xi32, #tpu.memory_space<vmem>>
    %dma_start3A_100 = tpu.memref_squeeze %dma_start3A_99 : memref<1x128xi32, #tpu.memory_space<vmem>> -> memref<128xi32, #tpu.memory_space<vmem>>
    %dma_start3A_101 = arith.constant 0 : i32
    %dma_start3A_102 = arith.constant 0 : i32
    %dma_start3A_103 = tpu.memref_slice %arg4[%dma_start3A_101, %dma_start3A_102] : memref<10000x128xf32, #tpu.memory_space<hbm>> -> memref<10000x128xf32, #tpu.memory_space<hbm>>
    tpu.enqueue_indirect_dma source(%dma_start3A_103 : memref<10000x128xf32, #tpu.memory_space<hbm>>) target(%arg10 : memref<128x128xf32, #tpu.memory_space<vmem>>) offsets(%dma_start3A_100 : memref<128xi32, #tpu.memory_space<vmem>>) semaphore(%arg13 : memref<!tpu.dma_semaphore, #tpu.memory_space<semaphore_mem>>)
    %dma_wait3A_104 = arith.constant 0 : i32
    %dma_wait3A_105 = arith.constant 0 : i32
    %dma_wait3A_106 = tpu.memref_slice %arg7[%dma_wait3A_104, %dma_wait3A_105] : memref<40x128xi32, #tpu.memory_space<vmem>> -> memref<1x128xi32, #tpu.memory_space<vmem>>
    %dma_wait3A_107 = tpu.memref_squeeze %dma_wait3A_106 : memref<1x128xi32, #tpu.memory_space<vmem>> -> memref<128xi32, #tpu.memory_space<vmem>>
    %dma_wait3A_108 = arith.constant 0 : i32
    %dma_wait3A_109 = arith.constant 0 : i32
    %dma_wait3A_110 = tpu.memref_slice %arg4[%dma_wait3A_108, %dma_wait3A_109] : memref<10000x128xf32, #tpu.memory_space<hbm>> -> memref<10000x128xf32, #tpu.memory_space<hbm>>
    tpu.wait_indirect_dma semaphore(%arg12 : memref<!tpu.dma_semaphore, #tpu.memory_space<semaphore_mem>>) src(%dma_wait3A_110 : memref<10000x128xf32, #tpu.memory_space<hbm>>) dst(%arg9 : memref<128x128xf32, #tpu.memory_space<vmem>>)
    %dma_start3A_111 = arith.constant 0 : i32
    %dma_start3A_112 = arith.constant 0 : i32
    %dma_start3A_113 = tpu.memref_slice %arg8[%dma_start3A_111, %dma_start3A_112] : memref<40x128xi32, #tpu.memory_space<vmem>> -> memref<1x128xi32, #tpu.memory_space<vmem>>
    %dma_start3A_114 = tpu.memref_squeeze %dma_start3A_113 : memref<1x128xi32, #tpu.memory_space<vmem>> -> memref<128xi32, #tpu.memory_space<vmem>>
    %dma_start3A_115 = arith.constant 0 : i32
    %dma_start3A_116 = arith.constant 0 : i32
    %dma_start3A_117 = tpu.memref_slice %arg11[%dma_start3A_115, %dma_start3A_116] : memref<10128x128xf32, #tpu.memory_space<vmem_shared>> -> memref<10128x128xf32, #tpu.memory_space<vmem_shared>>
    tpu.enqueue_indirect_dma source(%arg9 : memref<128x128xf32, #tpu.memory_space<vmem>>) target(%dma_start3A_117 : memref<10128x128xf32, #tpu.memory_space<vmem_shared>>) offsets(%dma_start3A_114 : memref<128xi32, #tpu.memory_space<vmem>>) semaphore(%arg14 : memref<!tpu.dma_semaphore, #tpu.memory_space<semaphore_mem>>) {add = true}
    %scan3A_118 = arith.constant 0 : i32
    %scan3A_119 = arith.constant 0 : i32
    %scan3A_120 = arith.constant 19 : i32
    %scan3A_121 = arith.addi %scan3A_119, %scan3A_120 : i32
    %scan3A_122 = arith.constant 1 : i32
    scf.for %scan3A_163 = %scan3A_119 to %scan3A_121 step %scan3A_122  : i32 {
      %mul3A_164 = arith.constant 2 : i32
      %mul3A_165 = arith.muli %mul3A_164, %scan3A_163 : i32
      %add3A_166 = arith.constant 1 : i32
      %add3A_167 = arith.addi %mul3A_165, %add3A_166 : i32
      %add3A_168 = arith.constant 0 : i32
      %add3A_169 = arith.addi %add3A_167, %add3A_168 : i32
      %sub3A = arith.constant 1 : i32
      %sub3A_170 = arith.subi %add3A_169, %sub3A : i32
      %dma_wait3A_171 = arith.constant 0 : i32
      %dma_wait3A_172 = tpu.memref_slice %arg8[%sub3A_170, %dma_wait3A_171] : memref<40x128xi32, #tpu.memory_space<vmem>> -> memref<1x128xi32, #tpu.memory_space<vmem>>
      %dma_wait3A_173 = tpu.memref_squeeze %dma_wait3A_172 : memref<1x128xi32, #tpu.memory_space<vmem>> -> memref<128xi32, #tpu.memory_space<vmem>>
      %dma_wait3A_174 = arith.constant 0 : i32
      %dma_wait3A_175 = arith.constant 0 : i32
      %dma_wait3A_176 = tpu.memref_slice %arg11[%dma_wait3A_174, %dma_wait3A_175] : memref<10128x128xf32, #tpu.memory_space<vmem_shared>> -> memref<10128x128xf32, #tpu.memory_space<vmem_shared>>
      tpu.wait_indirect_dma semaphore(%arg14 : memref<!tpu.dma_semaphore, #tpu.memory_space<semaphore_mem>>) src(%arg9 : memref<128x128xf32, #tpu.memory_space<vmem>>) dst(%dma_wait3A_176 : memref<10128x128xf32, #tpu.memory_space<vmem_shared>>)
      %add3A_177 = arith.constant 1 : i32
      %add3A_178 = arith.addi %add3A_169, %add3A_177 : i32
      %dma_start3A_179 = arith.constant 0 : i32
      %dma_start3A_180 = tpu.memref_slice %arg7[%add3A_178, %dma_start3A_179] : memref<40x128xi32, #tpu.memory_space<vmem>> -> memref<1x128xi32, #tpu.memory_space<vmem>>
      %dma_start3A_181 = tpu.memref_squeeze %dma_start3A_180 : memref<1x128xi32, #tpu.memory_space<vmem>> -> memref<128xi32, #tpu.memory_space<vmem>>
      %dma_start3A_182 = arith.constant 0 : i32
      %dma_start3A_183 = arith.constant 0 : i32
      %dma_start3A_184 = tpu.memref_slice %arg4[%dma_start3A_182, %dma_start3A_183] : memref<10000x128xf32, #tpu.memory_space<hbm>> -> memref<10000x128xf32, #tpu.memory_space<hbm>>
      tpu.enqueue_indirect_dma source(%dma_start3A_184 : memref<10000x128xf32, #tpu.memory_space<hbm>>) target(%arg9 : memref<128x128xf32, #tpu.memory_space<vmem>>) offsets(%dma_start3A_181 : memref<128xi32, #tpu.memory_space<vmem>>) semaphore(%arg12 : memref<!tpu.dma_semaphore, #tpu.memory_space<semaphore_mem>>)
      %dma_wait3A_185 = arith.constant 0 : i32
      %dma_wait3A_186 = tpu.memref_slice %arg7[%add3A_169, %dma_wait3A_185] : memref<40x128xi32, #tpu.memory_space<vmem>> -> memref<1x128xi32, #tpu.memory_space<vmem>>
      %dma_wait3A_187 = tpu.memref_squeeze %dma_wait3A_186 : memref<1x128xi32, #tpu.memory_space<vmem>> -> memref<128xi32, #tpu.memory_space<vmem>>
      %dma_wait3A_188 = arith.constant 0 : i32
      %dma_wait3A_189 = arith.constant 0 : i32
      %dma_wait3A_190 = tpu.memref_slice %arg4[%dma_wait3A_188, %dma_wait3A_189] : memref<10000x128xf32, #tpu.memory_space<hbm>> -> memref<10000x128xf32, #tpu.memory_space<hbm>>
      tpu.wait_indirect_dma semaphore(%arg13 : memref<!tpu.dma_semaphore, #tpu.memory_space<semaphore_mem>>) src(%dma_wait3A_190 : memref<10000x128xf32, #tpu.memory_space<hbm>>) dst(%arg10 : memref<128x128xf32, #tpu.memory_space<vmem>>)
      %dma_start3A_191 = arith.constant 0 : i32
      %dma_start3A_192 = tpu.memref_slice %arg8[%add3A_169, %dma_start3A_191] : memref<40x128xi32, #tpu.memory_space<vmem>> -> memref<1x128xi32, #tpu.memory_space<vmem>>
      %dma_start3A_193 = tpu.memref_squeeze %dma_start3A_192 : memref<1x128xi32, #tpu.memory_space<vmem>> -> memref<128xi32, #tpu.memory_space<vmem>>
      %dma_start3A_194 = arith.constant 0 : i32
      %dma_start3A_195 = arith.constant 0 : i32
      %dma_start3A_196 = tpu.memref_slice %arg11[%dma_start3A_194, %dma_start3A_195] : memref<10128x128xf32, #tpu.memory_space<vmem_shared>> -> memref<10128x128xf32, #tpu.memory_space<vmem_shared>>
      tpu.enqueue_indirect_dma source(%arg10 : memref<128x128xf32, #tpu.memory_space<vmem>>) target(%dma_start3A_196 : memref<10128x128xf32, #tpu.memory_space<vmem_shared>>) offsets(%dma_start3A_193 : memref<128xi32, #tpu.memory_space<vmem>>) semaphore(%arg15 : memref<!tpu.dma_semaphore, #tpu.memory_space<semaphore_mem>>) {add = true}
      %mul3A_197 = arith.constant 2 : i32
      %mul3A_198 = arith.muli %mul3A_197, %scan3A_163 : i32
      %add3A_199 = arith.constant 1 : i32
      %add3A_200 = arith.addi %mul3A_198, %add3A_199 : i32
      %add3A_201 = arith.constant 1 : i32
      %add3A_202 = arith.addi %add3A_200, %add3A_201 : i32
      %sub3A_203 = arith.constant 1 : i32
      %sub3A_204 = arith.subi %add3A_202, %sub3A_203 : i32
      %dma_wait3A_205 = arith.constant 0 : i32
      %dma_wait3A_206 = tpu.memref_slice %arg8[%sub3A_204, %dma_wait3A_205] : memref<40x128xi32, #tpu.memory_space<vmem>> -> memref<1x128xi32, #tpu.memory_space<vmem>>
      %dma_wait3A_207 = tpu.memref_squeeze %dma_wait3A_206 : memref<1x128xi32, #tpu.memory_space<vmem>> -> memref<128xi32, #tpu.memory_space<vmem>>
      %dma_wait3A_208 = arith.constant 0 : i32
      %dma_wait3A_209 = arith.constant 0 : i32
      %dma_wait3A_210 = tpu.memref_slice %arg11[%dma_wait3A_208, %dma_wait3A_209] : memref<10128x128xf32, #tpu.memory_space<vmem_shared>> -> memref<10128x128xf32, #tpu.memory_space<vmem_shared>>
      tpu.wait_indirect_dma semaphore(%arg15 : memref<!tpu.dma_semaphore, #tpu.memory_space<semaphore_mem>>) src(%arg10 : memref<128x128xf32, #tpu.memory_space<vmem>>) dst(%dma_wait3A_210 : memref<10128x128xf32, #tpu.memory_space<vmem_shared>>)
      %add3A_211 = arith.constant 1 : i32
      %add3A_212 = arith.addi %add3A_202, %add3A_211 : i32
      %dma_start3A_213 = arith.constant 0 : i32
      %dma_start3A_214 = tpu.memref_slice %arg7[%add3A_212, %dma_start3A_213] : memref<40x128xi32, #tpu.memory_space<vmem>> -> memref<1x128xi32, #tpu.memory_space<vmem>>
      %dma_start3A_215 = tpu.memref_squeeze %dma_start3A_214 : memref<1x128xi32, #tpu.memory_space<vmem>> -> memref<128xi32, #tpu.memory_space<vmem>>
      %dma_start3A_216 = arith.constant 0 : i32
      %dma_start3A_217 = arith.constant 0 : i32
      %dma_start3A_218 = tpu.memref_slice %arg4[%dma_start3A_216, %dma_start3A_217] : memref<10000x128xf32, #tpu.memory_space<hbm>> -> memref<10000x128xf32, #tpu.memory_space<hbm>>
      tpu.enqueue_indirect_dma source(%dma_start3A_218 : memref<10000x128xf32, #tpu.memory_space<hbm>>) target(%arg10 : memref<128x128xf32, #tpu.memory_space<vmem>>) offsets(%dma_start3A_215 : memref<128xi32, #tpu.memory_space<vmem>>) semaphore(%arg13 : memref<!tpu.dma_semaphore, #tpu.memory_space<semaphore_mem>>)
      %dma_wait3A_219 = arith.constant 0 : i32
      %dma_wait3A_220 = tpu.memref_slice %arg7[%add3A_202, %dma_wait3A_219] : memref<40x128xi32, #tpu.memory_space<vmem>> -> memref<1x128xi32, #tpu.memory_space<vmem>>
      %dma_wait3A_221 = tpu.memref_squeeze %dma_wait3A_220 : memref<1x128xi32, #tpu.memory_space<vmem>> -> memref<128xi32, #tpu.memory_space<vmem>>
      %dma_wait3A_222 = arith.constant 0 : i32
      %dma_wait3A_223 = arith.constant 0 : i32
      %dma_wait3A_224 = tpu.memref_slice %arg4[%dma_wait3A_222, %dma_wait3A_223] : memref<10000x128xf32, #tpu.memory_space<hbm>> -> memref<10000x128xf32, #tpu.memory_space<hbm>>
      tpu.wait_indirect_dma semaphore(%arg12 : memref<!tpu.dma_semaphore, #tpu.memory_space<semaphore_mem>>) src(%dma_wait3A_224 : memref<10000x128xf32, #tpu.memory_space<hbm>>) dst(%arg9 : memref<128x128xf32, #tpu.memory_space<vmem>>)
      %dma_start3A_225 = arith.constant 0 : i32
      %dma_start3A_226 = tpu.memref_slice %arg8[%add3A_202, %dma_start3A_225] : memref<40x128xi32, #tpu.memory_space<vmem>> -> memref<1x128xi32, #tpu.memory_space<vmem>>
      %dma_start3A_227 = tpu.memref_squeeze %dma_start3A_226 : memref<1x128xi32, #tpu.memory_space<vmem>> -> memref<128xi32, #tpu.memory_space<vmem>>
      %dma_start3A_228 = arith.constant 0 : i32
      %dma_start3A_229 = arith.constant 0 : i32
      %dma_start3A_230 = tpu.memref_slice %arg11[%dma_start3A_228, %dma_start3A_229] : memref<10128x128xf32, #tpu.memory_space<vmem_shared>> -> memref<10128x128xf32, #tpu.memory_space<vmem_shared>>
      tpu.enqueue_indirect_dma source(%arg9 : memref<128x128xf32, #tpu.memory_space<vmem>>) target(%dma_start3A_230 : memref<10128x128xf32, #tpu.memory_space<vmem_shared>>) offsets(%dma_start3A_227 : memref<128xi32, #tpu.memory_space<vmem>>) semaphore(%arg14 : memref<!tpu.dma_semaphore, #tpu.memory_space<semaphore_mem>>) {add = true}
    }
    %scan3A_123 = arith.constant 19 : i32
    %dma_wait3A_124 = arith.constant 38 : i32
    %dma_wait3A_125 = arith.constant 0 : i32
    %dma_wait3A_126 = tpu.memref_slice %arg8[%dma_wait3A_124, %dma_wait3A_125] : memref<40x128xi32, #tpu.memory_space<vmem>> -> memref<1x128xi32, #tpu.memory_space<vmem>>
    %dma_wait3A_127 = tpu.memref_squeeze %dma_wait3A_126 : memref<1x128xi32, #tpu.memory_space<vmem>> -> memref<128xi32, #tpu.memory_space<vmem>>
    %dma_wait3A_128 = arith.constant 0 : i32
    %dma_wait3A_129 = arith.constant 0 : i32
    %dma_wait3A_130 = tpu.memref_slice %arg11[%dma_wait3A_128, %dma_wait3A_129] : memref<10128x128xf32, #tpu.memory_space<vmem_shared>> -> memref<10128x128xf32, #tpu.memory_space<vmem_shared>>
    tpu.wait_indirect_dma semaphore(%arg14 : memref<!tpu.dma_semaphore, #tpu.memory_space<semaphore_mem>>) src(%arg9 : memref<128x128xf32, #tpu.memory_space<vmem>>) dst(%dma_wait3A_130 : memref<10128x128xf32, #tpu.memory_space<vmem_shared>>)
    %dma_wait3A_131 = arith.constant 39 : i32
    %dma_wait3A_132 = arith.constant 0 : i32
    %dma_wait3A_133 = tpu.memref_slice %arg7[%dma_wait3A_131, %dma_wait3A_132] : memref<40x128xi32, #tpu.memory_space<vmem>> -> memref<1x128xi32, #tpu.memory_space<vmem>>
    %dma_wait3A_134 = tpu.memref_squeeze %dma_wait3A_133 : memref<1x128xi32, #tpu.memory_space<vmem>> -> memref<128xi32, #tpu.memory_space<vmem>>
    %dma_wait3A_135 = arith.constant 0 : i32
    %dma_wait3A_136 = arith.constant 0 : i32
    %dma_wait3A_137 = tpu.memref_slice %arg4[%dma_wait3A_135, %dma_wait3A_136] : memref<10000x128xf32, #tpu.memory_space<hbm>> -> memref<10000x128xf32, #tpu.memory_space<hbm>>
    tpu.wait_indirect_dma semaphore(%arg13 : memref<!tpu.dma_semaphore, #tpu.memory_space<semaphore_mem>>) src(%dma_wait3A_137 : memref<10000x128xf32, #tpu.memory_space<hbm>>) dst(%arg10 : memref<128x128xf32, #tpu.memory_space<vmem>>)
    %dma_start3A_138 = arith.constant 39 : i32
    %dma_start3A_139 = arith.constant 0 : i32
    %dma_start3A_140 = tpu.memref_slice %arg8[%dma_start3A_138, %dma_start3A_139] : memref<40x128xi32, #tpu.memory_space<vmem>> -> memref<1x128xi32, #tpu.memory_space<vmem>>
    %dma_start3A_141 = tpu.memref_squeeze %dma_start3A_140 : memref<1x128xi32, #tpu.memory_space<vmem>> -> memref<128xi32, #tpu.memory_space<vmem>>
    %dma_start3A_142 = arith.constant 0 : i32
    %dma_start3A_143 = arith.constant 0 : i32
    %dma_start3A_144 = tpu.memref_slice %arg11[%dma_start3A_142, %dma_start3A_143] : memref<10128x128xf32, #tpu.memory_space<vmem_shared>> -> memref<10128x128xf32, #tpu.memory_space<vmem_shared>>
    tpu.enqueue_indirect_dma source(%arg10 : memref<128x128xf32, #tpu.memory_space<vmem>>) target(%dma_start3A_144 : memref<10128x128xf32, #tpu.memory_space<vmem_shared>>) offsets(%dma_start3A_141 : memref<128xi32, #tpu.memory_space<vmem>>) semaphore(%arg15 : memref<!tpu.dma_semaphore, #tpu.memory_space<semaphore_mem>>) {add = true}
    %dma_wait3A_145 = arith.constant 39 : i32
    %dma_wait3A_146 = arith.constant 0 : i32
    %dma_wait3A_147 = tpu.memref_slice %arg8[%dma_wait3A_145, %dma_wait3A_146] : memref<40x128xi32, #tpu.memory_space<vmem>> -> memref<1x128xi32, #tpu.memory_space<vmem>>
    %dma_wait3A_148 = tpu.memref_squeeze %dma_wait3A_147 : memref<1x128xi32, #tpu.memory_space<vmem>> -> memref<128xi32, #tpu.memory_space<vmem>>
    %dma_wait3A_149 = arith.constant 0 : i32
    %dma_wait3A_150 = arith.constant 0 : i32
    %dma_wait3A_151 = tpu.memref_slice %arg11[%dma_wait3A_149, %dma_wait3A_150] : memref<10128x128xf32, #tpu.memory_space<vmem_shared>> -> memref<10128x128xf32, #tpu.memory_space<vmem_shared>>
    tpu.wait_indirect_dma semaphore(%arg15 : memref<!tpu.dma_semaphore, #tpu.memory_space<semaphore_mem>>) src(%arg10 : memref<128x128xf32, #tpu.memory_space<vmem>>) dst(%dma_wait3A_151 : memref<10128x128xf32, #tpu.memory_space<vmem_shared>>)
    %barrier3A_152 = arith.constant 0 : index
    tpu.barrier barrier_id(%barrier3A_152)
    %lt3A_153 = arith.constant 15 : i32
    %lt3A_154 = arith.cmpi slt, %arg1, %lt3A_153 : i32
    %convert_element_type3A_155 = arith.extui %lt3A_154 : i1 to i32
    %cond3A_156 = arith.constant 0 : i32
    %cond3A_157 = arith.cmpi ne, %convert_element_type3A_155, %cond3A_156 : i32
    scf.if %cond3A_157 {
      %mul3A_163 = arith.constant 632 : i32
      %mul3A_164 = arith.muli %arg1, %mul3A_163 : i32
      %mul3A_165 = arith.constant 632 : i32
      %mul3A_166 = arith.muli %arg1, %mul3A_165 : i32
      "tpu.region"() ({
        %run_scoped3A = tpu.sem_alloc : memref<!tpu.dma_semaphore, #tpu.memory_space<semaphore_mem>>
        %dma_start3A_167 = arith.constant 0 : i32
        %dma_start3A_168 = arith.constant 0 : i32
        %dma_start3A_169 = tpu.memref_slice %arg6[%arg0, %dma_start3A_167, %dma_start3A_168] : memref<2x10000x128xf32, #tpu.memory_space<hbm>> -> memref<1x10000x128xf32, #tpu.memory_space<hbm>>
        %dma_start3A_170 = tpu.memref_squeeze %dma_start3A_169 : memref<1x10000x128xf32, #tpu.memory_space<hbm>> -> memref<10000x128xf32, #tpu.memory_space<hbm>>
        %dma_start3A_171 = arith.constant 0 : i32
        %dma_start3A_172 = tpu.memref_slice %dma_start3A_170[%mul3A_166, %dma_start3A_171] : memref<10000x128xf32, #tpu.memory_space<hbm>> -> memref<632x128xf32, #tpu.memory_space<hbm>>
        %dma_start3A_173 = arith.constant 0 : i32
        %dma_start3A_174 = tpu.memref_slice %arg11[%mul3A_164, %dma_start3A_173] : memref<10128x128xf32, #tpu.memory_space<vmem_shared>> -> memref<632x128xf32, #tpu.memory_space<vmem_shared>>
        tpu.enqueue_dma source(%dma_start3A_174 : memref<632x128xf32, #tpu.memory_space<vmem_shared>>) target(%dma_start3A_172 : memref<632x128xf32, #tpu.memory_space<hbm>>) target_semaphore(%run_scoped3A : memref<!tpu.dma_semaphore, #tpu.memory_space<semaphore_mem>>)
        %dma_wait3A_175 = arith.constant 0 : i32
        %dma_wait3A_176 = arith.constant 0 : i32
        %dma_wait3A_177 = tpu.memref_slice %arg6[%arg0, %dma_wait3A_175, %dma_wait3A_176] : memref<2x10000x128xf32, #tpu.memory_space<hbm>> -> memref<1x10000x128xf32, #tpu.memory_space<hbm>>
        %dma_wait3A_178 = tpu.memref_squeeze %dma_wait3A_177 : memref<1x10000x128xf32, #tpu.memory_space<hbm>> -> memref<10000x128xf32, #tpu.memory_space<hbm>>
        %dma_wait3A_179 = arith.constant 0 : i32
        %dma_wait3A_180 = tpu.memref_slice %dma_wait3A_178[%mul3A_166, %dma_wait3A_179] : memref<10000x128xf32, #tpu.memory_space<hbm>> -> memref<632x128xf32, #tpu.memory_space<hbm>>
        %dma_wait3A_181 = arith.constant 0 : i32
        %dma_wait3A_182 = tpu.memref_slice %arg11[%mul3A_164, %dma_wait3A_181] : memref<10128x128xf32, #tpu.memory_space<vmem_shared>> -> memref<632x128xf32, #tpu.memory_space<vmem_shared>>
        tpu.wait_dma2 semaphore(%run_scoped3A : memref<!tpu.dma_semaphore, #tpu.memory_space<semaphore_mem>>) src(%dma_wait3A_182 : memref<632x128xf32, #tpu.memory_space<vmem_shared>>) dst(%dma_wait3A_180 : memref<632x128xf32, #tpu.memory_space<hbm>>)
        tpu.yield
      }) : () -> ()
    } else {
    }
    %eq3A_158 = arith.constant 15 : i32
    %eq3A_159 = arith.cmpi eq, %arg1, %eq3A_158 : i32
    %convert_element_type3A_160 = arith.extui %eq3A_159 : i1 to i32
    %cond3A_161 = arith.constant 0 : i32
    %cond3A_162 = arith.cmpi ne, %convert_element_type3A_160, %cond3A_161 : i32
    scf.if %cond3A_162 {
      "tpu.region"() ({
        %run_scoped3A = tpu.sem_alloc : memref<!tpu.dma_semaphore, #tpu.memory_space<semaphore_mem>>
        %dma_start3A_163 = arith.constant 0 : i32
        %dma_start3A_164 = arith.constant 0 : i32
        %dma_start3A_165 = tpu.memref_slice %arg6[%arg0, %dma_start3A_163, %dma_start3A_164] : memref<2x10000x128xf32, #tpu.memory_space<hbm>> -> memref<1x10000x128xf32, #tpu.memory_space<hbm>>
        %dma_start3A_166 = tpu.memref_squeeze %dma_start3A_165 : memref<1x10000x128xf32, #tpu.memory_space<hbm>> -> memref<10000x128xf32, #tpu.memory_space<hbm>>
        %dma_start3A_167 = arith.constant 9480 : i32
        %dma_start3A_168 = arith.constant 0 : i32
        %dma_start3A_169 = tpu.memref_slice %dma_start3A_166[%dma_start3A_167, %dma_start3A_168] : memref<10000x128xf32, #tpu.memory_space<hbm>> -> memref<520x128xf32, #tpu.memory_space<hbm>>
        %dma_start3A_170 = arith.constant 9480 : i32
        %dma_start3A_171 = arith.constant 0 : i32
        %dma_start3A_172 = tpu.memref_slice %arg11[%dma_start3A_170, %dma_start3A_171] : memref<10128x128xf32, #tpu.memory_space<vmem_shared>> -> memref<520x128xf32, #tpu.memory_space<vmem_shared>>
        tpu.enqueue_dma source(%dma_start3A_172 : memref<520x128xf32, #tpu.memory_space<vmem_shared>>) target(%dma_start3A_169 : memref<520x128xf32, #tpu.memory_space<hbm>>) target_semaphore(%run_scoped3A : memref<!tpu.dma_semaphore, #tpu.memory_space<semaphore_mem>>)
        %dma_wait3A_173 = arith.constant 0 : i32
        %dma_wait3A_174 = arith.constant 0 : i32
        %dma_wait3A_175 = tpu.memref_slice %arg6[%arg0, %dma_wait3A_173, %dma_wait3A_174] : memref<2x10000x128xf32, #tpu.memory_space<hbm>> -> memref<1x10000x128xf32, #tpu.memory_space<hbm>>
        %dma_wait3A_176 = tpu.memref_squeeze %dma_wait3A_175 : memref<1x10000x128xf32, #tpu.memory_space<hbm>> -> memref<10000x128xf32, #tpu.memory_space<hbm>>
        %dma_wait3A_177 = arith.constant 9480 : i32
        %dma_wait3A_178 = arith.constant 0 : i32
        %dma_wait3A_179 = tpu.memref_slice %dma_wait3A_176[%dma_wait3A_177, %dma_wait3A_178] : memref<10000x128xf32, #tpu.memory_space<hbm>> -> memref<520x128xf32, #tpu.memory_space<hbm>>
        %dma_wait3A_180 = arith.constant 9480 : i32
        %dma_wait3A_181 = arith.constant 0 : i32
        %dma_wait3A_182 = tpu.memref_slice %arg11[%dma_wait3A_180, %dma_wait3A_181] : memref<10128x128xf32, #tpu.memory_space<vmem_shared>> -> memref<520x128xf32, #tpu.memory_space<vmem_shared>>
        tpu.wait_dma2 semaphore(%run_scoped3A : memref<!tpu.dma_semaphore, #tpu.memory_space<semaphore_mem>>) src(%dma_wait3A_182 : memref<520x128xf32, #tpu.memory_space<vmem_shared>>) dst(%dma_wait3A_179 : memref<520x128xf32, #tpu.memory_space<hbm>>)
        tpu.yield
      }) : () -> ()
    } else {
    }
    return
  }
}

#map = affine_map<(d0, d1) -> (0, 0)>
#map1 = affine_map<(d0, d1) -> (0, 0, 0)>
module attributes {stable_mosaic.version = 14 : i64} {
  func.func @spmm(%arg0: i32, %arg1: i32, %arg2: memref<2560x128xi32, #tpu.memory_space<hbm>>, %arg3: memref<2560x128xi32, #tpu.memory_space<hbm>>, %arg4: memref<10000x128xf32, #tpu.memory_space<hbm>>, %arg5: memref<632x128xf32, #tpu.memory_space<hbm>>, %arg6: memref<2x10000x128xf32, #tpu.memory_space<hbm>>, %arg7: memref<40x128xi32, #tpu.memory_space<vmem>>, %arg8: memref<40x128xi32, #tpu.memory_space<vmem>>, %arg9: memref<128x128xf32, #tpu.memory_space<vmem>>, %arg10: memref<128x128xf32, #tpu.memory_space<vmem>>, %arg11: memref<10128x128xf32, #tpu.memory_space<vmem_shared>>, %arg12: memref<!tpu.dma_semaphore, #tpu.memory_space<semaphore_mem>>, %arg13: memref<!tpu.dma_semaphore, #tpu.memory_space<semaphore_mem>>, %arg14: memref<!tpu.dma_semaphore, #tpu.memory_space<semaphore_mem>>, %arg15: memref<!tpu.dma_semaphore, #tpu.memory_space<semaphore_mem>>) attributes {dimension_semantics = [#tpu.dimension_semantics<core_parallel>, #tpu.dimension_semantics<subcore_parallel>], iteration_bounds = array<i64: 2, 16>, scalar_prefetch = 0 : i64, scratch_operands = 9 : i64, tpu.core_type = #tpu.core_type<sc_vector_subcore>, window_params = [{transform_indices = #map}, {transform_indices = #map}, {transform_indices = #map}, {transform_indices = #map}, {transform_indices = #map1}]} {
    %mul3A = arith.constant 16 : i32
    %mul3A_0 = arith.muli %arg0, %mul3A : i32
    %add3A = arith.addi %mul3A_0, %arg1 : i32
    %lt3A = arith.constant 15 : i32
    %lt3A_1 = arith.cmpi slt, %arg1, %lt3A : i32
    %convert_element_type3A = arith.extui %lt3A_1 : i1 to i32
    %cond3A = arith.constant 0 : i32
    %cond3A_2 = arith.cmpi ne, %convert_element_type3A, %cond3A : i32
    scf.if %cond3A_2 {
      %mul3A_163 = arith.constant 632 : i32
      %mul3A_164 = arith.muli %arg1, %mul3A_163 : i32
      "tpu.region"() ({
        %run_scoped3A = tpu.sem_alloc : memref<!tpu.dma_semaphore, #tpu.memory_space<semaphore_mem>>
        %dma_start3A_165 = arith.constant 0 : i32
        %dma_start3A_166 = tpu.memref_slice %arg11[%mul3A_164, %dma_start3A_165] : memref<10128x128xf32, #tpu.memory_space<vmem_shared>> -> memref<632x128xf32, #tpu.memory_space<vmem_shared>>
        %dma_start3A_167 = arith.constant 0 : i32
        %dma_start3A_168 = arith.constant 0 : i32
        %dma_start3A_169 = tpu.memref_slice %arg5[%dma_start3A_167, %dma_start3A_168] : memref<632x128xf32, #tpu.memory_space<hbm>> -> memref<632x128xf32, #tpu.memory_space<hbm>>
        tpu.enqueue_dma source(%dma_start3A_169 : memref<632x128xf32, #tpu.memory_space<hbm>>) target(%dma_start3A_166 : memref<632x128xf32, #tpu.memory_space<vmem_shared>>) target_semaphore(%run_scoped3A : memref<!tpu.dma_semaphore, #tpu.memory_space<semaphore_mem>>)
        %dma_wait3A_170 = arith.constant 0 : i32
        %dma_wait3A_171 = tpu.memref_slice %arg11[%mul3A_164, %dma_wait3A_170] : memref<10128x128xf32, #tpu.memory_space<vmem_shared>> -> memref<632x128xf32, #tpu.memory_space<vmem_shared>>
        %dma_wait3A_172 = arith.constant 0 : i32
        %dma_wait3A_173 = arith.constant 0 : i32
        %dma_wait3A_174 = tpu.memref_slice %arg5[%dma_wait3A_172, %dma_wait3A_173] : memref<632x128xf32, #tpu.memory_space<hbm>> -> memref<632x128xf32, #tpu.memory_space<hbm>>
        tpu.wait_dma2 semaphore(%run_scoped3A : memref<!tpu.dma_semaphore, #tpu.memory_space<semaphore_mem>>) src(%dma_wait3A_174 : memref<632x128xf32, #tpu.memory_space<hbm>>) dst(%dma_wait3A_171 : memref<632x128xf32, #tpu.memory_space<vmem_shared>>)
        tpu.yield
      }) : () -> ()
    } else {
    }
    %eq3A = arith.constant 15 : i32
    %eq3A_3 = arith.cmpi eq, %arg1, %eq3A : i32
    %convert_element_type3A_4 = arith.extui %eq3A_3 : i1 to i32
    %cond3A_5 = arith.constant 0 : i32
    %cond3A_6 = arith.cmpi ne, %convert_element_type3A_4, %cond3A_5 : i32
    scf.if %cond3A_6 {
      "tpu.region"() ({
        %run_scoped3A = tpu.sem_alloc : memref<!tpu.dma_semaphore, #tpu.memory_space<semaphore_mem>>
        %dma_start3A_163 = arith.constant 9480 : i32
        %dma_start3A_164 = arith.constant 0 : i32
        %dma_start3A_165 = tpu.memref_slice %arg11[%dma_start3A_163, %dma_start3A_164] : memref<10128x128xf32, #tpu.memory_space<vmem_shared>> -> memref<520x128xf32, #tpu.memory_space<vmem_shared>>
        %dma_start3A_166 = arith.constant 0 : i32
        %dma_start3A_167 = arith.constant 0 : i32
        %dma_start3A_168 = tpu.memref_slice %arg5[%dma_start3A_166, %dma_start3A_167] : memref<632x128xf32, #tpu.memory_space<hbm>> -> memref<520x128xf32, #tpu.memory_space<hbm>>
        tpu.enqueue_dma source(%dma_start3A_168 : memref<520x128xf32, #tpu.memory_space<hbm>>) target(%dma_start3A_165 : memref<520x128xf32, #tpu.memory_space<vmem_shared>>) target_semaphore(%run_scoped3A : memref<!tpu.dma_semaphore, #tpu.memory_space<semaphore_mem>>)
        %dma_wait3A_169 = arith.constant 9480 : i32
        %dma_wait3A_170 = arith.constant 0 : i32
        %dma_wait3A_171 = tpu.memref_slice %arg11[%dma_wait3A_169, %dma_wait3A_170] : memref<10128x128xf32, #tpu.memory_space<vmem_shared>> -> memref<520x128xf32, #tpu.memory_space<vmem_shared>>
        %dma_wait3A_172 = arith.constant 0 : i32
        %dma_wait3A_173 = arith.constant 0 : i32
        %dma_wait3A_174 = tpu.memref_slice %arg5[%dma_wait3A_172, %dma_wait3A_173] : memref<632x128xf32, #tpu.memory_space<hbm>> -> memref<520x128xf32, #tpu.memory_space<hbm>>
        tpu.wait_dma2 semaphore(%run_scoped3A : memref<!tpu.dma_semaphore, #tpu.memory_space<semaphore_mem>>) src(%dma_wait3A_174 : memref<520x128xf32, #tpu.memory_space<hbm>>) dst(%dma_wait3A_171 : memref<520x128xf32, #tpu.memory_space<vmem_shared>>)
        tpu.yield
      }) : () -> ()
    } else {
    }
    %barrier3A = arith.constant 0 : index
    tpu.barrier barrier_id(%barrier3A)
    %mul3A_7 = arith.constant 2 : i32
    %mul3A_8 = arith.muli %add3A, %mul3A_7 : i32
    %add3A_9 = arith.constant 0 : i32
    %add3A_10 = arith.addi %mul3A_8, %add3A_9 : i32
    %mul3A_11 = arith.constant 40 : i32
    %mul3A_12 = arith.muli %add3A_10, %mul3A_11 : i32
    "tpu.region"() ({
      %run_scoped3A = tpu.sem_alloc : memref<!tpu.dma_semaphore, #tpu.memory_space<semaphore_mem>>
      %dma_start3A_163 = arith.constant 0 : i32
      %dma_start3A_164 = tpu.memref_slice %arg2[%mul3A_12, %dma_start3A_163] : memref<2560x128xi32, #tpu.memory_space<hbm>> -> memref<40x128xi32, #tpu.memory_space<hbm>>
      %dma_start3A_165 = arith.constant 0 : i32
      %dma_start3A_166 = tpu.memref_slice %arg2[%mul3A_12, %dma_start3A_165] : memref<2560x128xi32, #tpu.memory_space<hbm>> -> memref<40x128xi32, #tpu.memory_space<hbm>>
      tpu.enqueue_dma source(%dma_start3A_166 : memref<40x128xi32, #tpu.memory_space<hbm>>) target(%arg7 : memref<40x128xi32, #tpu.memory_space<vmem>>) target_semaphore(%run_scoped3A : memref<!tpu.dma_semaphore, #tpu.memory_space<semaphore_mem>>)
      %dma_wait3A_167 = arith.constant 0 : i32
      %dma_wait3A_168 = tpu.memref_slice %arg2[%mul3A_12, %dma_wait3A_167] : memref<2560x128xi32, #tpu.memory_space<hbm>> -> memref<40x128xi32, #tpu.memory_space<hbm>>
      %dma_wait3A_169 = arith.constant 0 : i32
      %dma_wait3A_170 = tpu.memref_slice %arg2[%mul3A_12, %dma_wait3A_169] : memref<2560x128xi32, #tpu.memory_space<hbm>> -> memref<40x128xi32, #tpu.memory_space<hbm>>
      tpu.wait_dma2 semaphore(%run_scoped3A : memref<!tpu.dma_semaphore, #tpu.memory_space<semaphore_mem>>) src(%dma_wait3A_170 : memref<40x128xi32, #tpu.memory_space<hbm>>) dst(%arg7 : memref<40x128xi32, #tpu.memory_space<vmem>>)
      tpu.yield
    }) : () -> ()
    %mul3A_13 = arith.constant 2 : i32
    %mul3A_14 = arith.muli %add3A, %mul3A_13 : i32
    %add3A_15 = arith.constant 0 : i32
    %add3A_16 = arith.addi %mul3A_14, %add3A_15 : i32
    %mul3A_17 = arith.constant 40 : i32
    %mul3A_18 = arith.muli %add3A_16, %mul3A_17 : i32
    "tpu.region"() ({
      %run_scoped3A = tpu.sem_alloc : memref<!tpu.dma_semaphore, #tpu.memory_space<semaphore_mem>>
      %dma_start3A_163 = arith.constant 0 : i32
      %dma_start3A_164 = tpu.memref_slice %arg3[%mul3A_18, %dma_start3A_163] : memref<2560x128xi32, #tpu.memory_space<hbm>> -> memref<40x128xi32, #tpu.memory_space<hbm>>
      %dma_start3A_165 = arith.constant 0 : i32
      %dma_start3A_166 = tpu.memref_slice %arg3[%mul3A_18, %dma_start3A_165] : memref<2560x128xi32, #tpu.memory_space<hbm>> -> memref<40x128xi32, #tpu.memory_space<hbm>>
      tpu.enqueue_dma source(%dma_start3A_166 : memref<40x128xi32, #tpu.memory_space<hbm>>) target(%arg8 : memref<40x128xi32, #tpu.memory_space<vmem>>) target_semaphore(%run_scoped3A : memref<!tpu.dma_semaphore, #tpu.memory_space<semaphore_mem>>)
      %dma_wait3A_167 = arith.constant 0 : i32
      %dma_wait3A_168 = tpu.memref_slice %arg3[%mul3A_18, %dma_wait3A_167] : memref<2560x128xi32, #tpu.memory_space<hbm>> -> memref<40x128xi32, #tpu.memory_space<hbm>>
      %dma_wait3A_169 = arith.constant 0 : i32
      %dma_wait3A_170 = tpu.memref_slice %arg3[%mul3A_18, %dma_wait3A_169] : memref<2560x128xi32, #tpu.memory_space<hbm>> -> memref<40x128xi32, #tpu.memory_space<hbm>>
      tpu.wait_dma2 semaphore(%run_scoped3A : memref<!tpu.dma_semaphore, #tpu.memory_space<semaphore_mem>>) src(%dma_wait3A_170 : memref<40x128xi32, #tpu.memory_space<hbm>>) dst(%arg8 : memref<40x128xi32, #tpu.memory_space<vmem>>)
      tpu.yield
    }) : () -> ()
    %dma_start3A = arith.constant 0 : i32
    %dma_start3A_19 = arith.constant 0 : i32
    %dma_start3A_20 = tpu.memref_slice %arg7[%dma_start3A, %dma_start3A_19] : memref<40x128xi32, #tpu.memory_space<vmem>> -> memref<1x128xi32, #tpu.memory_space<vmem>>
    %dma_start3A_21 = tpu.memref_squeeze %dma_start3A_20 : memref<1x128xi32, #tpu.memory_space<vmem>> -> memref<128xi32, #tpu.memory_space<vmem>>
    %dma_start3A_22 = arith.constant 0 : i32
    %dma_start3A_23 = arith.constant 0 : i32
    %dma_start3A_24 = tpu.memref_slice %arg4[%dma_start3A_22, %dma_start3A_23] : memref<10000x128xf32, #tpu.memory_space<hbm>> -> memref<10000x128xf32, #tpu.memory_space<hbm>>
    tpu.enqueue_indirect_dma source(%dma_start3A_24 : memref<10000x128xf32, #tpu.memory_space<hbm>>) target(%arg9 : memref<128x128xf32, #tpu.memory_space<vmem>>) offsets(%dma_start3A_21 : memref<128xi32, #tpu.memory_space<vmem>>) semaphore(%arg12 : memref<!tpu.dma_semaphore, #tpu.memory_space<semaphore_mem>>)
    %dma_start3A_25 = arith.constant 1 : i32
    %dma_start3A_26 = arith.constant 0 : i32
    %dma_start3A_27 = tpu.memref_slice %arg7[%dma_start3A_25, %dma_start3A_26] : memref<40x128xi32, #tpu.memory_space<vmem>> -> memref<1x128xi32, #tpu.memory_space<vmem>>
    %dma_start3A_28 = tpu.memref_squeeze %dma_start3A_27 : memref<1x128xi32, #tpu.memory_space<vmem>> -> memref<128xi32, #tpu.memory_space<vmem>>
    %dma_start3A_29 = arith.constant 0 : i32
    %dma_start3A_30 = arith.constant 0 : i32
    %dma_start3A_31 = tpu.memref_slice %arg4[%dma_start3A_29, %dma_start3A_30] : memref<10000x128xf32, #tpu.memory_space<hbm>> -> memref<10000x128xf32, #tpu.memory_space<hbm>>
    tpu.enqueue_indirect_dma source(%dma_start3A_31 : memref<10000x128xf32, #tpu.memory_space<hbm>>) target(%arg10 : memref<128x128xf32, #tpu.memory_space<vmem>>) offsets(%dma_start3A_28 : memref<128xi32, #tpu.memory_space<vmem>>) semaphore(%arg13 : memref<!tpu.dma_semaphore, #tpu.memory_space<semaphore_mem>>)
    %dma_wait3A = arith.constant 0 : i32
    %dma_wait3A_32 = arith.constant 0 : i32
    %dma_wait3A_33 = tpu.memref_slice %arg7[%dma_wait3A, %dma_wait3A_32] : memref<40x128xi32, #tpu.memory_space<vmem>> -> memref<1x128xi32, #tpu.memory_space<vmem>>
    %dma_wait3A_34 = tpu.memref_squeeze %dma_wait3A_33 : memref<1x128xi32, #tpu.memory_space<vmem>> -> memref<128xi32, #tpu.memory_space<vmem>>
    %dma_wait3A_35 = arith.constant 0 : i32
    %dma_wait3A_36 = arith.constant 0 : i32
    %dma_wait3A_37 = tpu.memref_slice %arg4[%dma_wait3A_35, %dma_wait3A_36] : memref<10000x128xf32, #tpu.memory_space<hbm>> -> memref<10000x128xf32, #tpu.memory_space<hbm>>
    tpu.wait_indirect_dma semaphore(%arg12 : memref<!tpu.dma_semaphore, #tpu.memory_space<semaphore_mem>>) src(%dma_wait3A_37 : memref<10000x128xf32, #tpu.memory_space<hbm>>) dst(%arg9 : memref<128x128xf32, #tpu.memory_space<vmem>>)
    %dma_start3A_38 = arith.constant 0 : i32
    %dma_start3A_39 = arith.constant 0 : i32
    %dma_start3A_40 = tpu.memref_slice %arg8[%dma_start3A_38, %dma_start3A_39] : memref<40x128xi32, #tpu.memory_space<vmem>> -> memref<1x128xi32, #tpu.memory_space<vmem>>
    %dma_start3A_41 = tpu.memref_squeeze %dma_start3A_40 : memref<1x128xi32, #tpu.memory_space<vmem>> -> memref<128xi32, #tpu.memory_space<vmem>>
    %dma_start3A_42 = arith.constant 0 : i32
    %dma_start3A_43 = arith.constant 0 : i32
    %dma_start3A_44 = tpu.memref_slice %arg11[%dma_start3A_42, %dma_start3A_43] : memref<10128x128xf32, #tpu.memory_space<vmem_shared>> -> memref<10128x128xf32, #tpu.memory_space<vmem_shared>>
    tpu.enqueue_indirect_dma source(%arg9 : memref<128x128xf32, #tpu.memory_space<vmem>>) target(%dma_start3A_44 : memref<10128x128xf32, #tpu.memory_space<vmem_shared>>) offsets(%dma_start3A_41 : memref<128xi32, #tpu.memory_space<vmem>>) semaphore(%arg14 : memref<!tpu.dma_semaphore, #tpu.memory_space<semaphore_mem>>) {add = true}
    %scan3A = arith.constant 0 : i32
    %scan3A_45 = arith.constant 0 : i32
    %scan3A_46 = arith.constant 19 : i32
    %scan3A_47 = arith.addi %scan3A_45, %scan3A_46 : i32
    %scan3A_48 = arith.constant 1 : i32
    scf.for %scan3A_163 = %scan3A_45 to %scan3A_47 step %scan3A_48  : i32 {
      %mul3A_164 = arith.constant 2 : i32
      %mul3A_165 = arith.muli %mul3A_164, %scan3A_163 : i32
      %add3A_166 = arith.constant 1 : i32
      %add3A_167 = arith.addi %mul3A_165, %add3A_166 : i32
      %add3A_168 = arith.constant 0 : i32
      %add3A_169 = arith.addi %add3A_167, %add3A_168 : i32
      %sub3A = arith.constant 1 : i32
      %sub3A_170 = arith.subi %add3A_169, %sub3A : i32
      %dma_wait3A_171 = arith.constant 0 : i32
      %dma_wait3A_172 = tpu.memref_slice %arg8[%sub3A_170, %dma_wait3A_171] : memref<40x128xi32, #tpu.memory_space<vmem>> -> memref<1x128xi32, #tpu.memory_space<vmem>>
      %dma_wait3A_173 = tpu.memref_squeeze %dma_wait3A_172 : memref<1x128xi32, #tpu.memory_space<vmem>> -> memref<128xi32, #tpu.memory_space<vmem>>
      %dma_wait3A_174 = arith.constant 0 : i32
      %dma_wait3A_175 = arith.constant 0 : i32
      %dma_wait3A_176 = tpu.memref_slice %arg11[%dma_wait3A_174, %dma_wait3A_175] : memref<10128x128xf32, #tpu.memory_space<vmem_shared>> -> memref<10128x128xf32, #tpu.memory_space<vmem_shared>>
      tpu.wait_indirect_dma semaphore(%arg14 : memref<!tpu.dma_semaphore, #tpu.memory_space<semaphore_mem>>) src(%arg9 : memref<128x128xf32, #tpu.memory_space<vmem>>) dst(%dma_wait3A_176 : memref<10128x128xf32, #tpu.memory_space<vmem_shared>>)
      %add3A_177 = arith.constant 1 : i32
      %add3A_178 = arith.addi %add3A_169, %add3A_177 : i32
      %dma_start3A_179 = arith.constant 0 : i32
      %dma_start3A_180 = tpu.memref_slice %arg7[%add3A_178, %dma_start3A_179] : memref<40x128xi32, #tpu.memory_space<vmem>> -> memref<1x128xi32, #tpu.memory_space<vmem>>
      %dma_start3A_181 = tpu.memref_squeeze %dma_start3A_180 : memref<1x128xi32, #tpu.memory_space<vmem>> -> memref<128xi32, #tpu.memory_space<vmem>>
      %dma_start3A_182 = arith.constant 0 : i32
      %dma_start3A_183 = arith.constant 0 : i32
      %dma_start3A_184 = tpu.memref_slice %arg4[%dma_start3A_182, %dma_start3A_183] : memref<10000x128xf32, #tpu.memory_space<hbm>> -> memref<10000x128xf32, #tpu.memory_space<hbm>>
      tpu.enqueue_indirect_dma source(%dma_start3A_184 : memref<10000x128xf32, #tpu.memory_space<hbm>>) target(%arg9 : memref<128x128xf32, #tpu.memory_space<vmem>>) offsets(%dma_start3A_181 : memref<128xi32, #tpu.memory_space<vmem>>) semaphore(%arg12 : memref<!tpu.dma_semaphore, #tpu.memory_space<semaphore_mem>>)
      %dma_wait3A_185 = arith.constant 0 : i32
      %dma_wait3A_186 = tpu.memref_slice %arg7[%add3A_169, %dma_wait3A_185] : memref<40x128xi32, #tpu.memory_space<vmem>> -> memref<1x128xi32, #tpu.memory_space<vmem>>
      %dma_wait3A_187 = tpu.memref_squeeze %dma_wait3A_186 : memref<1x128xi32, #tpu.memory_space<vmem>> -> memref<128xi32, #tpu.memory_space<vmem>>
      %dma_wait3A_188 = arith.constant 0 : i32
      %dma_wait3A_189 = arith.constant 0 : i32
      %dma_wait3A_190 = tpu.memref_slice %arg4[%dma_wait3A_188, %dma_wait3A_189] : memref<10000x128xf32, #tpu.memory_space<hbm>> -> memref<10000x128xf32, #tpu.memory_space<hbm>>
      tpu.wait_indirect_dma semaphore(%arg13 : memref<!tpu.dma_semaphore, #tpu.memory_space<semaphore_mem>>) src(%dma_wait3A_190 : memref<10000x128xf32, #tpu.memory_space<hbm>>) dst(%arg10 : memref<128x128xf32, #tpu.memory_space<vmem>>)
      %dma_start3A_191 = arith.constant 0 : i32
      %dma_start3A_192 = tpu.memref_slice %arg8[%add3A_169, %dma_start3A_191] : memref<40x128xi32, #tpu.memory_space<vmem>> -> memref<1x128xi32, #tpu.memory_space<vmem>>
      %dma_start3A_193 = tpu.memref_squeeze %dma_start3A_192 : memref<1x128xi32, #tpu.memory_space<vmem>> -> memref<128xi32, #tpu.memory_space<vmem>>
      %dma_start3A_194 = arith.constant 0 : i32
      %dma_start3A_195 = arith.constant 0 : i32
      %dma_start3A_196 = tpu.memref_slice %arg11[%dma_start3A_194, %dma_start3A_195] : memref<10128x128xf32, #tpu.memory_space<vmem_shared>> -> memref<10128x128xf32, #tpu.memory_space<vmem_shared>>
      tpu.enqueue_indirect_dma source(%arg10 : memref<128x128xf32, #tpu.memory_space<vmem>>) target(%dma_start3A_196 : memref<10128x128xf32, #tpu.memory_space<vmem_shared>>) offsets(%dma_start3A_193 : memref<128xi32, #tpu.memory_space<vmem>>) semaphore(%arg15 : memref<!tpu.dma_semaphore, #tpu.memory_space<semaphore_mem>>) {add = true}
      %mul3A_197 = arith.constant 2 : i32
      %mul3A_198 = arith.muli %mul3A_197, %scan3A_163 : i32
      %add3A_199 = arith.constant 1 : i32
      %add3A_200 = arith.addi %mul3A_198, %add3A_199 : i32
      %add3A_201 = arith.constant 1 : i32
      %add3A_202 = arith.addi %add3A_200, %add3A_201 : i32
      %sub3A_203 = arith.constant 1 : i32
      %sub3A_204 = arith.subi %add3A_202, %sub3A_203 : i32
      %dma_wait3A_205 = arith.constant 0 : i32
      %dma_wait3A_206 = tpu.memref_slice %arg8[%sub3A_204, %dma_wait3A_205] : memref<40x128xi32, #tpu.memory_space<vmem>> -> memref<1x128xi32, #tpu.memory_space<vmem>>
      %dma_wait3A_207 = tpu.memref_squeeze %dma_wait3A_206 : memref<1x128xi32, #tpu.memory_space<vmem>> -> memref<128xi32, #tpu.memory_space<vmem>>
      %dma_wait3A_208 = arith.constant 0 : i32
      %dma_wait3A_209 = arith.constant 0 : i32
      %dma_wait3A_210 = tpu.memref_slice %arg11[%dma_wait3A_208, %dma_wait3A_209] : memref<10128x128xf32, #tpu.memory_space<vmem_shared>> -> memref<10128x128xf32, #tpu.memory_space<vmem_shared>>
      tpu.wait_indirect_dma semaphore(%arg15 : memref<!tpu.dma_semaphore, #tpu.memory_space<semaphore_mem>>) src(%arg10 : memref<128x128xf32, #tpu.memory_space<vmem>>) dst(%dma_wait3A_210 : memref<10128x128xf32, #tpu.memory_space<vmem_shared>>)
      %add3A_211 = arith.constant 1 : i32
      %add3A_212 = arith.addi %add3A_202, %add3A_211 : i32
      %dma_start3A_213 = arith.constant 0 : i32
      %dma_start3A_214 = tpu.memref_slice %arg7[%add3A_212, %dma_start3A_213] : memref<40x128xi32, #tpu.memory_space<vmem>> -> memref<1x128xi32, #tpu.memory_space<vmem>>
      %dma_start3A_215 = tpu.memref_squeeze %dma_start3A_214 : memref<1x128xi32, #tpu.memory_space<vmem>> -> memref<128xi32, #tpu.memory_space<vmem>>
      %dma_start3A_216 = arith.constant 0 : i32
      %dma_start3A_217 = arith.constant 0 : i32
      %dma_start3A_218 = tpu.memref_slice %arg4[%dma_start3A_216, %dma_start3A_217] : memref<10000x128xf32, #tpu.memory_space<hbm>> -> memref<10000x128xf32, #tpu.memory_space<hbm>>
      tpu.enqueue_indirect_dma source(%dma_start3A_218 : memref<10000x128xf32, #tpu.memory_space<hbm>>) target(%arg10 : memref<128x128xf32, #tpu.memory_space<vmem>>) offsets(%dma_start3A_215 : memref<128xi32, #tpu.memory_space<vmem>>) semaphore(%arg13 : memref<!tpu.dma_semaphore, #tpu.memory_space<semaphore_mem>>)
      %dma_wait3A_219 = arith.constant 0 : i32
      %dma_wait3A_220 = tpu.memref_slice %arg7[%add3A_202, %dma_wait3A_219] : memref<40x128xi32, #tpu.memory_space<vmem>> -> memref<1x128xi32, #tpu.memory_space<vmem>>
      %dma_wait3A_221 = tpu.memref_squeeze %dma_wait3A_220 : memref<1x128xi32, #tpu.memory_space<vmem>> -> memref<128xi32, #tpu.memory_space<vmem>>
      %dma_wait3A_222 = arith.constant 0 : i32
      %dma_wait3A_223 = arith.constant 0 : i32
      %dma_wait3A_224 = tpu.memref_slice %arg4[%dma_wait3A_222, %dma_wait3A_223] : memref<10000x128xf32, #tpu.memory_space<hbm>> -> memref<10000x128xf32, #tpu.memory_space<hbm>>
      tpu.wait_indirect_dma semaphore(%arg12 : memref<!tpu.dma_semaphore, #tpu.memory_space<semaphore_mem>>) src(%dma_wait3A_224 : memref<10000x128xf32, #tpu.memory_space<hbm>>) dst(%arg9 : memref<128x128xf32, #tpu.memory_space<vmem>>)
      %dma_start3A_225 = arith.constant 0 : i32
      %dma_start3A_226 = tpu.memref_slice %arg8[%add3A_202, %dma_start3A_225] : memref<40x128xi32, #tpu.memory_space<vmem>> -> memref<1x128xi32, #tpu.memory_space<vmem>>
      %dma_start3A_227 = tpu.memref_squeeze %dma_start3A_226 : memref<1x128xi32, #tpu.memory_space<vmem>> -> memref<128xi32, #tpu.memory_space<vmem>>
      %dma_start3A_228 = arith.constant 0 : i32
      %dma_start3A_229 = arith.constant 0 : i32
      %dma_start3A_230 = tpu.memref_slice %arg11[%dma_start3A_228, %dma_start3A_229] : memref<10128x128xf32, #tpu.memory_space<vmem_shared>> -> memref<10128x128xf32, #tpu.memory_space<vmem_shared>>
      tpu.enqueue_indirect_dma source(%arg9 : memref<128x128xf32, #tpu.memory_space<vmem>>) target(%dma_start3A_230 : memref<10128x128xf32, #tpu.memory_space<vmem_shared>>) offsets(%dma_start3A_227 : memref<128xi32, #tpu.memory_space<vmem>>) semaphore(%arg14 : memref<!tpu.dma_semaphore, #tpu.memory_space<semaphore_mem>>) {add = true}
    }
    %scan3A_49 = arith.constant 19 : i32
    %dma_wait3A_50 = arith.constant 38 : i32
    %dma_wait3A_51 = arith.constant 0 : i32
    %dma_wait3A_52 = tpu.memref_slice %arg8[%dma_wait3A_50, %dma_wait3A_51] : memref<40x128xi32, #tpu.memory_space<vmem>> -> memref<1x128xi32, #tpu.memory_space<vmem>>
    %dma_wait3A_53 = tpu.memref_squeeze %dma_wait3A_52 : memref<1x128xi32, #tpu.memory_space<vmem>> -> memref<128xi32, #tpu.memory_space<vmem>>
    %dma_wait3A_54 = arith.constant 0 : i32
    %dma_wait3A_55 = arith.constant 0 : i32
    %dma_wait3A_56 = tpu.memref_slice %arg11[%dma_wait3A_54, %dma_wait3A_55] : memref<10128x128xf32, #tpu.memory_space<vmem_shared>> -> memref<10128x128xf32, #tpu.memory_space<vmem_shared>>
    tpu.wait_indirect_dma semaphore(%arg14 : memref<!tpu.dma_semaphore, #tpu.memory_space<semaphore_mem>>) src(%arg9 : memref<128x128xf32, #tpu.memory_space<vmem>>) dst(%dma_wait3A_56 : memref<10128x128xf32, #tpu.memory_space<vmem_shared>>)
    %dma_wait3A_57 = arith.constant 39 : i32
    %dma_wait3A_58 = arith.constant 0 : i32
    %dma_wait3A_59 = tpu.memref_slice %arg7[%dma_wait3A_57, %dma_wait3A_58] : memref<40x128xi32, #tpu.memory_space<vmem>> -> memref<1x128xi32, #tpu.memory_space<vmem>>
    %dma_wait3A_60 = tpu.memref_squeeze %dma_wait3A_59 : memref<1x128xi32, #tpu.memory_space<vmem>> -> memref<128xi32, #tpu.memory_space<vmem>>
    %dma_wait3A_61 = arith.constant 0 : i32
    %dma_wait3A_62 = arith.constant 0 : i32
    %dma_wait3A_63 = tpu.memref_slice %arg4[%dma_wait3A_61, %dma_wait3A_62] : memref<10000x128xf32, #tpu.memory_space<hbm>> -> memref<10000x128xf32, #tpu.memory_space<hbm>>
    tpu.wait_indirect_dma semaphore(%arg13 : memref<!tpu.dma_semaphore, #tpu.memory_space<semaphore_mem>>) src(%dma_wait3A_63 : memref<10000x128xf32, #tpu.memory_space<hbm>>) dst(%arg10 : memref<128x128xf32, #tpu.memory_space<vmem>>)
    %dma_start3A_64 = arith.constant 39 : i32
    %dma_start3A_65 = arith.constant 0 : i32
    %dma_start3A_66 = tpu.memref_slice %arg8[%dma_start3A_64, %dma_start3A_65] : memref<40x128xi32, #tpu.memory_space<vmem>> -> memref<1x128xi32, #tpu.memory_space<vmem>>
    %dma_start3A_67 = tpu.memref_squeeze %dma_start3A_66 : memref<1x128xi32, #tpu.memory_space<vmem>> -> memref<128xi32, #tpu.memory_space<vmem>>
    %dma_start3A_68 = arith.constant 0 : i32
    %dma_start3A_69 = arith.constant 0 : i32
    %dma_start3A_70 = tpu.memref_slice %arg11[%dma_start3A_68, %dma_start3A_69] : memref<10128x128xf32, #tpu.memory_space<vmem_shared>> -> memref<10128x128xf32, #tpu.memory_space<vmem_shared>>
    tpu.enqueue_indirect_dma source(%arg10 : memref<128x128xf32, #tpu.memory_space<vmem>>) target(%dma_start3A_70 : memref<10128x128xf32, #tpu.memory_space<vmem_shared>>) offsets(%dma_start3A_67 : memref<128xi32, #tpu.memory_space<vmem>>) semaphore(%arg15 : memref<!tpu.dma_semaphore, #tpu.memory_space<semaphore_mem>>) {add = true}
    %dma_wait3A_71 = arith.constant 39 : i32
    %dma_wait3A_72 = arith.constant 0 : i32
    %dma_wait3A_73 = tpu.memref_slice %arg8[%dma_wait3A_71, %dma_wait3A_72] : memref<40x128xi32, #tpu.memory_space<vmem>> -> memref<1x128xi32, #tpu.memory_space<vmem>>
    %dma_wait3A_74 = tpu.memref_squeeze %dma_wait3A_73 : memref<1x128xi32, #tpu.memory_space<vmem>> -> memref<128xi32, #tpu.memory_space<vmem>>
    %dma_wait3A_75 = arith.constant 0 : i32
    %dma_wait3A_76 = arith.constant 0 : i32
    %dma_wait3A_77 = tpu.memref_slice %arg11[%dma_wait3A_75, %dma_wait3A_76] : memref<10128x128xf32, #tpu.memory_space<vmem_shared>> -> memref<10128x128xf32, #tpu.memory_space<vmem_shared>>
    tpu.wait_indirect_dma semaphore(%arg15 : memref<!tpu.dma_semaphore, #tpu.memory_space<semaphore_mem>>) src(%arg10 : memref<128x128xf32, #tpu.memory_space<vmem>>) dst(%dma_wait3A_77 : memref<10128x128xf32, #tpu.memory_space<vmem_shared>>)
    %mul3A_78 = arith.constant 2 : i32
    %mul3A_79 = arith.muli %add3A, %mul3A_78 : i32
    %add3A_80 = arith.constant 1 : i32
    %add3A_81 = arith.addi %mul3A_79, %add3A_80 : i32
    %mul3A_82 = arith.constant 40 : i32
    %mul3A_83 = arith.muli %add3A_81, %mul3A_82 : i32
    "tpu.region"() ({
      %run_scoped3A = tpu.sem_alloc : memref<!tpu.dma_semaphore, #tpu.memory_space<semaphore_mem>>
      %dma_start3A_163 = arith.constant 0 : i32
      %dma_start3A_164 = tpu.memref_slice %arg2[%mul3A_83, %dma_start3A_163] : memref<2560x128xi32, #tpu.memory_space<hbm>> -> memref<40x128xi32, #tpu.memory_space<hbm>>
      %dma_start3A_165 = arith.constant 0 : i32
      %dma_start3A_166 = tpu.memref_slice %arg2[%mul3A_83, %dma_start3A_165] : memref<2560x128xi32, #tpu.memory_space<hbm>> -> memref<40x128xi32, #tpu.memory_space<hbm>>
      tpu.enqueue_dma source(%dma_start3A_166 : memref<40x128xi32, #tpu.memory_space<hbm>>) target(%arg7 : memref<40x128xi32, #tpu.memory_space<vmem>>) target_semaphore(%run_scoped3A : memref<!tpu.dma_semaphore, #tpu.memory_space<semaphore_mem>>)
      %dma_wait3A_167 = arith.constant 0 : i32
      %dma_wait3A_168 = tpu.memref_slice %arg2[%mul3A_83, %dma_wait3A_167] : memref<2560x128xi32, #tpu.memory_space<hbm>> -> memref<40x128xi32, #tpu.memory_space<hbm>>
      %dma_wait3A_169 = arith.constant 0 : i32
      %dma_wait3A_170 = tpu.memref_slice %arg2[%mul3A_83, %dma_wait3A_169] : memref<2560x128xi32, #tpu.memory_space<hbm>> -> memref<40x128xi32, #tpu.memory_space<hbm>>
      tpu.wait_dma2 semaphore(%run_scoped3A : memref<!tpu.dma_semaphore, #tpu.memory_space<semaphore_mem>>) src(%dma_wait3A_170 : memref<40x128xi32, #tpu.memory_space<hbm>>) dst(%arg7 : memref<40x128xi32, #tpu.memory_space<vmem>>)
      tpu.yield
    }) : () -> ()
    %mul3A_84 = arith.constant 2 : i32
    %mul3A_85 = arith.muli %add3A, %mul3A_84 : i32
    %add3A_86 = arith.constant 1 : i32
    %add3A_87 = arith.addi %mul3A_85, %add3A_86 : i32
    %mul3A_88 = arith.constant 40 : i32
    %mul3A_89 = arith.muli %add3A_87, %mul3A_88 : i32
    "tpu.region"() ({
      %run_scoped3A = tpu.sem_alloc : memref<!tpu.dma_semaphore, #tpu.memory_space<semaphore_mem>>
      %dma_start3A_163 = arith.constant 0 : i32
      %dma_start3A_164 = tpu.memref_slice %arg3[%mul3A_89, %dma_start3A_163] : memref<2560x128xi32, #tpu.memory_space<hbm>> -> memref<40x128xi32, #tpu.memory_space<hbm>>
      %dma_start3A_165 = arith.constant 0 : i32
      %dma_start3A_166 = tpu.memref_slice %arg3[%mul3A_89, %dma_start3A_165] : memref<2560x128xi32, #tpu.memory_space<hbm>> -> memref<40x128xi32, #tpu.memory_space<hbm>>
      tpu.enqueue_dma source(%dma_start3A_166 : memref<40x128xi32, #tpu.memory_space<hbm>>) target(%arg8 : memref<40x128xi32, #tpu.memory_space<vmem>>) target_semaphore(%run_scoped3A : memref<!tpu.dma_semaphore, #tpu.memory_space<semaphore_mem>>)
      %dma_wait3A_167 = arith.constant 0 : i32
      %dma_wait3A_168 = tpu.memref_slice %arg3[%mul3A_89, %dma_wait3A_167] : memref<2560x128xi32, #tpu.memory_space<hbm>> -> memref<40x128xi32, #tpu.memory_space<hbm>>
      %dma_wait3A_169 = arith.constant 0 : i32
      %dma_wait3A_170 = tpu.memref_slice %arg3[%mul3A_89, %dma_wait3A_169] : memref<2560x128xi32, #tpu.memory_space<hbm>> -> memref<40x128xi32, #tpu.memory_space<hbm>>
      tpu.wait_dma2 semaphore(%run_scoped3A : memref<!tpu.dma_semaphore, #tpu.memory_space<semaphore_mem>>) src(%dma_wait3A_170 : memref<40x128xi32, #tpu.memory_space<hbm>>) dst(%arg8 : memref<40x128xi32, #tpu.memory_space<vmem>>)
      tpu.yield
    }) : () -> ()
    %dma_start3A_90 = arith.constant 0 : i32
    %dma_start3A_91 = arith.constant 0 : i32
    %dma_start3A_92 = tpu.memref_slice %arg7[%dma_start3A_90, %dma_start3A_91] : memref<40x128xi32, #tpu.memory_space<vmem>> -> memref<1x128xi32, #tpu.memory_space<vmem>>
    %dma_start3A_93 = tpu.memref_squeeze %dma_start3A_92 : memref<1x128xi32, #tpu.memory_space<vmem>> -> memref<128xi32, #tpu.memory_space<vmem>>
    %dma_start3A_94 = arith.constant 0 : i32
    %dma_start3A_95 = arith.constant 0 : i32
    %dma_start3A_96 = tpu.memref_slice %arg4[%dma_start3A_94, %dma_start3A_95] : memref<10000x128xf32, #tpu.memory_space<hbm>> -> memref<10000x128xf32, #tpu.memory_space<hbm>>
    tpu.enqueue_indirect_dma source(%dma_start3A_96 : memref<10000x128xf32, #tpu.memory_space<hbm>>) target(%arg9 : memref<128x128xf32, #tpu.memory_space<vmem>>) offsets(%dma_start3A_93 : memref<128xi32, #tpu.memory_space<vmem>>) semaphore(%arg12 : memref<!tpu.dma_semaphore, #tpu.memory_space<semaphore_mem>>)
    %dma_start3A_97 = arith.constant 1 : i32
    %dma_start3A_98 = arith.constant 0 : i32
    %dma_start3A_99 = tpu.memref_slice %arg7[%dma_start3A_97, %dma_start3A_98] : memref<40x128xi32, #tpu.memory_space<vmem>> -> memref<1x128xi32, #tpu.memory_space<vmem>>
    %dma_start3A_100 = tpu.memref_squeeze %dma_start3A_99 : memref<1x128xi32, #tpu.memory_space<vmem>> -> memref<128xi32, #tpu.memory_space<vmem>>
    %dma_start3A_101 = arith.constant 0 : i32
    %dma_start3A_102 = arith.constant 0 : i32
    %dma_start3A_103 = tpu.memref_slice %arg4[%dma_start3A_101, %dma_start3A_102] : memref<10000x128xf32, #tpu.memory_space<hbm>> -> memref<10000x128xf32, #tpu.memory_space<hbm>>
    tpu.enqueue_indirect_dma source(%dma_start3A_103 : memref<10000x128xf32, #tpu.memory_space<hbm>>) target(%arg10 : memref<128x128xf32, #tpu.memory_space<vmem>>) offsets(%dma_start3A_100 : memref<128xi32, #tpu.memory_space<vmem>>) semaphore(%arg13 : memref<!tpu.dma_semaphore, #tpu.memory_space<semaphore_mem>>)
    %dma_wait3A_104 = arith.constant 0 : i32
    %dma_wait3A_105 = arith.constant 0 : i32
    %dma_wait3A_106 = tpu.memref_slice %arg7[%dma_wait3A_104, %dma_wait3A_105] : memref<40x128xi32, #tpu.memory_space<vmem>> -> memref<1x128xi32, #tpu.memory_space<vmem>>
    %dma_wait3A_107 = tpu.memref_squeeze %dma_wait3A_106 : memref<1x128xi32, #tpu.memory_space<vmem>> -> memref<128xi32, #tpu.memory_space<vmem>>
    %dma_wait3A_108 = arith.constant 0 : i32
    %dma_wait3A_109 = arith.constant 0 : i32
    %dma_wait3A_110 = tpu.memref_slice %arg4[%dma_wait3A_108, %dma_wait3A_109] : memref<10000x128xf32, #tpu.memory_space<hbm>> -> memref<10000x128xf32, #tpu.memory_space<hbm>>
    tpu.wait_indirect_dma semaphore(%arg12 : memref<!tpu.dma_semaphore, #tpu.memory_space<semaphore_mem>>) src(%dma_wait3A_110 : memref<10000x128xf32, #tpu.memory_space<hbm>>) dst(%arg9 : memref<128x128xf32, #tpu.memory_space<vmem>>)
    %dma_start3A_111 = arith.constant 0 : i32
    %dma_start3A_112 = arith.constant 0 : i32
    %dma_start3A_113 = tpu.memref_slice %arg8[%dma_start3A_111, %dma_start3A_112] : memref<40x128xi32, #tpu.memory_space<vmem>> -> memref<1x128xi32, #tpu.memory_space<vmem>>
    %dma_start3A_114 = tpu.memref_squeeze %dma_start3A_113 : memref<1x128xi32, #tpu.memory_space<vmem>> -> memref<128xi32, #tpu.memory_space<vmem>>
    %dma_start3A_115 = arith.constant 0 : i32
    %dma_start3A_116 = arith.constant 0 : i32
    %dma_start3A_117 = tpu.memref_slice %arg11[%dma_start3A_115, %dma_start3A_116] : memref<10128x128xf32, #tpu.memory_space<vmem_shared>> -> memref<10128x128xf32, #tpu.memory_space<vmem_shared>>
    tpu.enqueue_indirect_dma source(%arg9 : memref<128x128xf32, #tpu.memory_space<vmem>>) target(%dma_start3A_117 : memref<10128x128xf32, #tpu.memory_space<vmem_shared>>) offsets(%dma_start3A_114 : memref<128xi32, #tpu.memory_space<vmem>>) semaphore(%arg14 : memref<!tpu.dma_semaphore, #tpu.memory_space<semaphore_mem>>) {add = true}
    %scan3A_118 = arith.constant 0 : i32
    %scan3A_119 = arith.constant 0 : i32
    %scan3A_120 = arith.constant 19 : i32
    %scan3A_121 = arith.addi %scan3A_119, %scan3A_120 : i32
    %scan3A_122 = arith.constant 1 : i32
    scf.for %scan3A_163 = %scan3A_119 to %scan3A_121 step %scan3A_122  : i32 {
      %mul3A_164 = arith.constant 2 : i32
      %mul3A_165 = arith.muli %mul3A_164, %scan3A_163 : i32
      %add3A_166 = arith.constant 1 : i32
      %add3A_167 = arith.addi %mul3A_165, %add3A_166 : i32
      %add3A_168 = arith.constant 0 : i32
      %add3A_169 = arith.addi %add3A_167, %add3A_168 : i32
      %sub3A = arith.constant 1 : i32
      %sub3A_170 = arith.subi %add3A_169, %sub3A : i32
      %dma_wait3A_171 = arith.constant 0 : i32
      %dma_wait3A_172 = tpu.memref_slice %arg8[%sub3A_170, %dma_wait3A_171] : memref<40x128xi32, #tpu.memory_space<vmem>> -> memref<1x128xi32, #tpu.memory_space<vmem>>
      %dma_wait3A_173 = tpu.memref_squeeze %dma_wait3A_172 : memref<1x128xi32, #tpu.memory_space<vmem>> -> memref<128xi32, #tpu.memory_space<vmem>>
      %dma_wait3A_174 = arith.constant 0 : i32
      %dma_wait3A_175 = arith.constant 0 : i32
      %dma_wait3A_176 = tpu.memref_slice %arg11[%dma_wait3A_174, %dma_wait3A_175] : memref<10128x128xf32, #tpu.memory_space<vmem_shared>> -> memref<10128x128xf32, #tpu.memory_space<vmem_shared>>
      tpu.wait_indirect_dma semaphore(%arg14 : memref<!tpu.dma_semaphore, #tpu.memory_space<semaphore_mem>>) src(%arg9 : memref<128x128xf32, #tpu.memory_space<vmem>>) dst(%dma_wait3A_176 : memref<10128x128xf32, #tpu.memory_space<vmem_shared>>)
      %add3A_177 = arith.constant 1 : i32
      %add3A_178 = arith.addi %add3A_169, %add3A_177 : i32
      %dma_start3A_179 = arith.constant 0 : i32
      %dma_start3A_180 = tpu.memref_slice %arg7[%add3A_178, %dma_start3A_179] : memref<40x128xi32, #tpu.memory_space<vmem>> -> memref<1x128xi32, #tpu.memory_space<vmem>>
      %dma_start3A_181 = tpu.memref_squeeze %dma_start3A_180 : memref<1x128xi32, #tpu.memory_space<vmem>> -> memref<128xi32, #tpu.memory_space<vmem>>
      %dma_start3A_182 = arith.constant 0 : i32
      %dma_start3A_183 = arith.constant 0 : i32
      %dma_start3A_184 = tpu.memref_slice %arg4[%dma_start3A_182, %dma_start3A_183] : memref<10000x128xf32, #tpu.memory_space<hbm>> -> memref<10000x128xf32, #tpu.memory_space<hbm>>
      tpu.enqueue_indirect_dma source(%dma_start3A_184 : memref<10000x128xf32, #tpu.memory_space<hbm>>) target(%arg9 : memref<128x128xf32, #tpu.memory_space<vmem>>) offsets(%dma_start3A_181 : memref<128xi32, #tpu.memory_space<vmem>>) semaphore(%arg12 : memref<!tpu.dma_semaphore, #tpu.memory_space<semaphore_mem>>)
      %dma_wait3A_185 = arith.constant 0 : i32
      %dma_wait3A_186 = tpu.memref_slice %arg7[%add3A_169, %dma_wait3A_185] : memref<40x128xi32, #tpu.memory_space<vmem>> -> memref<1x128xi32, #tpu.memory_space<vmem>>
      %dma_wait3A_187 = tpu.memref_squeeze %dma_wait3A_186 : memref<1x128xi32, #tpu.memory_space<vmem>> -> memref<128xi32, #tpu.memory_space<vmem>>
      %dma_wait3A_188 = arith.constant 0 : i32
      %dma_wait3A_189 = arith.constant 0 : i32
      %dma_wait3A_190 = tpu.memref_slice %arg4[%dma_wait3A_188, %dma_wait3A_189] : memref<10000x128xf32, #tpu.memory_space<hbm>> -> memref<10000x128xf32, #tpu.memory_space<hbm>>
      tpu.wait_indirect_dma semaphore(%arg13 : memref<!tpu.dma_semaphore, #tpu.memory_space<semaphore_mem>>) src(%dma_wait3A_190 : memref<10000x128xf32, #tpu.memory_space<hbm>>) dst(%arg10 : memref<128x128xf32, #tpu.memory_space<vmem>>)
      %dma_start3A_191 = arith.constant 0 : i32
      %dma_start3A_192 = tpu.memref_slice %arg8[%add3A_169, %dma_start3A_191] : memref<40x128xi32, #tpu.memory_space<vmem>> -> memref<1x128xi32, #tpu.memory_space<vmem>>
      %dma_start3A_193 = tpu.memref_squeeze %dma_start3A_192 : memref<1x128xi32, #tpu.memory_space<vmem>> -> memref<128xi32, #tpu.memory_space<vmem>>
      %dma_start3A_194 = arith.constant 0 : i32
      %dma_start3A_195 = arith.constant 0 : i32
      %dma_start3A_196 = tpu.memref_slice %arg11[%dma_start3A_194, %dma_start3A_195] : memref<10128x128xf32, #tpu.memory_space<vmem_shared>> -> memref<10128x128xf32, #tpu.memory_space<vmem_shared>>
      tpu.enqueue_indirect_dma source(%arg10 : memref<128x128xf32, #tpu.memory_space<vmem>>) target(%dma_start3A_196 : memref<10128x128xf32, #tpu.memory_space<vmem_shared>>) offsets(%dma_start3A_193 : memref<128xi32, #tpu.memory_space<vmem>>) semaphore(%arg15 : memref<!tpu.dma_semaphore, #tpu.memory_space<semaphore_mem>>) {add = true}
      %mul3A_197 = arith.constant 2 : i32
      %mul3A_198 = arith.muli %mul3A_197, %scan3A_163 : i32
      %add3A_199 = arith.constant 1 : i32
      %add3A_200 = arith.addi %mul3A_198, %add3A_199 : i32
      %add3A_201 = arith.constant 1 : i32
      %add3A_202 = arith.addi %add3A_200, %add3A_201 : i32
      %sub3A_203 = arith.constant 1 : i32
      %sub3A_204 = arith.subi %add3A_202, %sub3A_203 : i32
      %dma_wait3A_205 = arith.constant 0 : i32
      %dma_wait3A_206 = tpu.memref_slice %arg8[%sub3A_204, %dma_wait3A_205] : memref<40x128xi32, #tpu.memory_space<vmem>> -> memref<1x128xi32, #tpu.memory_space<vmem>>
      %dma_wait3A_207 = tpu.memref_squeeze %dma_wait3A_206 : memref<1x128xi32, #tpu.memory_space<vmem>> -> memref<128xi32, #tpu.memory_space<vmem>>
      %dma_wait3A_208 = arith.constant 0 : i32
      %dma_wait3A_209 = arith.constant 0 : i32
      %dma_wait3A_210 = tpu.memref_slice %arg11[%dma_wait3A_208, %dma_wait3A_209] : memref<10128x128xf32, #tpu.memory_space<vmem_shared>> -> memref<10128x128xf32, #tpu.memory_space<vmem_shared>>
      tpu.wait_indirect_dma semaphore(%arg15 : memref<!tpu.dma_semaphore, #tpu.memory_space<semaphore_mem>>) src(%arg10 : memref<128x128xf32, #tpu.memory_space<vmem>>) dst(%dma_wait3A_210 : memref<10128x128xf32, #tpu.memory_space<vmem_shared>>)
      %add3A_211 = arith.constant 1 : i32
      %add3A_212 = arith.addi %add3A_202, %add3A_211 : i32
      %dma_start3A_213 = arith.constant 0 : i32
      %dma_start3A_214 = tpu.memref_slice %arg7[%add3A_212, %dma_start3A_213] : memref<40x128xi32, #tpu.memory_space<vmem>> -> memref<1x128xi32, #tpu.memory_space<vmem>>
      %dma_start3A_215 = tpu.memref_squeeze %dma_start3A_214 : memref<1x128xi32, #tpu.memory_space<vmem>> -> memref<128xi32, #tpu.memory_space<vmem>>
      %dma_start3A_216 = arith.constant 0 : i32
      %dma_start3A_217 = arith.constant 0 : i32
      %dma_start3A_218 = tpu.memref_slice %arg4[%dma_start3A_216, %dma_start3A_217] : memref<10000x128xf32, #tpu.memory_space<hbm>> -> memref<10000x128xf32, #tpu.memory_space<hbm>>
      tpu.enqueue_indirect_dma source(%dma_start3A_218 : memref<10000x128xf32, #tpu.memory_space<hbm>>) target(%arg10 : memref<128x128xf32, #tpu.memory_space<vmem>>) offsets(%dma_start3A_215 : memref<128xi32, #tpu.memory_space<vmem>>) semaphore(%arg13 : memref<!tpu.dma_semaphore, #tpu.memory_space<semaphore_mem>>)
      %dma_wait3A_219 = arith.constant 0 : i32
      %dma_wait3A_220 = tpu.memref_slice %arg7[%add3A_202, %dma_wait3A_219] : memref<40x128xi32, #tpu.memory_space<vmem>> -> memref<1x128xi32, #tpu.memory_space<vmem>>
      %dma_wait3A_221 = tpu.memref_squeeze %dma_wait3A_220 : memref<1x128xi32, #tpu.memory_space<vmem>> -> memref<128xi32, #tpu.memory_space<vmem>>
      %dma_wait3A_222 = arith.constant 0 : i32
      %dma_wait3A_223 = arith.constant 0 : i32
      %dma_wait3A_224 = tpu.memref_slice %arg4[%dma_wait3A_222, %dma_wait3A_223] : memref<10000x128xf32, #tpu.memory_space<hbm>> -> memref<10000x128xf32, #tpu.memory_space<hbm>>
      tpu.wait_indirect_dma semaphore(%arg12 : memref<!tpu.dma_semaphore, #tpu.memory_space<semaphore_mem>>) src(%dma_wait3A_224 : memref<10000x128xf32, #tpu.memory_space<hbm>>) dst(%arg9 : memref<128x128xf32, #tpu.memory_space<vmem>>)
      %dma_start3A_225 = arith.constant 0 : i32
      %dma_start3A_226 = tpu.memref_slice %arg8[%add3A_202, %dma_start3A_225] : memref<40x128xi32, #tpu.memory_space<vmem>> -> memref<1x128xi32, #tpu.memory_space<vmem>>
      %dma_start3A_227 = tpu.memref_squeeze %dma_start3A_226 : memref<1x128xi32, #tpu.memory_space<vmem>> -> memref<128xi32, #tpu.memory_space<vmem>>
      %dma_start3A_228 = arith.constant 0 : i32
      %dma_start3A_229 = arith.constant 0 : i32
      %dma_start3A_230 = tpu.memref_slice %arg11[%dma_start3A_228, %dma_start3A_229] : memref<10128x128xf32, #tpu.memory_space<vmem_shared>> -> memref<10128x128xf32, #tpu.memory_space<vmem_shared>>
      tpu.enqueue_indirect_dma source(%arg9 : memref<128x128xf32, #tpu.memory_space<vmem>>) target(%dma_start3A_230 : memref<10128x128xf32, #tpu.memory_space<vmem_shared>>) offsets(%dma_start3A_227 : memref<128xi32, #tpu.memory_space<vmem>>) semaphore(%arg14 : memref<!tpu.dma_semaphore, #tpu.memory_space<semaphore_mem>>) {add = true}
    }
    %scan3A_123 = arith.constant 19 : i32
    %dma_wait3A_124 = arith.constant 38 : i32
    %dma_wait3A_125 = arith.constant 0 : i32
    %dma_wait3A_126 = tpu.memref_slice %arg8[%dma_wait3A_124, %dma_wait3A_125] : memref<40x128xi32, #tpu.memory_space<vmem>> -> memref<1x128xi32, #tpu.memory_space<vmem>>
    %dma_wait3A_127 = tpu.memref_squeeze %dma_wait3A_126 : memref<1x128xi32, #tpu.memory_space<vmem>> -> memref<128xi32, #tpu.memory_space<vmem>>
    %dma_wait3A_128 = arith.constant 0 : i32
    %dma_wait3A_129 = arith.constant 0 : i32
    %dma_wait3A_130 = tpu.memref_slice %arg11[%dma_wait3A_128, %dma_wait3A_129] : memref<10128x128xf32, #tpu.memory_space<vmem_shared>> -> memref<10128x128xf32, #tpu.memory_space<vmem_shared>>
    tpu.wait_indirect_dma semaphore(%arg14 : memref<!tpu.dma_semaphore, #tpu.memory_space<semaphore_mem>>) src(%arg9 : memref<128x128xf32, #tpu.memory_space<vmem>>) dst(%dma_wait3A_130 : memref<10128x128xf32, #tpu.memory_space<vmem_shared>>)
    %dma_wait3A_131 = arith.constant 39 : i32
    %dma_wait3A_132 = arith.constant 0 : i32
    %dma_wait3A_133 = tpu.memref_slice %arg7[%dma_wait3A_131, %dma_wait3A_132] : memref<40x128xi32, #tpu.memory_space<vmem>> -> memref<1x128xi32, #tpu.memory_space<vmem>>
    %dma_wait3A_134 = tpu.memref_squeeze %dma_wait3A_133 : memref<1x128xi32, #tpu.memory_space<vmem>> -> memref<128xi32, #tpu.memory_space<vmem>>
    %dma_wait3A_135 = arith.constant 0 : i32
    %dma_wait3A_136 = arith.constant 0 : i32
    %dma_wait3A_137 = tpu.memref_slice %arg4[%dma_wait3A_135, %dma_wait3A_136] : memref<10000x128xf32, #tpu.memory_space<hbm>> -> memref<10000x128xf32, #tpu.memory_space<hbm>>
    tpu.wait_indirect_dma semaphore(%arg13 : memref<!tpu.dma_semaphore, #tpu.memory_space<semaphore_mem>>) src(%dma_wait3A_137 : memref<10000x128xf32, #tpu.memory_space<hbm>>) dst(%arg10 : memref<128x128xf32, #tpu.memory_space<vmem>>)
    %dma_start3A_138 = arith.constant 39 : i32
    %dma_start3A_139 = arith.constant 0 : i32
    %dma_start3A_140 = tpu.memref_slice %arg8[%dma_start3A_138, %dma_start3A_139] : memref<40x128xi32, #tpu.memory_space<vmem>> -> memref<1x128xi32, #tpu.memory_space<vmem>>
    %dma_start3A_141 = tpu.memref_squeeze %dma_start3A_140 : memref<1x128xi32, #tpu.memory_space<vmem>> -> memref<128xi32, #tpu.memory_space<vmem>>
    %dma_start3A_142 = arith.constant 0 : i32
    %dma_start3A_143 = arith.constant 0 : i32
    %dma_start3A_144 = tpu.memref_slice %arg11[%dma_start3A_142, %dma_start3A_143] : memref<10128x128xf32, #tpu.memory_space<vmem_shared>> -> memref<10128x128xf32, #tpu.memory_space<vmem_shared>>
    tpu.enqueue_indirect_dma source(%arg10 : memref<128x128xf32, #tpu.memory_space<vmem>>) target(%dma_start3A_144 : memref<10128x128xf32, #tpu.memory_space<vmem_shared>>) offsets(%dma_start3A_141 : memref<128xi32, #tpu.memory_space<vmem>>) semaphore(%arg15 : memref<!tpu.dma_semaphore, #tpu.memory_space<semaphore_mem>>) {add = true}
    %dma_wait3A_145 = arith.constant 39 : i32
    %dma_wait3A_146 = arith.constant 0 : i32
    %dma_wait3A_147 = tpu.memref_slice %arg8[%dma_wait3A_145, %dma_wait3A_146] : memref<40x128xi32, #tpu.memory_space<vmem>> -> memref<1x128xi32, #tpu.memory_space<vmem>>
    %dma_wait3A_148 = tpu.memref_squeeze %dma_wait3A_147 : memref<1x128xi32, #tpu.memory_space<vmem>> -> memref<128xi32, #tpu.memory_space<vmem>>
    %dma_wait3A_149 = arith.constant 0 : i32
    %dma_wait3A_150 = arith.constant 0 : i32
    %dma_wait3A_151 = tpu.memref_slice %arg11[%dma_wait3A_149, %dma_wait3A_150] : memref<10128x128xf32, #tpu.memory_space<vmem_shared>> -> memref<10128x128xf32, #tpu.memory_space<vmem_shared>>
    tpu.wait_indirect_dma semaphore(%arg15 : memref<!tpu.dma_semaphore, #tpu.memory_space<semaphore_mem>>) src(%arg10 : memref<128x128xf32, #tpu.memory_space<vmem>>) dst(%dma_wait3A_151 : memref<10128x128xf32, #tpu.memory_space<vmem_shared>>)
    %barrier3A_152 = arith.constant 0 : index
    tpu.barrier barrier_id(%barrier3A_152)
    %lt3A_153 = arith.constant 15 : i32
    %lt3A_154 = arith.cmpi slt, %arg1, %lt3A_153 : i32
    %convert_element_type3A_155 = arith.extui %lt3A_154 : i1 to i32
    %cond3A_156 = arith.constant 0 : i32
    %cond3A_157 = arith.cmpi ne, %convert_element_type3A_155, %cond3A_156 : i32
    scf.if %cond3A_157 {
      %mul3A_163 = arith.constant 632 : i32
      %mul3A_164 = arith.muli %arg1, %mul3A_163 : i32
      %mul3A_165 = arith.constant 632 : i32
      %mul3A_166 = arith.muli %arg1, %mul3A_165 : i32
      "tpu.region"() ({
        %run_scoped3A = tpu.sem_alloc : memref<!tpu.dma_semaphore, #tpu.memory_space<semaphore_mem>>
        %dma_start3A_167 = arith.constant 0 : i32
        %dma_start3A_168 = arith.constant 0 : i32
        %dma_start3A_169 = tpu.memref_slice %arg6[%arg0, %dma_start3A_167, %dma_start3A_168] : memref<2x10000x128xf32, #tpu.memory_space<hbm>> -> memref<1x10000x128xf32, #tpu.memory_space<hbm>>
        %dma_start3A_170 = tpu.memref_squeeze %dma_start3A_169 : memref<1x10000x128xf32, #tpu.memory_space<hbm>> -> memref<10000x128xf32, #tpu.memory_space<hbm>>
        %dma_start3A_171 = arith.constant 0 : i32
        %dma_start3A_172 = tpu.memref_slice %dma_start3A_170[%mul3A_166, %dma_start3A_171] : memref<10000x128xf32, #tpu.memory_space<hbm>> -> memref<632x128xf32, #tpu.memory_space<hbm>>
        %dma_start3A_173 = arith.constant 0 : i32
        %dma_start3A_174 = tpu.memref_slice %arg11[%mul3A_164, %dma_start3A_173] : memref<10128x128xf32, #tpu.memory_space<vmem_shared>> -> memref<632x128xf32, #tpu.memory_space<vmem_shared>>
        tpu.enqueue_dma source(%dma_start3A_174 : memref<632x128xf32, #tpu.memory_space<vmem_shared>>) target(%dma_start3A_172 : memref<632x128xf32, #tpu.memory_space<hbm>>) target_semaphore(%run_scoped3A : memref<!tpu.dma_semaphore, #tpu.memory_space<semaphore_mem>>)
        %dma_wait3A_175 = arith.constant 0 : i32
        %dma_wait3A_176 = arith.constant 0 : i32
        %dma_wait3A_177 = tpu.memref_slice %arg6[%arg0, %dma_wait3A_175, %dma_wait3A_176] : memref<2x10000x128xf32, #tpu.memory_space<hbm>> -> memref<1x10000x128xf32, #tpu.memory_space<hbm>>
        %dma_wait3A_178 = tpu.memref_squeeze %dma_wait3A_177 : memref<1x10000x128xf32, #tpu.memory_space<hbm>> -> memref<10000x128xf32, #tpu.memory_space<hbm>>
        %dma_wait3A_179 = arith.constant 0 : i32
        %dma_wait3A_180 = tpu.memref_slice %dma_wait3A_178[%mul3A_166, %dma_wait3A_179] : memref<10000x128xf32, #tpu.memory_space<hbm>> -> memref<632x128xf32, #tpu.memory_space<hbm>>
        %dma_wait3A_181 = arith.constant 0 : i32
        %dma_wait3A_182 = tpu.memref_slice %arg11[%mul3A_164, %dma_wait3A_181] : memref<10128x128xf32, #tpu.memory_space<vmem_shared>> -> memref<632x128xf32, #tpu.memory_space<vmem_shared>>
        tpu.wait_dma2 semaphore(%run_scoped3A : memref<!tpu.dma_semaphore, #tpu.memory_space<semaphore_mem>>) src(%dma_wait3A_182 : memref<632x128xf32, #tpu.memory_space<vmem_shared>>) dst(%dma_wait3A_180 : memref<632x128xf32, #tpu.memory_space<hbm>>)
        tpu.yield
      }) : () -> ()
    } else {
    }
    %eq3A_158 = arith.constant 15 : i32
    %eq3A_159 = arith.cmpi eq, %arg1, %eq3A_158 : i32
    %convert_element_type3A_160 = arith.extui %eq3A_159 : i1 to i32
    %cond3A_161 = arith.constant 0 : i32
    %cond3A_162 = arith.cmpi ne, %convert_element_type3A_160, %cond3A_161 : i32
    scf.if %cond3A_162 {
      "tpu.region"() ({
        %run_scoped3A = tpu.sem_alloc : memref<!tpu.dma_semaphore, #tpu.memory_space<semaphore_mem>>
        %dma_start3A_163 = arith.constant 0 : i32
        %dma_start3A_164 = arith.constant 0 : i32
        %dma_start3A_165 = tpu.memref_slice %arg6[%arg0, %dma_start3A_163, %dma_start3A_164] : memref<2x10000x128xf32, #tpu.memory_space<hbm>> -> memref<1x10000x128xf32, #tpu.memory_space<hbm>>
        %dma_start3A_166 = tpu.memref_squeeze %dma_start3A_165 : memref<1x10000x128xf32, #tpu.memory_space<hbm>> -> memref<10000x128xf32, #tpu.memory_space<hbm>>
        %dma_start3A_167 = arith.constant 9480 : i32
        %dma_start3A_168 = arith.constant 0 : i32
        %dma_start3A_169 = tpu.memref_slice %dma_start3A_166[%dma_start3A_167, %dma_start3A_168] : memref<10000x128xf32, #tpu.memory_space<hbm>> -> memref<520x128xf32, #tpu.memory_space<hbm>>
        %dma_start3A_170 = arith.constant 9480 : i32
        %dma_start3A_171 = arith.constant 0 : i32
        %dma_start3A_172 = tpu.memref_slice %arg11[%dma_start3A_170, %dma_start3A_171] : memref<10128x128xf32, #tpu.memory_space<vmem_shared>> -> memref<520x128xf32, #tpu.memory_space<vmem_shared>>
        tpu.enqueue_dma source(%dma_start3A_172 : memref<520x128xf32, #tpu.memory_space<vmem_shared>>) target(%dma_start3A_169 : memref<520x128xf32, #tpu.memory_space<hbm>>) target_semaphore(%run_scoped3A : memref<!tpu.dma_semaphore, #tpu.memory_space<semaphore_mem>>)
        %dma_wait3A_173 = arith.constant 0 : i32
        %dma_wait3A_174 = arith.constant 0 : i32
        %dma_wait3A_175 = tpu.memref_slice %arg6[%arg0, %dma_wait3A_173, %dma_wait3A_174] : memref<2x10000x128xf32, #tpu.memory_space<hbm>> -> memref<1x10000x128xf32, #tpu.memory_space<hbm>>
        %dma_wait3A_176 = tpu.memref_squeeze %dma_wait3A_175 : memref<1x10000x128xf32, #tpu.memory_space<hbm>> -> memref<10000x128xf32, #tpu.memory_space<hbm>>
        %dma_wait3A_177 = arith.constant 9480 : i32
        %dma_wait3A_178 = arith.constant 0 : i32
        %dma_wait3A_179 = tpu.memref_slice %dma_wait3A_176[%dma_wait3A_177, %dma_wait3A_178] : memref<10000x128xf32, #tpu.memory_space<hbm>> -> memref<520x128xf32, #tpu.memory_space<hbm>>
        %dma_wait3A_180 = arith.constant 9480 : i32
        %dma_wait3A_181 = arith.constant 0 : i32
        %dma_wait3A_182 = tpu.memref_slice %arg11[%dma_wait3A_180, %dma_wait3A_181] : memref<10128x128xf32, #tpu.memory_space<vmem_shared>> -> memref<520x128xf32, #tpu.memory_space<vmem_shared>>
        tpu.wait_dma2 semaphore(%run_scoped3A : memref<!tpu.dma_semaphore, #tpu.memory_space<semaphore_mem>>) src(%dma_wait3A_182 : memref<520x128xf32, #tpu.memory_space<vmem_shared>>) dst(%dma_wait3A_179 : memref<520x128xf32, #tpu.memory_space<hbm>>)
        tpu.yield
      }) : () -> ()
    } else {
    }
    return
  }
}

module attributes {stable_mosaic.version = 14 : i64} {
  func.func @_tc_first_body(%arg0: i32, %arg1: memref<2x1000x128xf32, #tpu.memory_space<vmem>>, %arg2: memref<1000x128xf32, #tpu.memory_space<vmem>>, %arg3: memref<128x128xf32, #tpu.memory_space<vmem>>, %arg4: memref<1000x128xf32, #tpu.memory_space<vmem>>, %arg5: memref<1000x1xf32, #tpu.memory_space<vmem>>) attributes {dimension_semantics = [#tpu.dimension_semantics<arbitrary>], iteration_bounds = array<i64: 10>, scalar_prefetch = 0 : i64, scratch_operands = 0 : i64, tpu.core_type = #tpu.core_type<tc>, window_params = [{transform_indices = @transform_0, window_bounds = array<i64: 2, 1000, 128>}, {transform_indices = @transform_1, window_bounds = array<i64: 1000, 128>}, {pipeline_mode = #tpu.pipeline_mode<synchronous>, transform_indices = @transform_2, window_bounds = array<i64: 128, 128>}, {transform_indices = @transform_3, window_bounds = array<i64: 1000, 128>}, {transform_indices = @transform_4, window_bounds = array<i64: 1000, 1>}]} {
    %get3A = arith.constant 0 : index
    %get3A_0 = arith.constant 0 : index
    %get3A_1 = arith.constant 0 : index
    %get3A_2 = vector.load %arg1[%get3A, %get3A_0, %get3A_1] : memref<2x1000x128xf32, #tpu.memory_space<vmem>>, vector<1x1000x1xf32>
    %get3A_3 = vector.shape_cast %get3A_2 : vector<1x1000x1xf32> to vector<1000x1xf32>
    %get3A_4 = arith.constant 1 : index
    %get3A_5 = arith.constant 0 : index
    %get3A_6 = arith.constant 0 : index
    %get3A_7 = vector.load %arg1[%get3A_4, %get3A_5, %get3A_6] : memref<2x1000x128xf32, #tpu.memory_space<vmem>>, vector<1x1000x1xf32>
    %get3A_8 = vector.shape_cast %get3A_7 : vector<1x1000x1xf32> to vector<1000x1xf32>
    %add3A = arith.addf %get3A_3, %get3A_8 : vector<1000x1xf32>
    %add3A_9 = arith.constant 1.000000e+00 : f32
    %add3A_10 = vector.broadcast %add3A_9 : f32 to vector<1000x1xf32>
    %add3A_11 = arith.addf %add3A, %add3A_10 : vector<1000x1xf32>
    %rsqrt3A = math.rsqrt %add3A_11 : vector<1000x1xf32>
    %swap3A = arith.constant 0 : index
    %swap3A_12 = arith.constant 0 : index
    %swap3A_13 = vector.load %arg5[%swap3A, %swap3A_12] : memref<1000x1xf32, #tpu.memory_space<vmem>>, vector<1000x1xf32>
    tpu.vector_store %arg5[%swap3A, %swap3A_12], %rsqrt3A {strides = array<i32>} : memref<1000x1xf32, #tpu.memory_space<vmem>>, vector<1000x1xf32>,
    %get3A_14 = arith.constant 0 : index
    %get3A_15 = arith.constant 0 : index
    %get3A_16 = vector.load %arg2[%get3A_14, %get3A_15] : memref<1000x128xf32, #tpu.memory_space<vmem>>, vector<1000x128xf32>
    %get3A_17 = arith.constant 0 : index
    %get3A_18 = arith.constant 0 : index
    %get3A_19 = vector.load %arg3[%get3A_17, %get3A_18] : memref<128x128xf32, #tpu.memory_space<vmem>>, vector<128x128xf32>
    %dot_general3A = arith.constant dense<0.000000e+00> : vector<1000x128xf32>
    %dot_general3A_20 = tpu.matmul %get3A_16, %get3A_19, %dot_general3A {dimension_numbers = #tpu.dot_dimension_numbers<[1], [0], [0], [1], [0, 0, 1, 1], [], []>, transpose_lhs_hint = false} : vector<1000x128xf32>, vector<128x128xf32>, vector<1000x128xf32> -> vector<1000x128xf32>
    %mul3A = vector.broadcast %rsqrt3A : vector<1000x1xf32> to vector<1000x128xf32>
    %mul3A_21 = arith.mulf %mul3A, %dot_general3A_20 : vector<1000x128xf32>
    %swap3A_22 = arith.constant 0 : index
    %swap3A_23 = arith.constant 0 : index
    %swap3A_24 = vector.load %arg4[%swap3A_22, %swap3A_23] : memref<1000x128xf32, #tpu.memory_space<vmem>>, vector<1000x128xf32>
    tpu.vector_store %arg4[%swap3A_22, %swap3A_23], %mul3A_21 {strides = array<i32>} : memref<1000x128xf32, #tpu.memory_space<vmem>>, vector<1000x128xf32>,
    return
  }
  func.func @transform_0(%arg0: i32) -> (i32, i32, i32) {
    %c0_i32 = arith.constant 0 : i32
    %c0_i32_0 = arith.constant 0 : i32
    %c0_i32_1 = arith.constant 0 : i32
    return %c0_i32, %arg0, %c0_i32_0 : i32, i32, i32
  }
  func.func @transform_1(%arg0: i32) -> (i32, i32) {
    %c0_i32 = arith.constant 0 : i32
    %c0_i32_0 = arith.constant 0 : i32
    return %arg0, %c0_i32 : i32, i32
  }
  func.func @transform_2(%arg0: i32) -> (i32, i32) {
    %c0_i32 = arith.constant 0 : i32
    %c0_i32_0 = arith.constant 0 : i32
    %c0_i32_1 = arith.constant 0 : i32
    return %c0_i32, %c0_i32_0 : i32, i32
  }
  func.func @transform_3(%arg0: i32) -> (i32, i32) {
    %c0_i32 = arith.constant 0 : i32
    %c0_i32_0 = arith.constant 0 : i32
    return %arg0, %c0_i32 : i32, i32
  }
  func.func @transform_4(%arg0: i32) -> (i32, i32) {
    %c0_i32 = arith.constant 0 : i32
    %c0_i32_0 = arith.constant 0 : i32
    return %arg0, %c0_i32 : i32, i32
  }
}

module attributes {stable_mosaic.version = 14 : i64} {
  func.func @_tc_mid_body(%arg0: i32, %arg1: memref<2x1000x128xf32, #tpu.memory_space<vmem>>, %arg2: memref<1000x128xf32, #tpu.memory_space<vmem>>, %arg3: memref<1000x1xf32, #tpu.memory_space<vmem>>, %arg4: memref<1x128xf32, #tpu.memory_space<vmem>>, %arg5: memref<128x128xf32, #tpu.memory_space<vmem>>, %arg6: memref<1000x128xf32, #tpu.memory_space<vmem>>) attributes {dimension_semantics = [#tpu.dimension_semantics<arbitrary>], iteration_bounds = array<i64: 10>, scalar_prefetch = 0 : i64, scratch_operands = 0 : i64, tpu.core_type = #tpu.core_type<tc>, window_params = [{transform_indices = @transform_0, window_bounds = array<i64: 2, 1000, 128>}, {transform_indices = @transform_1, window_bounds = array<i64: 1000, 128>}, {transform_indices = @transform_2, window_bounds = array<i64: 1000, 1>}, {pipeline_mode = #tpu.pipeline_mode<synchronous>, transform_indices = @transform_3, window_bounds = array<i64: 1, 128>}, {pipeline_mode = #tpu.pipeline_mode<synchronous>, transform_indices = @transform_4, window_bounds = array<i64: 128, 128>}, {transform_indices = @transform_5, window_bounds = array<i64: 1000, 128>}]} {
    %get3A = arith.constant 0 : index
    %get3A_0 = arith.constant 0 : index
    %get3A_1 = vector.load %arg3[%get3A, %get3A_0] : memref<1000x1xf32, #tpu.memory_space<vmem>>, vector<1000x1xf32>
    %get3A_2 = arith.constant 0 : index
    %get3A_3 = arith.constant 0 : index
    %get3A_4 = arith.constant 0 : index
    %get3A_5 = vector.load %arg1[%get3A_2, %get3A_3, %get3A_4] : memref<2x1000x128xf32, #tpu.memory_space<vmem>>, vector<1x1000x128xf32>
    %get3A_6 = vector.shape_cast %get3A_5 : vector<1x1000x128xf32> to vector<1000x128xf32>
    %get3A_7 = arith.constant 1 : index
    %get3A_8 = arith.constant 0 : index
    %get3A_9 = arith.constant 0 : index
    %get3A_10 = vector.load %arg1[%get3A_7, %get3A_8, %get3A_9] : memref<2x1000x128xf32, #tpu.memory_space<vmem>>, vector<1x1000x128xf32>
    %get3A_11 = vector.shape_cast %get3A_10 : vector<1x1000x128xf32> to vector<1000x128xf32>
    %add3A = arith.addf %get3A_6, %get3A_11 : vector<1000x128xf32>
    %get3A_12 = arith.constant 0 : index
    %get3A_13 = arith.constant 0 : index
    %get3A_14 = vector.load %arg2[%get3A_12, %get3A_13] : memref<1000x128xf32, #tpu.memory_space<vmem>>, vector<1000x128xf32>
    %add3A_15 = arith.addf %add3A, %get3A_14 : vector<1000x128xf32>
    %mul3A = vector.broadcast %get3A_1 : vector<1000x1xf32> to vector<1000x128xf32>
    %mul3A_16 = arith.mulf %mul3A, %add3A_15 : vector<1000x128xf32>
    %get3A_17 = arith.constant 0 : index
    %get3A_18 = arith.constant 0 : index
    %get3A_19 = vector.load %arg4[%get3A_17, %get3A_18] : memref<1x128xf32, #tpu.memory_space<vmem>>, vector<1x128xf32>
    %add3A_20 = vector.broadcast %get3A_19 : vector<1x128xf32> to vector<1000x128xf32>
    %add3A_21 = arith.addf %mul3A_16, %add3A_20 : vector<1000x128xf32>
    %max3A = arith.constant 0.000000e+00 : f32
    %max3A_22 = vector.broadcast %max3A : f32 to vector<1000x128xf32>
    %max3A_23 = arith.maximumf %add3A_21, %max3A_22 : vector<1000x128xf32>
    %get3A_24 = arith.constant 0 : index
    %get3A_25 = arith.constant 0 : index
    %get3A_26 = vector.load %arg5[%get3A_24, %get3A_25] : memref<128x128xf32, #tpu.memory_space<vmem>>, vector<128x128xf32>
    %dot_general3A = arith.constant dense<0.000000e+00> : vector<1000x128xf32>
    %dot_general3A_27 = tpu.matmul %max3A_23, %get3A_26, %dot_general3A {dimension_numbers = #tpu.dot_dimension_numbers<[1], [0], [0], [1], [0, 0, 1, 1], [], []>, transpose_lhs_hint = false} : vector<1000x128xf32>, vector<128x128xf32>, vector<1000x128xf32> -> vector<1000x128xf32>
    %mul3A_28 = vector.broadcast %get3A_1 : vector<1000x1xf32> to vector<1000x128xf32>
    %mul3A_29 = arith.mulf %mul3A_28, %dot_general3A_27 : vector<1000x128xf32>
    %swap3A = arith.constant 0 : index
    %swap3A_30 = arith.constant 0 : index
    %swap3A_31 = vector.load %arg6[%swap3A, %swap3A_30] : memref<1000x128xf32, #tpu.memory_space<vmem>>, vector<1000x128xf32>
    tpu.vector_store %arg6[%swap3A, %swap3A_30], %mul3A_29 {strides = array<i32>} : memref<1000x128xf32, #tpu.memory_space<vmem>>, vector<1000x128xf32>,
    return
  }
  func.func @transform_0(%arg0: i32) -> (i32, i32, i32) {
    %c0_i32 = arith.constant 0 : i32
    %c0_i32_0 = arith.constant 0 : i32
    %c0_i32_1 = arith.constant 0 : i32
    return %c0_i32, %arg0, %c0_i32_0 : i32, i32, i32
  }
  func.func @transform_1(%arg0: i32) -> (i32, i32) {
    %c0_i32 = arith.constant 0 : i32
    %c0_i32_0 = arith.constant 0 : i32
    return %arg0, %c0_i32 : i32, i32
  }
  func.func @transform_2(%arg0: i32) -> (i32, i32) {
    %c0_i32 = arith.constant 0 : i32
    %c0_i32_0 = arith.constant 0 : i32
    return %arg0, %c0_i32 : i32, i32
  }
  func.func @transform_3(%arg0: i32) -> (i32, i32) {
    %c0_i32 = arith.constant 0 : i32
    %c0_i32_0 = arith.constant 0 : i32
    %c0_i32_1 = arith.constant 0 : i32
    return %c0_i32, %c0_i32_0 : i32, i32
  }
  func.func @transform_4(%arg0: i32) -> (i32, i32) {
    %c0_i32 = arith.constant 0 : i32
    %c0_i32_0 = arith.constant 0 : i32
    %c0_i32_1 = arith.constant 0 : i32
    return %c0_i32, %c0_i32_0 : i32, i32
  }
  func.func @transform_5(%arg0: i32) -> (i32, i32) {
    %c0_i32 = arith.constant 0 : i32
    %c0_i32_0 = arith.constant 0 : i32
    return %arg0, %c0_i32 : i32, i32
  }
}

module attributes {stable_mosaic.version = 14 : i64} {
  func.func @_tc_last_body(%arg0: i32, %arg1: memref<2x1000x128xf32, #tpu.memory_space<vmem>>, %arg2: memref<1000x128xf32, #tpu.memory_space<vmem>>, %arg3: memref<1000x1xf32, #tpu.memory_space<vmem>>, %arg4: memref<1x64xf32, #tpu.memory_space<vmem>>, %arg5: memref<1000x64xf32, #tpu.memory_space<vmem>>) attributes {dimension_semantics = [#tpu.dimension_semantics<arbitrary>], iteration_bounds = array<i64: 10>, scalar_prefetch = 0 : i64, scratch_operands = 0 : i64, tpu.core_type = #tpu.core_type<tc>, window_params = [{transform_indices = @transform_0, window_bounds = array<i64: 2, 1000, 128>}, {transform_indices = @transform_1, window_bounds = array<i64: 1000, 128>}, {transform_indices = @transform_2, window_bounds = array<i64: 1000, 1>}, {pipeline_mode = #tpu.pipeline_mode<synchronous>, transform_indices = @transform_3, window_bounds = array<i64: 1, 64>}, {transform_indices = @transform_4, window_bounds = array<i64: 1000, 64>}]} {
    %get3A = arith.constant 0 : index
    %get3A_0 = arith.constant 0 : index
    %get3A_1 = arith.constant 0 : index
    %get3A_2 = vector.load %arg1[%get3A, %get3A_0, %get3A_1] : memref<2x1000x128xf32, #tpu.memory_space<vmem>>, vector<1x1000x64xf32>
    %get3A_3 = vector.shape_cast %get3A_2 : vector<1x1000x64xf32> to vector<1000x64xf32>
    %get3A_4 = arith.constant 1 : index
    %get3A_5 = arith.constant 0 : index
    %get3A_6 = arith.constant 0 : index
    %get3A_7 = vector.load %arg1[%get3A_4, %get3A_5, %get3A_6] : memref<2x1000x128xf32, #tpu.memory_space<vmem>>, vector<1x1000x64xf32>
    %get3A_8 = vector.shape_cast %get3A_7 : vector<1x1000x64xf32> to vector<1000x64xf32>
    %add3A = arith.addf %get3A_3, %get3A_8 : vector<1000x64xf32>
    %get3A_9 = arith.constant 0 : index
    %get3A_10 = arith.constant 0 : index
    %get3A_11 = vector.load %arg2[%get3A_9, %get3A_10] : memref<1000x128xf32, #tpu.memory_space<vmem>>, vector<1000x64xf32>
    %add3A_12 = arith.addf %add3A, %get3A_11 : vector<1000x64xf32>
    %get3A_13 = arith.constant 0 : index
    %get3A_14 = arith.constant 0 : index
    %get3A_15 = vector.load %arg3[%get3A_13, %get3A_14] : memref<1000x1xf32, #tpu.memory_space<vmem>>, vector<1000x1xf32>
    %mul3A = vector.broadcast %get3A_15 : vector<1000x1xf32> to vector<1000x64xf32>
    %mul3A_16 = arith.mulf %mul3A, %add3A_12 : vector<1000x64xf32>
    %get3A_17 = arith.constant 0 : index
    %get3A_18 = arith.constant 0 : index
    %get3A_19 = vector.load %arg4[%get3A_17, %get3A_18] : memref<1x64xf32, #tpu.memory_space<vmem>>, vector<1x64xf32>
    %add3A_20 = vector.broadcast %get3A_19 : vector<1x64xf32> to vector<1000x64xf32>
    %add3A_21 = arith.addf %mul3A_16, %add3A_20 : vector<1000x64xf32>
    %max3A = arith.constant 0.000000e+00 : f32
    %max3A_22 = vector.broadcast %max3A : f32 to vector<1000x64xf32>
    %max3A_23 = arith.maximumf %add3A_21, %max3A_22 : vector<1000x64xf32>
    %reduce_max3A = arith.constant dense<0xFF800000> : vector<1000xf32>
    %reduce_max3A_24 = vector.multi_reduction <maximumf>, %max3A_23, %reduce_max3A [1] : vector<1000x64xf32> to vector<1000xf32>
    %broadcast_in_dim3A = vector.shape_cast %reduce_max3A_24 : vector<1000xf32> to vector<1000x1xf32>
    %sub3A = vector.broadcast %broadcast_in_dim3A : vector<1000x1xf32> to vector<1000x64xf32>
    %sub3A_25 = arith.subf %max3A_23, %sub3A : vector<1000x64xf32>
    %exp3A = math.exp %sub3A_25 : vector<1000x64xf32>
    %reduce_sum3A = arith.constant dense<0.000000e+00> : vector<1000xf32>
    %reduce_sum3A_26 = vector.multi_reduction <add>, %exp3A, %reduce_sum3A [1] : vector<1000x64xf32> to vector<1000xf32>
    %broadcast_in_dim3A_27 = vector.shape_cast %reduce_sum3A_26 : vector<1000xf32> to vector<1000x1xf32>
    %log3A = math.log %broadcast_in_dim3A_27 : vector<1000x1xf32>
    %add3A_28 = arith.addf %broadcast_in_dim3A, %log3A : vector<1000x1xf32>
    %sub3A_29 = vector.broadcast %add3A_28 : vector<1000x1xf32> to vector<1000x64xf32>
    %sub3A_30 = arith.subf %max3A_23, %sub3A_29 : vector<1000x64xf32>
    %swap3A = arith.constant 0 : index
    %swap3A_31 = arith.constant 0 : index
    %swap3A_32 = vector.load %arg5[%swap3A, %swap3A_31] : memref<1000x64xf32, #tpu.memory_space<vmem>>, vector<1000x64xf32>
    tpu.vector_store %arg5[%swap3A, %swap3A_31], %sub3A_30 {strides = array<i32>} : memref<1000x64xf32, #tpu.memory_space<vmem>>, vector<1000x64xf32>,
    return
  }
  func.func @transform_0(%arg0: i32) -> (i32, i32, i32) {
    %c0_i32 = arith.constant 0 : i32
    %c0_i32_0 = arith.constant 0 : i32
    %c0_i32_1 = arith.constant 0 : i32
    return %c0_i32, %arg0, %c0_i32_0 : i32, i32, i32
  }
  func.func @transform_1(%arg0: i32) -> (i32, i32) {
    %c0_i32 = arith.constant 0 : i32
    %c0_i32_0 = arith.constant 0 : i32
    return %arg0, %c0_i32 : i32, i32
  }
  func.func @transform_2(%arg0: i32) -> (i32, i32) {
    %c0_i32 = arith.constant 0 : i32
    %c0_i32_0 = arith.constant 0 : i32
    return %arg0, %c0_i32 : i32, i32
  }
  func.func @transform_3(%arg0: i32) -> (i32, i32) {
    %c0_i32 = arith.constant 0 : i32
    %c0_i32_0 = arith.constant 0 : i32
    %c0_i32_1 = arith.constant 0 : i32
    return %c0_i32, %c0_i32_0 : i32, i32
  }
  func.func @transform_4(%arg0: i32) -> (i32, i32) {
    %c0_i32 = arith.constant 0 : i32
    %c0_i32_0 = arith.constant 0 : i32
    return %arg0, %c0_i32 : i32, i32
  }
}

</mosaic_0001>

<sc_bundles>
// kernel: kernel.10.cloned.1.call-start
scs
__scs_entry_jumppad:
0x0: {  	(pc) =	sbr.rel $0x88, $3  }
0x1: {  	(tag) =	ssettag $0x0;
	lr =	simm.s32 $0x1  }
0x2: {  	[smem:$0x3F99] =	sst lr;
	_ =	strace $0xD0000000  }
0x3: {  	_ = 	snop  }
0x4: {  	_ = 	snop  }
0x5: {  	_ = 	snop  }
0x6: {  	_ = 	snop  }
0x7: {  	_ = 	snop  }
__scs_overlays_trampoline_lowered:
0x8: {  	[smem:$0x3FA8] =	sst s0  }
0x9: {  	[smem:$0x3FA9] =	sst s1  }
0xa: {  	[smem:$0x3FAA] =	sst s2  }
0xb: {  	[smem:$0x3FAB] =	sst s3  }
0xc: {  	[smem:$0x3FAC] =	sst s4  }
0xd: {  	[smem:$0x3FAD] =	sst s5  }
0xe: {  	[smem:$0x3FAE] =	sst s6  }
0xf: {  	[smem:$0x3FAF] =	sst s7  }
0x10: {  	[smem:$0x3FB0] =	sst s8  }
0x11: {  	[smem:$0x3FB1] =	sst s9;
	s0 =	simm.s32 @!p0 $0x0  }
0x12: {  	s1 =	sld [smem:$0x3F97];
	s0 =	simm.s32 @p0 $0x1  }
0x13: {  	[smem:$0x3FB2] =	sst s0;
	s0 =	simm.s32 @!p1 $0x0  }
0x14: {  	s2 =	sld [smem:$0x3F96];
	s0 =	simm.s32 @p1 $0x1  }
0x15: {  	[smem:$0x3FB3] =	sst s0;
	s0 =	simm.s32 @!p2 $0x0  }
0x16: {  	s3 =	sld [smem:$0x3FDB];
	s0 =	simm.s32 @p2 $0x1  }
0x17: {  	s4 =	simm.s32 $0x1BF5;
	[smem:$0x3FB5] =	sst s0  }
0x18: {  	s0 =	sld [smem:$0x3F98];
	_ =	swait.ge [sflag:s4], $0x0  }
0x19: {  	s7 =	sld [smem:$0x3F99]  }
0x1a: {  	s8 =	sadd.s32 $0xFFFFE003, lr  }
0x1b: {  	s9 =	sadd.s32 $0xFFFFFEF7, lr;
	s5 =	simm.s32 $0xFFFFFFFF;
	p2 =	slt.u32 s8, $0xFFFFF086  }
0x1c: {  	p1 =	slt.u32 s9, $0xF7A;
	s5 =	simm.s32 @!p2 $0x0  }
0x1d: {  	s5 =	simm.s32 @p1 $0x1;
	p0 =	seq.s32 s7, s2  }
0x1e: {  	s7 =	smul.u32 @!p0 $0xF7A, s2;
	p2 =	seq.s32 @!p0 s5, $0x0  }
0x1f: {  	s9 =	smul.u32 $0xF7A, s1;
	s8 =	simm.s32 @!p0 $0x1BF5;
	p2 =	por !p2, p0  }
0x20: {  	[sflag:s8] =	ssyncset.s32 @!p0 $0xFFFFF086;
	s6 =	sadd.s32 @!p0 s3, s7;
	s7 =	simm.s32 @!p0 $0x108  }
0x21: {  	s3 =	sadd.s32 s3, s9;
	s6 =	sadd.s32 @!p0 $0x88, s6;
	s7 =	simm.s32 @p2 $0x1082  }
0x22: {  	[simem:s7], [sflag:s8] =	dma.local @!p0 [hbm:s6], $0xF7A  }
0x23: {  	s9 =	sor.u32 $0xD0000000, s2;
	s6 =	simm.s32 $0x108;
	_ =	swait.ge @!p0 [sflag:s8], $0x0  }
0x24: {  	s3 =	sadd.s32 $0x88, s3;
	s6 =	simm.s32 @!p1 $0x1082;
	[sflag:s4] =	ssyncset.s32 $0xFFFFF086  }
0x25: {  	[simem:s6], [sflag:s4] =	dma.local [hbm:s3], $0xF7A  }
0x26: {  	[smem:$0x3F99] =	sst s1;
	(tag) =	ssettag s2;
	_ =	strace s9  }
0x27: {  	s1 =	sld [smem:$0x3FA9]  }
0x28: {  	s2 =	sld [smem:$0x3FAA]  }
0x29: {  	s4 =	sld [smem:$0x3FAC]  }
0x2a: {  	p0 =	seq.s32 s5, $0x0;
	s5 =	sld [smem:$0x3FAD]  }
0x2b: {  	s6 =	sld [smem:$0x3FAE]  }
0x2c: {  	s7 =	sld [smem:$0x3FAF]  }
0x2d: {  	s3 =	simm.s32 $0x108;
	s8 =	sld [smem:$0x3FB0]  }
0x2e: {  	s3 =	simm.s32 @!p0 $0x1082;
	s9 =	sld [smem:$0x3FB1]  }
0x2f: {  	lr =	sadd.s32 s0, s3;
	s0 =	sld [smem:$0x3FA8]  }
0x30: {  	s3 =	sld [smem:$0x3FAB]  }
0x31: {  	[smem:$0x3FB4] =	sst s10  }
0x32: {  	s10 =	sld [smem:$0x3FB2];
	_ =	sdelay $0x3  }
0x33: {  	p0 =	seq.s32 s10, $0x1;
	s10 =	sld [smem:$0x3FB4];
	_ =	sdelay $0x3  }
0x34: {  	[smem:$0x3FB4] =	sst s10  }
0x35: {  	s10 =	sld [smem:$0x3FB3];
	_ =	sdelay $0x3  }
0x36: {  	p1 =	seq.s32 s10, $0x1;
	s10 =	sld [smem:$0x3FB4];
	_ =	sdelay $0x3  }
0x37: {  	[smem:$0x3FB4] =	sst s10  }
0x38: {  	s10 =	sld [smem:$0x3FB5]  }
0x39: {  	_ = 	snop;
	(pc) =	sbr.ind lr, $3  }
0x3a: {  	_ = 	snop  }
0x3b: {  	_ = 	snop  }
0x3c: {  	p2 =	seq.s32 s10, $0x1;
	s10 =	sld [smem:$0x3FB4]  }
0x3d: {  	_ =	shalt  }
0x3e: {  	_ =	shalt  }
0x3f: {  	_ =	shalt  }
0x40: {  	_ =	shalt  }
0x41: {  	_ =	shalt  }
0x42: {  	_ =	shalt  }
0x43: {  	_ =	shalt  }
0x44: {  	_ =	shalt  }
0x45: {  	_ =	shalt  }
0x46: {  	_ =	shalt  }
0x47: {  	_ =	shalt  }
0x48: {  	_ =	shalt  }
0x49: {  	_ =	shalt  }
0x4a: {  	_ =	shalt  }
0x4b: {  	_ =	shalt  }
0x4c: {  	_ =	shalt  }
0x4d: {  	_ =	shalt  }
0x4e: {  	_ =	shalt  }
0x4f: {  	_ =	shalt  }
0x50: {  	_ =	shalt  }
0x51: {  	_ =	shalt  }
0x52: {  	_ =	shalt  }
0x53: {  	_ =	shalt  }
0x54: {  	_ =	shalt  }
0x55: {  	_ =	shalt  }
0x56: {  	_ =	shalt  }
0x57: {  	_ =	shalt  }
0x58: {  	_ =	shalt  }
0x59: {  	_ =	shalt  }
0x5a: {  	_ =	shalt  }
0x5b: {  	_ =	shalt  }
0x5c: {  	_ =	shalt  }
0x5d: {  	_ =	shalt  }
0x5e: {  	_ =	shalt  }
0x5f: {  	_ =	shalt  }
0x60: {  	_ =	shalt  }
0x61: {  	_ =	shalt  }
0x62: {  	_ =	shalt  }
0x63: {  	_ =	shalt  }
0x64: {  	_ =	shalt  }
0x65: {  	_ =	shalt  }
0x66: {  	_ =	shalt  }
0x67: {  	_ =	shalt  }
0x68: {  	_ =	shalt  }
0x69: {  	_ =	shalt  }
0x6a: {  	_ =	shalt  }
0x6b: {  	_ =	shalt  }
0x6c: {  	_ =	shalt  }
0x6d: {  	_ =	shalt  }
0x6e: {  	_ =	shalt  }
0x6f: {  	_ =	shalt  }
0x70: {  	_ =	shalt  }
0x71: {  	_ =	shalt  }
0x72: {  	_ =	shalt  }
0x73: {  	_ =	shalt  }
0x74: {  	_ =	shalt  }
0x75: {  	_ =	shalt  }
0x76: {  	_ =	shalt  }
0x77: {  	_ =	shalt  }
0x78: {  	_ =	shalt  }
0x79: {  	_ =	shalt  }
0x7a: {  	_ =	shalt  }
0x7b: {  	_ =	shalt  }
0x7c: {  	_ =	shalt  }
0x7d: {  	_ =	shalt  }
0x7e: {  	_ =	shalt  }
0x7f: {  	_ =	shalt  }
0x80: {  	_ =	shalt  }
0x81: {  	_ =	shalt  }
0x82: {  	_ =	shalt  }
0x83: {  	_ =	shalt  }
0x84: {  	_ =	shalt  }
0x85: {  	_ =	shalt  }
0x86: {  	_ =	shalt  }
0x87: {  	_ =	shalt  }
.Lfunc_end0:
.L_simem_size_0:
called_computation_lowered:
.L_overlay_start_0:
0x88: {  	s2 =	sld [smem:$0x3FD9]  }
0x89: {  	s3 =	sld [smem:$0x3FFE];
	_ =	sdelay $0x1  }
0x8a: {  	s1 =	srdreg.scid  }
0x8b: {  	s0 =	sand.u32 $0x1, s1  }
0x8c: {  	s16 =	sshll.u32 s0, $0xA;
	s2 =	sadd.s32 s3, s2  }
0x8d: {  	s2 =	sadd.s32 s2, s16  }
0x8e: {  	[smem:$0x3FC0] =	sst s2  }
0x8f: {  	_ = 	snop  }
0x90: {  	(tm) =	ssettm $0x1  }
0x91: {  	s17 =	sld [smem:$0x3FFB];
	_ =	sdelay $0x3  }
0x92: {  	_ =	strace s17  }
0x93: {  	s2 =	sld [smem:$0x3FFC];
	_ =	sdelay $0x3  }
0x94: {  	_ =	strace s2  }
0x95: {  	s2 =	sld [smem:$0x3FFD];
	_ =	sdelay $0x3  }
0x96: {  	_ =	strace s2  }
0x97: {  	_ =	strace $0x8FFFFFFF  }
0x98: {  	s18 =	sld [smem:$0x3FDB];
	_ =	sdelay $0x1  }
0x99: {  	s19 =	simm.s32 $_scs_section_size  }
0x9a: {  	s4 =	simm.s32 $_size__tile_overlayer_lowered;
	s5 =	simm.s32 $_tile_overlayer_lowered  }
0x9b: {  	s22 =	simm.s32 $0x1BFF;
	s21 =	sshll.u32 s5, $0x1;
	s2 =	sadd.s32 s19, s18  }
0x9c: {  	s6 =	simm.s32 $0x0;
	s20 =	sshll.u32 s4, $0x1;
	s4 =	sadd.s32 s21, s2  }
0x9d: {  	[timem:s6], [sflag:s22] =	dma.local [hbm:s4], s20  }
0x9e: {  	_ =	swait.ge [sflag:s22], s20  }
0x9f: {  	s3 =	ssub.s32 $0x0, s20;
	[sflag:s22] =	ssyncset.done $0x0  }
0xa0: {  	[sflag:s22] =	ssyncadd.s32 s3;
	_ =	sdelay $0x1  }
0xa1: {  	s23 =	simm.s32 $0x1B8B  }
0xa2: {  	_ =	swait.ge [sflag:s23], $0x1  }
0xa3: {  	[sflag:s23] =	ssyncset.done $0x0  }
0xa4: {  	s25 =	simm.s32 $0x1B8E;
	s24 =	sld [smem:$0x3FFE];
	[sflag:s23] =	ssyncadd.s32 $0xFFFFFFFF  }
0xa5: {  	s26 =	simm.s32 $execute0_lowered;
	[smem:$0x3FD2] =	sst s25  }
0xa6: {  	s4 =	sshll.u32 s26, $0x1;
	_ =	strace $0x80000046;
	[dreg:$0x1] =	wrdreg $0xFFFFFFFF  }
0xa7: {  	s28 =	simm.s32 $_size_execute0_lowered;
	s2 =	sadd.s32 s2, s4;
	[dreg:$0x0] =	wrdreg $0x0  }
0xa8: {  	s4 =	sshll.u32 s28, $0x1;
	[dreg:$0x2] =	wrdreg s2  }
0xa9: {  	[dreg:$0x3] =	wrdreg s4  }
0xaa: {  	[dreg:$0x4] =	wrdreg $0xC0  }
0xab: {  	_ =	task [dreg:s6], $0x5FFFF  }
0xac: {  	[dreg:$0x1] =	wrdreg $0xFFFFFFFF  }
0xad: {  	[dreg:$0x0] =	wrdreg $0x60  }
0xae: {  	[dreg:$0x2] =	wrdreg s24  }
0xaf: {  	[dreg:$0x3] =	wrdreg $0x68000  }
0xb0: {  	[dreg:$0x4] =	wrdreg $0x9  }
0xb1: {  	_ =	task.clear_ibuf [dreg:s6], $0x5FFFF;
	_ =	strace $0x90000046  }
0xb2: {  	s29 =	simm.s32 $0x9;
	_ =	strace $0x80000048  }
0xb3: {  	_ =	swait.ge [sflag:s29], $0x1  }
0xb4: {  	[sflag:s29] =	ssyncadd.s32 $0xFFFFFFFF  }
0xb5: {  	_ =	strace $0x90000048  }
0xb6: {  	_ =	sfence  }
0xb7: {  	s30 =	sld [smem:$0x0];
	_ =	sdelay $0x2  }
0xb8: {  	s31 =	sshll.u32 s1, $0xD;
	s1 =	sshrl.u32 s1, $0x2  }
0xb9: {  	s3 =	sand.u32 $0x4000, s31;
	s1 =	sadd.s32 s1, s30  }
0xba: {  	s0 =	sor.u32 s3, s0;
	s1 =	sshll.u32 s1, $0x11  }
0xbb: {  	s0 =	sor.u32 s1, s0  }
0xbc: {  	s0 =	sadd.s32 $0x8F2B, s0  }
0xbd: {  	[sflag:s0] =	ssyncadd.remote.s32 $0x1  }
0xbe: {  	_ =	sfence.sel $0xFFFF  }
0xbf: {  	[dreg:$0x0] =	wrdreg $0xFFFFFFFF;
	(pc) =	sbr.abs _section_cstart, $3  }
0xc0: {  	[dreg:$0x1] =	wrdreg $0xFFFFFFFF  }
0xc1: {  	_ =	task.clear_ibuf [dreg:s6], $0x2FFFF;
	_ =	strace $0x9FFFFFFF  }
0xc2: {  	(tm) =	ssettm $0x7FFFFFFF  }
0xc3: {  	_ =	shalt  }
tec
execute0_lowered:
.L_overlay_start_1:
0x0: {  	(tag) =	ssettag $0x1  }
0x1: {  	s0 =	srdreg.scid;
	s6 =	rddreg [dreg:$0x0]  }
0x2: {  	s2 =	rddreg [dreg:$0x1];
	s3 =	simm.s32 $0x0;
	s12 =	simm.s32 $0x3  }
0x3: {  	s13 =	simm.s32 $0x80;
	s5 =	sand.u32 $0x1, s0;
	s0 =	stileid.u32  }
0x4: {  	s14 =	simm.s32 $0x1;
	s15 =	simm.s32 $0x2;
	s8 =	smul.u32 $0x4F000, s0  }
0x5: {  	[smem:$0x7FF] =	sst s3;
	s1 =	sshll.u32 s5, $0x4;
	s9 =	smul.u32 $0x27100, s5  }
0x6: {  	s10 =	ssub.s32 $0x2, s5;
	s5 =	sadd.s32 $0xDA00, s6;
	p0 =	seq.s32 s0, $0xF  }
0x7: {  	s18 =	smul.u32 $0x2780, s0;
	s4 =	sor.u32 s0, s1;
	s1 =	rddreg [dreg:$0x2]  }
0x8: {  	_ =	strace $0x80000047;
	s11 =	sshrl.u32 s10, $0x1;
	s4 =	smul.u32 $0x500, s4  }
0x9: {  	s8 =	sshrl.u32 s8, $0x2;
	s9 =	sadd.s32 s9, s6;
	s10 =	ssub.s32 s10, s11  }
0xa: {  	s11 =	sadd.s32 s8, s2;
	s8 =	sadd.s32 $0x128400, s2;
	s17 =	sadd.s32 $0x10200, s9  }
0xb: {  	s9 =	sshll.u32 @!p0 s0, $0x6;
	s7 =	sadd.s32 s4, s6;
	s4 =	sadd.s32 $0xD200, s6  }
0xc: {  	s8 =	sshrl.u32 @p0 s8, $0x3;
	s9 =	sor.u32 @!p0 $0x1C03, s9;
	s16 =	sadd.s32 @p0 $0x25080, s17  }
0xd: {  	s17 =	sadd.s32 @!p0 s18, s17;
	s18 =	simm.s32 $0x0;
	s6 =	sadd.s32 $0x3200, s7  }
0xe: {  	s7 =	smax.u32 s10, $0x1;
	s10 =	sshrl.u32 @!p0 s11, $0x3;
	s11 =	simm.s32 $0x2800  }
.LBB2_1:
0xf: {  	s19 =	simm.s32 @p0 $0x1FC3  }
0x10: {  	[spmem:s8], [sflag:s19] =	dma.local @p0 [hbm:s5], $0x2080  }
0x11: {  	s19 =	simm.s32 @p0 $0x3  }
0x12: {  	_ =	swait.ge @p0 [sflag:s19], $0x2080  }
0x13: {  	[sflag:s19] =	ssyncset.done @p0 $0x0  }
0x14: {  	[sflag:s19] =	ssyncadd.s32 @p0 $0xFFFFDF80;
	s19 =	simm.s32 @!p0 $0x3  }
0x15: {  	[spmem:s10], [sflag:s9] =	dma.local @!p0 [hbm:s5], $0x2780  }
0x16: {  	_ =	swait.ge @!p0 [sflag:s19], $0x2780  }
0x17: {  	[sflag:s19] =	ssyncset.done @!p0 $0x0  }
0x18: {  	[sflag:s19] =	ssyncadd.s32 @!p0 $0xFFFFD880  }
0x19: {  	[tilespmem:s11], [sflag:$0x3] =	stream.linear.gather [hbm4b:s4+s3], $0x4000, $0x38;
	[tilespmem:$0x1A480] =	vst v63  }
0x1a: {  	_ =	swait.ge [sflag:s12], $0x4000  }
0x1b: {  	[sflag:s12] =	ssyncset.done $0x0  }
0x1c: {  	[sflag:s12] =	ssyncadd.s32 $0xFFFFC000  }
0x1d: {  	[tilespmem:s3], [sflag:$0x3] =	stream.linear.gather [hbm4b:s6+s3], $0x2800, $0x38;
	[tilespmem:$0x1A480] =	vst v63  }
0x1e: {  	_ =	swait.ge [sflag:s12], $0x2800  }
0x1f: {  	[sflag:s12] =	ssyncset.done $0x0  }
0x20: {  	[sflag:s12] =	ssyncadd.s32 $0xFFFFD800  }
0x21: {  	[bflag:$0x0] =	sbarrier.arrive $0xFFFF  }
0x22: {  	[spmem:s2] =	stream.indirect.scatter.add.f32 [tilespmem:s11], [sflag:$0x1], $0x80, s3, s13, $0xb8;
	[tilespmem:$0x1A480] =	vst v63  }
0x23: {  	_ = 	snop  }
0x24: {  	[spmem:s2] =	stream.indirect.scatter.add.f32 [tilespmem:s11], [sflag:$0x2], $0x80, s13, s13, $0xb8;
	[tilespmem:$0x1A480] =	vst v63  }
0x25: {  	_ =	swait.ge [sflag:s14], $0x4000  }
0x26: {  	[sflag:s14] =	ssyncset.done $0x0  }
0x27: {  	s31 =	simm.s32 $0x100;
	[sflag:s14] =	ssyncadd.s32 $0xFFFFC000  }
0x28: {  	[spmem:s2] =	stream.indirect.scatter.add.f32 [tilespmem:s11], [sflag:$0x1], $0x80, s31, s13, $0xb8;
	[tilespmem:$0x1A480] =	vst v63  }
0x29: {  	_ =	swait.ge [sflag:s15], $0x4000  }
0x2a: {  	[sflag:s15] =	ssyncset.done $0x0  }
0x2b: {  	s20 =	simm.s32 $0x180;
	s19 =	simm.s32 $0xFFFF6800;
	[sflag:s15] =	ssyncadd.s32 $0xFFFFC000  }
.LBB2_2:
0x2c: {  	[spmem:s2] =	stream.indirect.scatter.add.f32 [tilespmem:s11], [sflag:$0x2], $0x80, s20, s13, $0xb8;
	[tilespmem:$0x1A480] =	vst v63  }
0x2d: {  	s20 =	smov.u32 s19  }
0x2e: {  	p1 =	sne.s32 s19, $0xFFFFFC00;
	s19 =	sadd.s32 $0x400, s19;
	_ =	swait.ge [sflag:s14], $0x4000  }
0x2f: {  	s20 =	sshra.s32 s20, $0x2;
	[sflag:s14] =	ssyncset.done $0x0  }
.Ltmp0:
0x30: {  	s21 =	sadd.s32 $0x2800, s20;
	[sflag:s14] =	ssyncadd.s32 $0xFFFFC000;
	(pc) =	sbr.rel @p1 .LBB2_2-.Ltmp0, $4  }
0x31: {  	[spmem:s2] =	stream.indirect.scatter.add.f32 [tilespmem:s11], [sflag:$0x1], $0x80, s21, s13, $0xb8;
	[tilespmem:$0x1A480] =	vst v63  }
0x32: {  	_ =	swait.ge [sflag:s15], $0x4000  }
0x33: {  	[sflag:s15] =	ssyncset.done $0x0  }
0x34: {  	s20 =	sadd.s32 $0x2880, s20;
	[sflag:s15] =	ssyncadd.s32 $0xFFFFC000  }
0x35: {  	[spmem:s2] =	stream.indirect.scatter.add.f32 [tilespmem:s11], [sflag:$0x2], $0x80, s20, s13, $0xb8;
	[tilespmem:$0x1A480] =	vst v63  }
0x36: {  	_ =	swait.ge [sflag:s14], $0x4000  }
0x37: {  	[sflag:s14] =	ssyncset.done $0x0  }
0x38: {  	[sflag:s14] =	ssyncadd.s32 $0xFFFFC000  }
0x39: {  	_ =	swait.ge [sflag:s15], $0x4000  }
0x3a: {  	[sflag:s15] =	ssyncset.done $0x0  }
0x3b: {  	[sflag:s15] =	ssyncadd.s32 $0xFFFFC000  }
0x3c: {  	s19 =	simm.s32 @p0 $0x1FC3;
	[bflag:$0x0] =	sbarrier.arrive $0xFFFF  }
0x3d: {  	[hbm:s16], [sflag:s19] =	dma.local @p0 [spmem:s8], $0x2080  }
0x3e: {  	s19 =	simm.s32 @p0 $0x3  }
0x3f: {  	s18 =	sadd.s32 $0x1, s18;
	_ =	swait.ge @p0 [sflag:s19], $0x2080  }
0x40: {  	p1 =	sne.s32 s18, s7;
	[sflag:s19] =	ssyncset.done @p0 $0x0  }
.Ltmp1:
0x41: {  	[sflag:s19] =	ssyncadd.s32 @p0 $0xFFFFDF80;
	s19 =	simm.s32 @!p0 $0x3;
	(pc) =	sbr.rel @p1 .LBB2_1-.Ltmp1, $4  }
0x42: {  	[hbm:s17], [sflag:s9] =	dma.local @!p0 [spmem:s10], $0x2780  }
0x43: {  	_ =	swait.ge @!p0 [sflag:s19], $0x2780  }
0x44: {  	[sflag:s19] =	ssyncset.done @!p0 $0x0  }
0x45: {  	[sflag:s19] =	ssyncadd.s32 @!p0 $0xFFFFD880  }
0x46: {  	_ =	sfence.sel $0x180000  }
0x47: {  	[bflag:$0x0] =	sbarrier.arrive $0xFFFF  }
0x48: {  	p0 =	sne.s32 s0, $0x0;
	_ =	strace $0x90000047  }
0x49: {  	s0 =	sadd.s32 @!p0 $0x100000, s1;
	[bflag:$0x2] =	sbarrier.arrive $0xFFFF  }
0x4a: {  	[sflag:s0] =	ssyncadd.tile.s32 @!p0 $0x1;
	_ =	shalt  }
.Lfunc_end2:
_tile_overlayer_lowered:
.L_overlay_start_2:
0x4b: {  	(tag) =	ssettag $0x2  }
0x4c: {  	s0 =	rddreg [dreg:$0x0];
	s2 =	stileid.u32  }
0x4d: {  	s1 =	rddreg [dreg:$0x1];
	p0 =	sne.s32 s2, $0x0  }
0x4e: {  	s3 =	rddreg [dreg:$0x2];
	[bflag:$0x3] =	sbarrier.arrive $0xFFFF;
	s2 =	simm.s32 @!p0 $0x1C03  }
0x4f: {  	[timem:s3], [sflag:s2] =	dma.local @!p0 [hbm:s0], s1  }
0x50: {  	s0 =	simm.s32 @!p0 $0x3  }
0x51: {  	_ =	swait.ge @!p0 [sflag:s0], s1  }
0x52: {  	s1 =	ssub.s32 @!p0 $0x0, s1;
	[sflag:s0] =	ssyncset.done @!p0 $0x0  }
0x53: {  	[sflag:s0] =	ssyncadd.s32 @!p0 s1  }
0x54: {  	[bflag:$0x3] =	sbarrier.arrive $0xFFFF  }
0x55: {  	_ =	shalt  }

// kernel: kernel.13.cloned.1.call-start
scs
__scs_entry_jumppad:
0x0: {  	(pc) =	sbr.rel $0x88, $3  }
0x1: {  	(tag) =	ssettag $0x0;
	lr =	simm.s32 $0x1  }
0x2: {  	[smem:$0x3F99] =	sst lr;
	_ =	strace $0xD0000000  }
0x3: {  	_ = 	snop  }
0x4: {  	_ = 	snop  }
0x5: {  	_ = 	snop  }
0x6: {  	_ = 	snop  }
0x7: {  	_ = 	snop  }
__scs_overlays_trampoline_lowered:
0x8: {  	[smem:$0x3FA8] =	sst s0  }
0x9: {  	[smem:$0x3FA9] =	sst s1  }
0xa: {  	[smem:$0x3FAA] =	sst s2  }
0xb: {  	[smem:$0x3FAB] =	sst s3  }
0xc: {  	[smem:$0x3FAC] =	sst s4  }
0xd: {  	[smem:$0x3FAD] =	sst s5  }
0xe: {  	[smem:$0x3FAE] =	sst s6  }
0xf: {  	[smem:$0x3FAF] =	sst s7  }
0x10: {  	[smem:$0x3FB0] =	sst s8  }
0x11: {  	[smem:$0x3FB1] =	sst s9;
	s0 =	simm.s32 @!p0 $0x0  }
0x12: {  	s1 =	sld [smem:$0x3F97];
	s0 =	simm.s32 @p0 $0x1  }
0x13: {  	[smem:$0x3FB2] =	sst s0;
	s0 =	simm.s32 @!p1 $0x0  }
0x14: {  	s2 =	sld [smem:$0x3F96];
	s0 =	simm.s32 @p1 $0x1  }
0x15: {  	[smem:$0x3FB3] =	sst s0;
	s0 =	simm.s32 @!p2 $0x0  }
0x16: {  	s3 =	sld [smem:$0x3FDB];
	s0 =	simm.s32 @p2 $0x1  }
0x17: {  	s4 =	simm.s32 $0x1BF5;
	[smem:$0x3FB5] =	sst s0  }
0x18: {  	s0 =	sld [smem:$0x3F98];
	_ =	swait.ge [sflag:s4], $0x0  }
0x19: {  	s7 =	sld [smem:$0x3F99]  }
0x1a: {  	s8 =	sadd.s32 $0xFFFFE003, lr  }
0x1b: {  	s9 =	sadd.s32 $0xFFFFFEF7, lr;
	s5 =	simm.s32 $0xFFFFFFFF;
	p2 =	slt.u32 s8, $0xFFFFF086  }
0x1c: {  	p1 =	slt.u32 s9, $0xF7A;
	s5 =	simm.s32 @!p2 $0x0  }
0x1d: {  	s5 =	simm.s32 @p1 $0x1;
	p0 =	seq.s32 s7, s2  }
0x1e: {  	s7 =	smul.u32 @!p0 $0xF7A, s2;
	p2 =	seq.s32 @!p0 s5, $0x0  }
0x1f: {  	s9 =	smul.u32 $0xF7A, s1;
	s8 =	simm.s32 @!p0 $0x1BF5;
	p2 =	por !p2, p0  }
0x20: {  	[sflag:s8] =	ssyncset.s32 @!p0 $0xFFFFF086;
	s6 =	sadd.s32 @!p0 s3, s7;
	s7 =	simm.s32 @!p0 $0x108  }
0x21: {  	s3 =	sadd.s32 s3, s9;
	s6 =	sadd.s32 @!p0 $0x88, s6;
	s7 =	simm.s32 @p2 $0x1082  }
0x22: {  	[simem:s7], [sflag:s8] =	dma.local @!p0 [hbm:s6], $0xF7A  }
0x23: {  	s9 =	sor.u32 $0xD0000000, s2;
	s6 =	simm.s32 $0x108;
	_ =	swait.ge @!p0 [sflag:s8], $0x0  }
0x24: {  	s3 =	sadd.s32 $0x88, s3;
	s6 =	simm.s32 @!p1 $0x1082;
	[sflag:s4] =	ssyncset.s32 $0xFFFFF086  }
0x25: {  	[simem:s6], [sflag:s4] =	dma.local [hbm:s3], $0xF7A  }
0x26: {  	[smem:$0x3F99] =	sst s1;
	(tag) =	ssettag s2;
	_ =	strace s9  }
0x27: {  	s1 =	sld [smem:$0x3FA9]  }
0x28: {  	s2 =	sld [smem:$0x3FAA]  }
0x29: {  	s4 =	sld [smem:$0x3FAC]  }
0x2a: {  	p0 =	seq.s32 s5, $0x0;
	s5 =	sld [smem:$0x3FAD]  }
0x2b: {  	s6 =	sld [smem:$0x3FAE]  }
0x2c: {  	s7 =	sld [smem:$0x3FAF]  }
0x2d: {  	s3 =	simm.s32 $0x108;
	s8 =	sld [smem:$0x3FB0]  }
0x2e: {  	s3 =	simm.s32 @!p0 $0x1082;
	s9 =	sld [smem:$0x3FB1]  }
0x2f: {  	lr =	sadd.s32 s0, s3;
	s0 =	sld [smem:$0x3FA8]  }
0x30: {  	s3 =	sld [smem:$0x3FAB]  }
0x31: {  	[smem:$0x3FB4] =	sst s10  }
0x32: {  	s10 =	sld [smem:$0x3FB2];
	_ =	sdelay $0x3  }
0x33: {  	p0 =	seq.s32 s10, $0x1;
	s10 =	sld [smem:$0x3FB4];
	_ =	sdelay $0x3  }
0x34: {  	[smem:$0x3FB4] =	sst s10  }
0x35: {  	s10 =	sld [smem:$0x3FB3];
	_ =	sdelay $0x3  }
0x36: {  	p1 =	seq.s32 s10, $0x1;
	s10 =	sld [smem:$0x3FB4];
	_ =	sdelay $0x3  }
0x37: {  	[smem:$0x3FB4] =	sst s10  }
0x38: {  	s10 =	sld [smem:$0x3FB5]  }
0x39: {  	_ = 	snop;
	(pc) =	sbr.ind lr, $3  }
0x3a: {  	_ = 	snop  }
0x3b: {  	_ = 	snop  }
0x3c: {  	p2 =	seq.s32 s10, $0x1;
	s10 =	sld [smem:$0x3FB4]  }
0x3d: {  	_ =	shalt  }
0x3e: {  	_ =	shalt  }
0x3f: {  	_ =	shalt  }
0x40: {  	_ =	shalt  }
0x41: {  	_ =	shalt  }
0x42: {  	_ =	shalt  }
0x43: {  	_ =	shalt  }
0x44: {  	_ =	shalt  }
0x45: {  	_ =	shalt  }
0x46: {  	_ =	shalt  }
0x47: {  	_ =	shalt  }
0x48: {  	_ =	shalt  }
0x49: {  	_ =	shalt  }
0x4a: {  	_ =	shalt  }
0x4b: {  	_ =	shalt  }
0x4c: {  	_ =	shalt  }
0x4d: {  	_ =	shalt  }
0x4e: {  	_ =	shalt  }
0x4f: {  	_ =	shalt  }
0x50: {  	_ =	shalt  }
0x51: {  	_ =	shalt  }
0x52: {  	_ =	shalt  }
0x53: {  	_ =	shalt  }
0x54: {  	_ =	shalt  }
0x55: {  	_ =	shalt  }
0x56: {  	_ =	shalt  }
0x57: {  	_ =	shalt  }
0x58: {  	_ =	shalt  }
0x59: {  	_ =	shalt  }
0x5a: {  	_ =	shalt  }
0x5b: {  	_ =	shalt  }
0x5c: {  	_ =	shalt  }
0x5d: {  	_ =	shalt  }
0x5e: {  	_ =	shalt  }
0x5f: {  	_ =	shalt  }
0x60: {  	_ =	shalt  }
0x61: {  	_ =	shalt  }
0x62: {  	_ =	shalt  }
0x63: {  	_ =	shalt  }
0x64: {  	_ =	shalt  }
0x65: {  	_ =	shalt  }
0x66: {  	_ =	shalt  }
0x67: {  	_ =	shalt  }
0x68: {  	_ =	shalt  }
0x69: {  	_ =	shalt  }
0x6a: {  	_ =	shalt  }
0x6b: {  	_ =	shalt  }
0x6c: {  	_ =	shalt  }
0x6d: {  	_ =	shalt  }
0x6e: {  	_ =	shalt  }
0x6f: {  	_ =	shalt  }
0x70: {  	_ =	shalt  }
0x71: {  	_ =	shalt  }
0x72: {  	_ =	shalt  }
0x73: {  	_ =	shalt  }
0x74: {  	_ =	shalt  }
0x75: {  	_ =	shalt  }
0x76: {  	_ =	shalt  }
0x77: {  	_ =	shalt  }
0x78: {  	_ =	shalt  }
0x79: {  	_ =	shalt  }
0x7a: {  	_ =	shalt  }
0x7b: {  	_ =	shalt  }
0x7c: {  	_ =	shalt  }
0x7d: {  	_ =	shalt  }
0x7e: {  	_ =	shalt  }
0x7f: {  	_ =	shalt  }
0x80: {  	_ =	shalt  }
0x81: {  	_ =	shalt  }
0x82: {  	_ =	shalt  }
0x83: {  	_ =	shalt  }
0x84: {  	_ =	shalt  }
0x85: {  	_ =	shalt  }
0x86: {  	_ =	shalt  }
0x87: {  	_ =	shalt  }
.Lfunc_end0:
.L_simem_size_0:
called_computation.1_lowered:
.L_overlay_start_0:
0x88: {  	s2 =	sld [smem:$0x3FD9]  }
0x89: {  	s3 =	sld [smem:$0x3FFE];
	_ =	sdelay $0x1  }
0x8a: {  	s1 =	srdreg.scid  }
0x8b: {  	s0 =	sand.u32 $0x1, s1  }
0x8c: {  	s17 =	sshll.u32 s0, $0xA;
	s2 =	sadd.s32 s3, s2  }
0x8d: {  	s2 =	sadd.s32 s2, s17  }
0x8e: {  	[smem:$0x3FC0] =	sst s2  }
0x8f: {  	_ = 	snop  }
0x90: {  	s2 =	sld [smem:$0x3FD0];
	(tm) =	ssettm $0x1  }
0x91: {  	s18 =	sld [smem:$0x3FFB];
	_ =	sdelay $0x3  }
0x92: {  	_ =	strace s18  }
0x93: {  	s3 =	sld [smem:$0x3FFC];
	_ =	sdelay $0x3  }
0x94: {  	_ =	strace s3  }
0x95: {  	s3 =	sld [smem:$0x3FFD];
	_ =	sdelay $0x3  }
0x96: {  	_ =	strace s3  }
0x97: {  	_ =	strace $0x8FFFFFFF  }
0x98: {  	s19 =	sld [smem:$0x3FDB];
	_ =	sdelay $0x1  }
0x99: {  	s4 =	simm.s32 $_scs_section_size  }
0x9a: {  	s5 =	simm.s32 $_size__tile_overlayer_lowered;
	s6 =	simm.s32 $_tile_overlayer_lowered  }
0x9b: {  	s22 =	simm.s32 $0x1BFF;
	s21 =	sshll.u32 s6, $0x1;
	s3 =	sadd.s32 s4, s19  }
0x9c: {  	s7 =	simm.s32 $0x0;
	s20 =	sshll.u32 s5, $0x1;
	s5 =	sadd.s32 s21, s3  }
0x9d: {  	[timem:s7], [sflag:s22] =	dma.local [hbm:s5], s20  }
0x9e: {  	_ =	swait.ge [sflag:s22], s20  }
0x9f: {  	s4 =	ssub.s32 $0x0, s20;
	[sflag:s22] =	ssyncset.done $0x0  }
0xa0: {  	[sflag:s22] =	ssyncadd.s32 s4;
	_ =	sdelay $0x1  }
0xa1: {  	s23 =	simm.s32 $0x1B8B  }
0xa2: {  	_ =	swait.ge [sflag:s23], $0x1  }
0xa3: {  	[sflag:s23] =	ssyncset.done $0x0  }
0xa4: {  	s25 =	simm.s32 $0x1B8E;
	s24 =	sld [smem:$0x3FFE];
	[sflag:s23] =	ssyncadd.s32 $0xFFFFFFFF  }
0xa5: {  	s26 =	simm.s32 $execute0_lowered;
	[smem:$0x3FD2] =	sst s25  }
0xa6: {  	s5 =	sshll.u32 s26, $0x1;
	_ =	strace $0x80000049;
	[dreg:$0x1] =	wrdreg $0xFFFFFFFF  }
0xa7: {  	s28 =	simm.s32 $_size_execute0_lowered;
	s3 =	sadd.s32 s3, s5;
	[dreg:$0x0] =	wrdreg $0x0  }
0xa8: {  	s5 =	sshll.u32 s28, $0x1;
	[dreg:$0x2] =	wrdreg s3  }
0xa9: {  	[dreg:$0x3] =	wrdreg s5  }
0xaa: {  	[dreg:$0x4] =	wrdreg $0xC0  }
0xab: {  	_ =	task [dreg:s7], $0x5FFFF  }
0xac: {  	[dreg:$0x1] =	wrdreg $0xFFFFFFFF  }
0xad: {  	[dreg:$0x0] =	wrdreg $0x60  }
0xae: {  	[dreg:$0x2] =	wrdreg s2  }
0xaf: {  	[dreg:$0x3] =	wrdreg s24  }
0xb0: {  	[dreg:$0x4] =	wrdreg $0xA8000  }
0xb1: {  	[dreg:$0x5] =	wrdreg $0x9  }
0xb2: {  	_ =	task.clear_ibuf [dreg:s7], $0x6FFFF;
	_ =	strace $0x90000049  }
0xb3: {  	s29 =	simm.s32 $0x9;
	_ =	strace $0x8000004B  }
0xb4: {  	_ =	swait.ge [sflag:s29], $0x1  }
0xb5: {  	[sflag:s29] =	ssyncadd.s32 $0xFFFFFFFF  }
0xb6: {  	_ =	strace $0x9000004B  }
0xb7: {  	_ =	sfence  }
0xb8: {  	s30 =	sld [smem:$0x0];
	_ =	sdelay $0x2  }
0xb9: {  	s31 =	sshll.u32 s1, $0xD;
	s1 =	sshrl.u32 s1, $0x2  }
0xba: {  	s3 =	sand.u32 $0x4000, s31;
	s1 =	sadd.s32 s1, s30  }
0xbb: {  	s0 =	sor.u32 s3, s0;
	s1 =	sshll.u32 s1, $0x11  }
0xbc: {  	s0 =	sor.u32 s1, s0  }
0xbd: {  	s0 =	sadd.s32 $0x8F2B, s0  }
0xbe: {  	[sflag:s0] =	ssyncadd.remote.s32 $0x1  }
0xbf: {  	_ =	sfence.sel $0xFFFF  }
0xc0: {  	[dreg:$0x0] =	wrdreg $0xFFFFFFFF;
	(pc) =	sbr.abs _section_cstart, $3  }
0xc1: {  	[dreg:$0x1] =	wrdreg $0xFFFFFFFF  }
0xc2: {  	_ =	task.clear_ibuf [dreg:s7], $0x2FFFF;
	_ =	strace $0x9FFFFFFF  }
0xc3: {  	(tm) =	ssettm $0x7FFFFFFF  }
tec
execute0_lowered:
.L_overlay_start_1:
0x0: {  	(tag) =	ssettag $0x1  }
0x1: {  	s8 =	rddreg [dreg:$0x0]  }
0x2: {  	s6 =	rddreg [dreg:$0x1]  }
0x3: {  	s1 =	rddreg [dreg:$0x2]  }
0x4: {  	s0 =	rddreg [dreg:$0x3]  }
0x5: {  	s2 =	simm.s32 $0x0;
	s3 =	srdreg.scid;
	s16 =	simm.s32 $0x1400  }
0x6: {  	s17 =	simm.s32 $0x80;
	s18 =	simm.s32 $0x2800;
	s19 =	simm.s32 $0x6800  }
0x7: {  	s20 =	simm.s32 $0x1;
	s21 =	simm.s32 $0x3;
	s22 =	simm.s32 $0x2  }
0x8: {  	s23 =	simm.s32 $0x4;
	s24 =	simm.s32 $0x2780;
	s26 =	simm.s32 $0x0  }
0x9: {  	[smem:$0x7FF] =	sst s2;
	s9 =	sadd.s32 $0x3200, s6;
	s4 =	sand.u32 $0x1, s3  }
0xa: {  	s3 =	stileid.u32;
	_ =	strace $0x8000004A;
	s7 =	smul.u32 $0x27100, s4  }
0xb: {  	s5 =	sshll.u32 s4, $0x4;
	s10 =	ssub.s32 $0x2, s4;
	s12 =	smul.u32 $0x4F000, s3  }
0xc: {  	s4 =	sadd.s32 $0x10200, s6;
	p0 =	seq.s32 s3, $0xF;
	s25 =	smul.u32 $0x2780, s3  }
0xd: {  	s11 =	sor.u32 s3, s5;
	s13 =	sshrl.u32 s10, $0x1;
	s5 =	sadd.s32 $0xDA00, s6  }
0xe: {  	s14 =	smul.u32 $0x2800, s11;
	s15 =	sadd.s32 s7, s6;
	s13 =	ssub.s32 s10, s13  }
0xf: {  	s29 =	sshrl.u32 s12, $0x2;
	s30 =	smul.u32 $0x500, s11;
	s12 =	sadd.s32 $0x128400, s1  }
0x10: {  	s11 =	smax.u32 s13, $0x1;
	s13 =	sshll.u32 @!p0 s3, $0x6;
	s12 =	sshrl.u32 @p0 s12, $0x3  }
0x11: {  	s31 =	sshrl.u32 s14, $0x3;
	s14 =	sadd.s32 s29, s1;
	s6 =	sadd.s32 s8, s30  }
0x12: {  	s7 =	sadd.s32 s9, s30;
	s13 =	sor.u32 @!p0 $0x1C05, s13;
	s10 =	sadd.s32 $0x280, s31  }
0x13: {  	s8 =	sadd.s32 s8, s10;
	s9 =	sadd.s32 s9, s10;
	s10 =	sadd.s32 $0x37400, s15  }
0x14: {  	s14 =	sshrl.u32 @!p0 s14, $0x3;
	s15 =	simm.s32 $0x5;
	s25 =	sadd.s32 @!p0 s25, s10  }
.LBB2_1:
0x15: {  	s28 =	simm.s32 @p0 $0x1FC5  }
0x16: {  	[spmem:s12], [sflag:s28] =	dma.local @p0 [hbm:s5], $0x2080  }
0x17: {  	s28 =	simm.s32 @p0 $0x5  }
0x18: {  	_ =	swait.ge @p0 [sflag:s28], $0x2080  }
0x19: {  	[sflag:s28] =	ssyncset.done @p0 $0x0  }
0x1a: {  	[sflag:s28] =	ssyncadd.s32 @p0 $0xFFFFDF80;
	s28 =	simm.s32 @!p0 $0x5  }
0x1b: {  	[spmem:s14], [sflag:s13] =	dma.local @!p0 [hbm:s5], $0x2780  }
0x1c: {  	_ =	swait.ge @!p0 [sflag:s28], $0x2780  }
0x1d: {  	[sflag:s28] =	ssyncset.done @!p0 $0x0  }
0x1e: {  	[sflag:s28] =	ssyncadd.s32 @!p0 $0xFFFFD880  }
0x1f: {  	[bflag:$0x0] =	sbarrier.arrive $0xFFFF  }
0x20: {  	[tilespmem:s2], [sflag:$0x5] =	stream.linear.gather [hbm4b:s6+s2], $0x1400, $0x38;
	[tilespmem:$0x1E480] =	vst v63  }
0x21: {  	_ =	swait.ge [sflag:s15], $0x1400  }
0x22: {  	[sflag:s15] =	ssyncset.done $0x0  }
0x23: {  	[sflag:s15] =	ssyncadd.s32 $0xFFFFEC00  }
0x24: {  	[tilespmem:s16], [sflag:$0x5] =	stream.linear.gather [hbm4b:s7+s2], $0x1400, $0x38;
	[tilespmem:$0x1E480] =	vst v63  }
0x25: {  	_ =	swait.ge [sflag:s15], $0x1400  }
0x26: {  	[sflag:s15] =	ssyncset.done $0x0  }
0x27: {  	[sflag:s15] =	ssyncadd.s32 $0xFFFFEC00  }
0x28: {  	[tilespmem:s18], [sflag:$0x1] =	stream.indirect.gather [hbm4b:s4+s17], $0x80, s2, s17, $0xb8;
	[tilespmem:$0x1E480] =	vst v63  }
0x29: {  	_ = 	snop  }
0x2a: {  	[tilespmem:s19], [sflag:$0x2] =	stream.indirect.gather [hbm4b:s4+s17], $0x80, s17, s17, $0xb8;
	[tilespmem:$0x1E480] =	vst v63  }
0x2b: {  	_ =	swait.ge [sflag:s20], $0x4000  }
0x2c: {  	[sflag:s20] =	ssyncset.done $0x0  }
0x2d: {  	[sflag:s20] =	ssyncadd.s32 $0xFFFFC000  }
0x2e: {  	[spmem:s1] =	stream.indirect.scatter.add.f32 [tilespmem:s18], [sflag:$0x3], $0x80, s16, s17, $0xb8;
	[tilespmem:$0x1E480] =	vst v63  }
0x2f: {  	_ =	swait.ge [sflag:s21], $0x4000  }
0x30: {  	[sflag:s21] =	ssyncset.done $0x0  }
0x31: {  	s28 =	simm.s32 $0x100;
	[sflag:s21] =	ssyncadd.s32 $0xFFFFC000  }
0x32: {  	[tilespmem:s18], [sflag:$0x1] =	stream.indirect.gather [hbm4b:s4+s17], $0x80, s28, s17, $0xb8;
	[tilespmem:$0x1E480] =	vst v63  }
0x33: {  	_ =	swait.ge [sflag:s22], $0x4000  }
0x34: {  	[sflag:s22] =	ssyncset.done $0x0  }
0x35: {  	s28 =	simm.s32 $0x1480;
	[sflag:s22] =	ssyncadd.s32 $0xFFFFC000  }
0x36: {  	[spmem:s1] =	stream.indirect.scatter.add.f32 [tilespmem:s19], [sflag:$0x4], $0x80, s28, s17, $0xb8;
	[tilespmem:$0x1E480] =	vst v63  }
0x37: {  	_ =	swait.ge [sflag:s23], $0x4000  }
0x38: {  	[sflag:s23] =	ssyncset.done $0x0  }
0x39: {  	s28 =	simm.s32 $0x180;
	[sflag:s23] =	ssyncadd.s32 $0xFFFFC000  }
0x3a: {  	[tilespmem:s19], [sflag:$0x2] =	stream.indirect.gather [hbm4b:s4+s17], $0x80, s28, s17, $0xb8;
	[tilespmem:$0x1E480] =	vst v63  }
0x3b: {  	_ =	swait.ge [sflag:s20], $0x4000  }
0x3c: {  	[sflag:s20] =	ssyncset.done $0x0  }
0x3d: {  	s29 =	simm.s32 $0x1500;
	s28 =	simm.s32 $0xFFFFB800;
	[sflag:s20] =	ssyncadd.s32 $0xFFFFC000  }
.LBB2_2:
0x3e: {  	[spmem:s1] =	stream.indirect.scatter.add.f32 [tilespmem:s18], [sflag:$0x3], $0x80, s29, s17, $0xb8;
	[tilespmem:$0x1E480] =	vst v63  }
0x3f: {  	s29 =	smov.u32 s28  }
0x40: {  	p1 =	sne.s32 s28, $0xFFFFFC00;
	s28 =	sadd.s32 $0x400, s28;
	_ =	swait.ge [sflag:s21], $0x4000  }
0x41: {  	s29 =	sshra.s32 s29, $0x2;
	[sflag:s21] =	ssyncset.done $0x0  }
0x42: {  	s30 =	sadd.s32 $0x1400, s29;
	[sflag:s21] =	ssyncadd.s32 $0xFFFFC000  }
0x43: {  	[tilespmem:s18], [sflag:$0x1] =	stream.indirect.gather [hbm4b:s4+s17], $0x80, s30, s17, $0xb8;
	[tilespmem:$0x1E480] =	vst v63  }
0x44: {  	_ =	swait.ge [sflag:s22], $0x4000  }
0x45: {  	[sflag:s22] =	ssyncset.done $0x0  }
0x46: {  	s30 =	sadd.s32 $0x2780, s29;
	[sflag:s22] =	ssyncadd.s32 $0xFFFFC000  }
0x47: {  	[spmem:s1] =	stream.indirect.scatter.add.f32 [tilespmem:s19], [sflag:$0x4], $0x80, s30, s17, $0xb8;
	[tilespmem:$0x1E480] =	vst v63  }
0x48: {  	_ =	swait.ge [sflag:s23], $0x4000  }
0x49: {  	[sflag:s23] =	ssyncset.done $0x0  }
.Ltmp0:
0x4a: {  	s30 =	sadd.s32 $0x1480, s29;
	[sflag:s23] =	ssyncadd.s32 $0xFFFFC000;
	(pc) =	sbr.rel @p1 .LBB2_2-.Ltmp0, $4  }
0x4b: {  	[tilespmem:s19], [sflag:$0x2] =	stream.indirect.gather [hbm4b:s4+s17], $0x80, s30, s17, $0xb8;
	[tilespmem:$0x1E480] =	vst v63  }
0x4c: {  	_ =	swait.ge [sflag:s20], $0x4000  }
0x4d: {  	[sflag:s20] =	ssyncset.done $0x0  }
0x4e: {  	s29 =	sadd.s32 $0x2800, s29;
	[sflag:s20] =	ssyncadd.s32 $0xFFFFC000  }
0x4f: {  	[spmem:s1] =	stream.indirect.scatter.add.f32 [tilespmem:s18], [sflag:$0x3], $0x80, s29, s17, $0xb8;
	[tilespmem:$0x1E480] =	vst v63  }
0x50: {  	_ =	swait.ge [sflag:s21], $0x4000  }
0x51: {  	[sflag:s21] =	ssyncset.done $0x0  }
0x52: {  	[sflag:s21] =	ssyncadd.s32 $0xFFFFC000  }
0x53: {  	_ =	swait.ge [sflag:s22], $0x4000  }
0x54: {  	[sflag:s22] =	ssyncset.done $0x0  }
0x55: {  	[sflag:s22] =	ssyncadd.s32 $0xFFFFC000  }
0x56: {  	[spmem:s1] =	stream.indirect.scatter.add.f32 [tilespmem:s19], [sflag:$0x4], $0x80, s24, s17, $0xb8;
	[tilespmem:$0x1E480] =	vst v63  }
0x57: {  	_ =	swait.ge [sflag:s23], $0x4000  }
0x58: {  	[sflag:s23] =	ssyncset.done $0x0  }
0x59: {  	[sflag:s23] =	ssyncadd.s32 $0xFFFFC000  }
0x5a: {  	[tilespmem:s2], [sflag:$0x5] =	stream.linear.gather [hbm4b:s8+s2], $0x1400, $0x38;
	[tilespmem:$0x1E480] =	vst v63  }
0x5b: {  	_ =	swait.ge [sflag:s15], $0x1400  }
0x5c: {  	[sflag:s15] =	ssyncset.done $0x0  }
0x5d: {  	[sflag:s15] =	ssyncadd.s32 $0xFFFFEC00  }
0x5e: {  	[tilespmem:s16], [sflag:$0x5] =	stream.linear.gather [hbm4b:s9+s2], $0x1400, $0x38;
	[tilespmem:$0x1E480] =	vst v63  }
0x5f: {  	_ =	swait.ge [sflag:s15], $0x1400  }
0x60: {  	[sflag:s15] =	ssyncset.done $0x0  }
0x61: {  	[sflag:s15] =	ssyncadd.s32 $0xFFFFEC00  }
0x62: {  	[tilespmem:s18], [sflag:$0x1] =	stream.indirect.gather [hbm4b:s4+s17], $0x80, s2, s17, $0xb8;
	[tilespmem:$0x1E480] =	vst v63  }
0x63: {  	_ = 	snop  }
0x64: {  	[tilespmem:s19], [sflag:$0x2] =	stream.indirect.gather [hbm4b:s4+s17], $0x80, s17, s17, $0xb8;
	[tilespmem:$0x1E480] =	vst v63  }
0x65: {  	_ =	swait.ge [sflag:s20], $0x4000  }
0x66: {  	[sflag:s20] =	ssyncset.done $0x0  }
0x67: {  	[sflag:s20] =	ssyncadd.s32 $0xFFFFC000  }
0x68: {  	[spmem:s1] =	stream.indirect.scatter.add.f32 [tilespmem:s18], [sflag:$0x3], $0x80, s16, s17, $0xb8;
	[tilespmem:$0x1E480] =	vst v63  }
0x69: {  	_ =	swait.ge [sflag:s21], $0x4000  }
0x6a: {  	[sflag:s21] =	ssyncset.done $0x0  }
0x6b: {  	s28 =	simm.s32 $0x100;
	[sflag:s21] =	ssyncadd.s32 $0xFFFFC000  }
0x6c: {  	[tilespmem:s18], [sflag:$0x1] =	stream.indirect.gather [hbm4b:s4+s17], $0x80, s28, s17, $0xb8;
	[tilespmem:$0x1E480] =	vst v63  }
0x6d: {  	_ =	swait.ge [sflag:s22], $0x4000  }
0x6e: {  	[sflag:s22] =	ssyncset.done $0x0  }
0x6f: {  	s28 =	simm.s32 $0x1480;
	[sflag:s22] =	ssyncadd.s32 $0xFFFFC000  }
0x70: {  	[spmem:s1] =	stream.indirect.scatter.add.f32 [tilespmem:s19], [sflag:$0x4], $0x80, s28, s17, $0xb8;
	[tilespmem:$0x1E480] =	vst v63  }
0x71: {  	_ =	swait.ge [sflag:s23], $0x4000  }
0x72: {  	[sflag:s23] =	ssyncset.done $0x0  }
0x73: {  	s28 =	simm.s32 $0x180;
	[sflag:s23] =	ssyncadd.s32 $0xFFFFC000  }
0x74: {  	[tilespmem:s19], [sflag:$0x2] =	stream.indirect.gather [hbm4b:s4+s17], $0x80, s28, s17, $0xb8;
	[tilespmem:$0x1E480] =	vst v63  }
0x75: {  	_ =	swait.ge [sflag:s20], $0x4000  }
0x76: {  	[sflag:s20] =	ssyncset.done $0x0  }
0x77: {  	s29 =	simm.s32 $0x1500;
	s28 =	simm.s32 $0xFFFFB800;
	[sflag:s20] =	ssyncadd.s32 $0xFFFFC000  }
.LBB2_4:
0x78: {  	[spmem:s1] =	stream.indirect.scatter.add.f32 [tilespmem:s18], [sflag:$0x3], $0x80, s29, s17, $0xb8;
	[tilespmem:$0x1E480] =	vst v63  }
0x79: {  	s29 =	smov.u32 s28  }
0x7a: {  	p1 =	sne.s32 s28, $0xFFFFFC00;
	s28 =	sadd.s32 $0x400, s28;
	_ =	swait.ge [sflag:s21], $0x4000  }
0x7b: {  	s29 =	sshra.s32 s29, $0x2;
	[sflag:s21] =	ssyncset.done $0x0  }
0x7c: {  	s30 =	sadd.s32 $0x1400, s29;
	[sflag:s21] =	ssyncadd.s32 $0xFFFFC000  }
0x7d: {  	[tilespmem:s18], [sflag:$0x1] =	stream.indirect.gather [hbm4b:s4+s17], $0x80, s30, s17, $0xb8;
	[tilespmem:$0x1E480] =	vst v63  }
0x7e: {  	_ =	swait.ge [sflag:s22], $0x4000  }
0x7f: {  	[sflag:s22] =	ssyncset.done $0x0  }
0x80: {  	s30 =	sadd.s32 $0x2780, s29;
	[sflag:s22] =	ssyncadd.s32 $0xFFFFC000  }
0x81: {  	[spmem:s1] =	stream.indirect.scatter.add.f32 [tilespmem:s19], [sflag:$0x4], $0x80, s30, s17, $0xb8;
	[tilespmem:$0x1E480] =	vst v63  }
0x82: {  	_ =	swait.ge [sflag:s23], $0x4000  }
0x83: {  	[sflag:s23] =	ssyncset.done $0x0  }
.Ltmp1:
0x84: {  	s30 =	sadd.s32 $0x1480, s29;
	[sflag:s23] =	ssyncadd.s32 $0xFFFFC000;
	(pc) =	sbr.rel @p1 .LBB2_4-.Ltmp1, $4  }
0x85: {  	[tilespmem:s19], [sflag:$0x2] =	stream.indirect.gather [hbm4b:s4+s17], $0x80, s30, s17, $0xb8;
	[tilespmem:$0x1E480] =	vst v63  }
0x86: {  	_ =	swait.ge [sflag:s20], $0x4000  }
0x87: {  	[sflag:s20] =	ssyncset.done $0x0  }
0x88: {  	s29 =	sadd.s32 $0x2800, s29;
	[sflag:s20] =	ssyncadd.s32 $0xFFFFC000  }
0x89: {  	[spmem:s1] =	stream.indirect.scatter.add.f32 [tilespmem:s18], [sflag:$0x3], $0x80, s29, s17, $0xb8;
	[tilespmem:$0x1E480] =	vst v63  }
0x8a: {  	_ =	swait.ge [sflag:s21], $0x4000  }
0x8b: {  	[sflag:s21] =	ssyncset.done $0x0  }
0x8c: {  	[sflag:s21] =	ssyncadd.s32 $0xFFFFC000  }
0x8d: {  	_ =	swait.ge [sflag:s22], $0x4000  }
0x8e: {  	[sflag:s22] =	ssyncset.done $0x0  }
0x8f: {  	[sflag:s22] =	ssyncadd.s32 $0xFFFFC000  }
0x90: {  	[spmem:s1] =	stream.indirect.scatter.add.f32 [tilespmem:s19], [sflag:$0x4], $0x80, s24, s17, $0xb8;
	[tilespmem:$0x1E480] =	vst v63  }
0x91: {  	_ =	swait.ge [sflag:s23], $0x4000  }
0x92: {  	[sflag:s23] =	ssyncset.done $0x0  }
0x93: {  	[sflag:s23] =	ssyncadd.s32 $0xFFFFC000  }
0x94: {  	s28 =	sadd.s32 @p0 $0x25080, s10;
	s29 =	simm.s32 @p0 $0x1FC5;
	[bflag:$0x0] =	sbarrier.arrive $0xFFFF  }
0x95: {  	[hbm:s28], [sflag:s29] =	dma.local @p0 [spmem:s12], $0x2080  }
0x96: {  	s28 =	simm.s32 @p0 $0x5  }
0x97: {  	s26 =	sadd.s32 $0x1, s26;
	_ =	swait.ge @p0 [sflag:s28], $0x2080  }
0x98: {  	p1 =	sne.s32 s26, s11;
	[sflag:s28] =	ssyncset.done @p0 $0x0  }
.Ltmp2:
0x99: {  	[sflag:s28] =	ssyncadd.s32 @p0 $0xFFFFDF80;
	s28 =	simm.s32 @!p0 $0x5;
	(pc) =	sbr.rel @p1 .LBB2_1-.Ltmp2, $4  }
0x9a: {  	[hbm:s25], [sflag:s13] =	dma.local @!p0 [spmem:s14], $0x2780  }
0x9b: {  	_ =	swait.ge @!p0 [sflag:s28], $0x2780  }
0x9c: {  	[sflag:s28] =	ssyncset.done @!p0 $0x0  }
0x9d: {  	[sflag:s28] =	ssyncadd.s32 @!p0 $0xFFFFD880  }
0x9e: {  	_ =	sfence.sel $0x180000  }
0x9f: {  	[bflag:$0x0] =	sbarrier.arrive $0xFFFF  }
0xa0: {  	p0 =	sne.s32 s3, $0x0;
	_ =	strace $0x9000004A  }
0xa1: {  	s0 =	sadd.s32 @!p0 $0x100000, s0;
	[bflag:$0x2] =	sbarrier.arrive $0xFFFF  }
0xa2: {  	[sflag:s0] =	ssyncadd.tile.s32 @!p0 $0x1;
	_ =	shalt  }
.Lfunc_end2:
_tile_overlayer_lowered:
.L_overlay_start_2:
0xa3: {  	(tag) =	ssettag $0x2  }
0xa4: {  	s0 =	rddreg [dreg:$0x0];
	s2 =	stileid.u32  }
0xa5: {  	s1 =	rddreg [dreg:$0x1];
	p0 =	sne.s32 s2, $0x0  }
0xa6: {  	s3 =	rddreg [dreg:$0x2];
	[bflag:$0x3] =	sbarrier.arrive $0xFFFF;
	s2 =	simm.s32 @!p0 $0x1C05  }
0xa7: {  	[timem:s3], [sflag:s2] =	dma.local @!p0 [hbm:s0], s1  }
0xa8: {  	s0 =	simm.s32 @!p0 $0x5  }
0xa9: {  	_ =	swait.ge @!p0 [sflag:s0], s1  }
0xaa: {  	s1 =	ssub.s32 @!p0 $0x0, s1;
	[sflag:s0] =	ssyncset.done @!p0 $0x0  }
0xab: {  	[sflag:s0] =	ssyncadd.s32 @!p0 s1  }
0xac: {  	[bflag:$0x3] =	sbarrier.arrive $0xFFFF  }
0xad: {  	_ =	shalt  }

// kernel: kernel.16.cloned.1.call-start
scs
__scs_entry_jumppad:
0x0: {  	(pc) =	sbr.rel $0x88, $3  }
0x1: {  	(tag) =	ssettag $0x0;
	lr =	simm.s32 $0x1  }
0x2: {  	[smem:$0x3F99] =	sst lr;
	_ =	strace $0xD0000000  }
0x3: {  	_ = 	snop  }
0x4: {  	_ = 	snop  }
0x5: {  	_ = 	snop  }
0x6: {  	_ = 	snop  }
0x7: {  	_ = 	snop  }
__scs_overlays_trampoline_lowered:
0x8: {  	[smem:$0x3FA8] =	sst s0  }
0x9: {  	[smem:$0x3FA9] =	sst s1  }
0xa: {  	[smem:$0x3FAA] =	sst s2  }
0xb: {  	[smem:$0x3FAB] =	sst s3  }
0xc: {  	[smem:$0x3FAC] =	sst s4  }
0xd: {  	[smem:$0x3FAD] =	sst s5  }
0xe: {  	[smem:$0x3FAE] =	sst s6  }
0xf: {  	[smem:$0x3FAF] =	sst s7  }
0x10: {  	[smem:$0x3FB0] =	sst s8  }
0x11: {  	[smem:$0x3FB1] =	sst s9;
	s0 =	simm.s32 @!p0 $0x0  }
0x12: {  	s1 =	sld [smem:$0x3F97];
	s0 =	simm.s32 @p0 $0x1  }
0x13: {  	[smem:$0x3FB2] =	sst s0;
	s0 =	simm.s32 @!p1 $0x0  }
0x14: {  	s2 =	sld [smem:$0x3F96];
	s0 =	simm.s32 @p1 $0x1  }
0x15: {  	[smem:$0x3FB3] =	sst s0;
	s0 =	simm.s32 @!p2 $0x0  }
0x16: {  	s3 =	sld [smem:$0x3FDB];
	s0 =	simm.s32 @p2 $0x1  }
0x17: {  	s4 =	simm.s32 $0x1BF5;
	[smem:$0x3FB5] =	sst s0  }
0x18: {  	s0 =	sld [smem:$0x3F98];
	_ =	swait.ge [sflag:s4], $0x0  }
0x19: {  	s7 =	sld [smem:$0x3F99]  }
0x1a: {  	s8 =	sadd.s32 $0xFFFFE003, lr  }
0x1b: {  	s9 =	sadd.s32 $0xFFFFFEF7, lr;
	s5 =	simm.s32 $0xFFFFFFFF;
	p2 =	slt.u32 s8, $0xFFFFF086  }
0x1c: {  	p1 =	slt.u32 s9, $0xF7A;
	s5 =	simm.s32 @!p2 $0x0  }
0x1d: {  	s5 =	simm.s32 @p1 $0x1;
	p0 =	seq.s32 s7, s2  }
0x1e: {  	s7 =	smul.u32 @!p0 $0xF7A, s2;
	p2 =	seq.s32 @!p0 s5, $0x0  }
0x1f: {  	s9 =	smul.u32 $0xF7A, s1;
	s8 =	simm.s32 @!p0 $0x1BF5;
	p2 =	por !p2, p0  }
0x20: {  	[sflag:s8] =	ssyncset.s32 @!p0 $0xFFFFF086;
	s6 =	sadd.s32 @!p0 s3, s7;
	s7 =	simm.s32 @!p0 $0x108  }
0x21: {  	s3 =	sadd.s32 s3, s9;
	s6 =	sadd.s32 @!p0 $0x88, s6;
	s7 =	simm.s32 @p2 $0x1082  }
0x22: {  	[simem:s7], [sflag:s8] =	dma.local @!p0 [hbm:s6], $0xF7A  }
0x23: {  	s9 =	sor.u32 $0xD0000000, s2;
	s6 =	simm.s32 $0x108;
	_ =	swait.ge @!p0 [sflag:s8], $0x0  }
0x24: {  	s3 =	sadd.s32 $0x88, s3;
	s6 =	simm.s32 @!p1 $0x1082;
	[sflag:s4] =	ssyncset.s32 $0xFFFFF086  }
0x25: {  	[simem:s6], [sflag:s4] =	dma.local [hbm:s3], $0xF7A  }
0x26: {  	[smem:$0x3F99] =	sst s1;
	(tag) =	ssettag s2;
	_ =	strace s9  }
0x27: {  	s1 =	sld [smem:$0x3FA9]  }
0x28: {  	s2 =	sld [smem:$0x3FAA]  }
0x29: {  	s4 =	sld [smem:$0x3FAC]  }
0x2a: {  	p0 =	seq.s32 s5, $0x0;
	s5 =	sld [smem:$0x3FAD]  }
0x2b: {  	s6 =	sld [smem:$0x3FAE]  }
0x2c: {  	s7 =	sld [smem:$0x3FAF]  }
0x2d: {  	s3 =	simm.s32 $0x108;
	s8 =	sld [smem:$0x3FB0]  }
0x2e: {  	s3 =	simm.s32 @!p0 $0x1082;
	s9 =	sld [smem:$0x3FB1]  }
0x2f: {  	lr =	sadd.s32 s0, s3;
	s0 =	sld [smem:$0x3FA8]  }
0x30: {  	s3 =	sld [smem:$0x3FAB]  }
0x31: {  	[smem:$0x3FB4] =	sst s10  }
0x32: {  	s10 =	sld [smem:$0x3FB2];
	_ =	sdelay $0x3  }
0x33: {  	p0 =	seq.s32 s10, $0x1;
	s10 =	sld [smem:$0x3FB4];
	_ =	sdelay $0x3  }
0x34: {  	[smem:$0x3FB4] =	sst s10  }
0x35: {  	s10 =	sld [smem:$0x3FB3];
	_ =	sdelay $0x3  }
0x36: {  	p1 =	seq.s32 s10, $0x1;
	s10 =	sld [smem:$0x3FB4];
	_ =	sdelay $0x3  }
0x37: {  	[smem:$0x3FB4] =	sst s10  }
0x38: {  	s10 =	sld [smem:$0x3FB5]  }
0x39: {  	_ = 	snop;
	(pc) =	sbr.ind lr, $3  }
0x3a: {  	_ = 	snop  }
0x3b: {  	_ = 	snop  }
0x3c: {  	p2 =	seq.s32 s10, $0x1;
	s10 =	sld [smem:$0x3FB4]  }
0x3d: {  	_ =	shalt  }
0x3e: {  	_ =	shalt  }
0x3f: {  	_ =	shalt  }
0x40: {  	_ =	shalt  }
0x41: {  	_ =	shalt  }
0x42: {  	_ =	shalt  }
0x43: {  	_ =	shalt  }
0x44: {  	_ =	shalt  }
0x45: {  	_ =	shalt  }
0x46: {  	_ =	shalt  }
0x47: {  	_ =	shalt  }
0x48: {  	_ =	shalt  }
0x49: {  	_ =	shalt  }
0x4a: {  	_ =	shalt  }
0x4b: {  	_ =	shalt  }
0x4c: {  	_ =	shalt  }
0x4d: {  	_ =	shalt  }
0x4e: {  	_ =	shalt  }
0x4f: {  	_ =	shalt  }
0x50: {  	_ =	shalt  }
0x51: {  	_ =	shalt  }
0x52: {  	_ =	shalt  }
0x53: {  	_ =	shalt  }
0x54: {  	_ =	shalt  }
0x55: {  	_ =	shalt  }
0x56: {  	_ =	shalt  }
0x57: {  	_ =	shalt  }
0x58: {  	_ =	shalt  }
0x59: {  	_ =	shalt  }
0x5a: {  	_ =	shalt  }
0x5b: {  	_ =	shalt  }
0x5c: {  	_ =	shalt  }
0x5d: {  	_ =	shalt  }
0x5e: {  	_ =	shalt  }
0x5f: {  	_ =	shalt  }
0x60: {  	_ =	shalt  }
0x61: {  	_ =	shalt  }
0x62: {  	_ =	shalt  }
0x63: {  	_ =	shalt  }
0x64: {  	_ =	shalt  }
0x65: {  	_ =	shalt  }
0x66: {  	_ =	shalt  }
0x67: {  	_ =	shalt  }
0x68: {  	_ =	shalt  }
0x69: {  	_ =	shalt  }
0x6a: {  	_ =	shalt  }
0x6b: {  	_ =	shalt  }
0x6c: {  	_ =	shalt  }
0x6d: {  	_ =	shalt  }
0x6e: {  	_ =	shalt  }
0x6f: {  	_ =	shalt  }
0x70: {  	_ =	shalt  }
0x71: {  	_ =	shalt  }
0x72: {  	_ =	shalt  }
0x73: {  	_ =	shalt  }
0x74: {  	_ =	shalt  }
0x75: {  	_ =	shalt  }
0x76: {  	_ =	shalt  }
0x77: {  	_ =	shalt  }
0x78: {  	_ =	shalt  }
0x79: {  	_ =	shalt  }
0x7a: {  	_ =	shalt  }
0x7b: {  	_ =	shalt  }
0x7c: {  	_ =	shalt  }
0x7d: {  	_ =	shalt  }
0x7e: {  	_ =	shalt  }
0x7f: {  	_ =	shalt  }
0x80: {  	_ =	shalt  }
0x81: {  	_ =	shalt  }
0x82: {  	_ =	shalt  }
0x83: {  	_ =	shalt  }
0x84: {  	_ =	shalt  }
0x85: {  	_ =	shalt  }
0x86: {  	_ =	shalt  }
0x87: {  	_ =	shalt  }
.Lfunc_end0:
.L_simem_size_0:
called_computation.2_lowered:
.L_overlay_start_0:
0x88: {  	s2 =	sld [smem:$0x3FD9]  }
0x89: {  	s3 =	sld [smem:$0x3FFE];
	_ =	sdelay $0x1  }
0x8a: {  	s1 =	srdreg.scid  }
0x8b: {  	s0 =	sand.u32 $0x1, s1  }
0x8c: {  	s17 =	sshll.u32 s0, $0xA;
	s2 =	sadd.s32 s3, s2  }
0x8d: {  	s2 =	sadd.s32 s2, s17  }
0x8e: {  	[smem:$0x3FC0] =	sst s2  }
0x8f: {  	_ = 	snop  }
0x90: {  	s2 =	sld [smem:$0x3FD0];
	(tm) =	ssettm $0x1  }
0x91: {  	s18 =	sld [smem:$0x3FFB];
	_ =	sdelay $0x3  }
0x92: {  	_ =	strace s18  }
0x93: {  	s3 =	sld [smem:$0x3FFC];
	_ =	sdelay $0x3  }
0x94: {  	_ =	strace s3  }
0x95: {  	s3 =	sld [smem:$0x3FFD];
	_ =	sdelay $0x3  }
0x96: {  	_ =	strace s3  }
0x97: {  	_ =	strace $0x8FFFFFFF  }
0x98: {  	s19 =	sld [smem:$0x3FDB];
	_ =	sdelay $0x1  }
0x99: {  	s4 =	simm.s32 $_scs_section_size  }
0x9a: {  	s5 =	simm.s32 $_size__tile_overlayer_lowered;
	s6 =	simm.s32 $_tile_overlayer_lowered  }
0x9b: {  	s22 =	simm.s32 $0x1BFF;
	s21 =	sshll.u32 s6, $0x1;
	s3 =	sadd.s32 s4, s19  }
0x9c: {  	s7 =	simm.s32 $0x0;
	s20 =	sshll.u32 s5, $0x1;
	s5 =	sadd.s32 s21, s3  }
0x9d: {  	[timem:s7], [sflag:s22] =	dma.local [hbm:s5], s20  }
0x9e: {  	_ =	swait.ge [sflag:s22], s20  }
0x9f: {  	s4 =	ssub.s32 $0x0, s20;
	[sflag:s22] =	ssyncset.done $0x0  }
0xa0: {  	[sflag:s22] =	ssyncadd.s32 s4;
	_ =	sdelay $0x1  }
0xa1: {  	s23 =	simm.s32 $0x1B8B  }
0xa2: {  	_ =	swait.ge [sflag:s23], $0x1  }
0xa3: {  	[sflag:s23] =	ssyncset.done $0x0  }
0xa4: {  	s25 =	simm.s32 $0x1B8E;
	s24 =	sld [smem:$0x3FFE];
	[sflag:s23] =	ssyncadd.s32 $0xFFFFFFFF  }
0xa5: {  	s26 =	simm.s32 $execute0_lowered;
	[smem:$0x3FD2] =	sst s25  }
0xa6: {  	s5 =	sshll.u32 s26, $0x1;
	_ =	strace $0x8000004C;
	[dreg:$0x1] =	wrdreg $0xFFFFFFFF  }
0xa7: {  	s28 =	simm.s32 $_size_execute0_lowered;
	s3 =	sadd.s32 s3, s5;
	[dreg:$0x0] =	wrdreg $0x0  }
0xa8: {  	s5 =	sshll.u32 s28, $0x1;
	[dreg:$0x2] =	wrdreg s3  }
0xa9: {  	[dreg:$0x3] =	wrdreg s5  }
0xaa: {  	[dreg:$0x4] =	wrdreg $0xC0  }
0xab: {  	_ =	task [dreg:s7], $0x5FFFF  }
0xac: {  	[dreg:$0x1] =	wrdreg $0xFFFFFFFF  }
0xad: {  	[dreg:$0x0] =	wrdreg $0x60  }
0xae: {  	[dreg:$0x2] =	wrdreg s2  }
0xaf: {  	[dreg:$0x3] =	wrdreg s24  }
0xb0: {  	[dreg:$0x4] =	wrdreg $0xA8000  }
0xb1: {  	[dreg:$0x5] =	wrdreg $0x9  }
0xb2: {  	_ =	task.clear_ibuf [dreg:s7], $0x6FFFF;
	_ =	strace $0x9000004C  }
0xb3: {  	s29 =	simm.s32 $0x9;
	_ =	strace $0x8000004E  }
0xb4: {  	_ =	swait.ge [sflag:s29], $0x1  }
0xb5: {  	[sflag:s29] =	ssyncadd.s32 $0xFFFFFFFF  }
0xb6: {  	_ =	strace $0x9000004E  }
0xb7: {  	_ =	sfence  }
0xb8: {  	s30 =	sld [smem:$0x0];
	_ =	sdelay $0x2  }
0xb9: {  	s31 =	sshll.u32 s1, $0xD;
	s1 =	sshrl.u32 s1, $0x2  }
0xba: {  	s3 =	sand.u32 $0x4000, s31;
	s1 =	sadd.s32 s1, s30  }
0xbb: {  	s0 =	sor.u32 s3, s0;
	s1 =	sshll.u32 s1, $0x11  }
0xbc: {  	s0 =	sor.u32 s1, s0  }
0xbd: {  	s0 =	sadd.s32 $0x8F2B, s0  }
0xbe: {  	[sflag:s0] =	ssyncadd.remote.s32 $0x1  }
0xbf: {  	_ =	sfence.sel $0xFFFF  }
0xc0: {  	[dreg:$0x0] =	wrdreg $0xFFFFFFFF;
	(pc) =	sbr.abs _section_cstart, $3  }
0xc1: {  	[dreg:$0x1] =	wrdreg $0xFFFFFFFF  }
0xc2: {  	_ =	task.clear_ibuf [dreg:s7], $0x2FFFF;
	_ =	strace $0x9FFFFFFF  }
0xc3: {  	(tm) =	ssettm $0x7FFFFFFF  }
tec
execute0_lowered:
.L_overlay_start_1:
0x0: {  	(tag) =	ssettag $0x1  }
0x1: {  	s8 =	rddreg [dreg:$0x0]  }
0x2: {  	s6 =	rddreg [dreg:$0x1]  }
0x3: {  	s1 =	rddreg [dreg:$0x2]  }
0x4: {  	s0 =	rddreg [dreg:$0x3]  }
0x5: {  	s2 =	simm.s32 $0x0;
	s3 =	srdreg.scid;
	s16 =	simm.s32 $0x1400  }
0x6: {  	s17 =	simm.s32 $0x80;
	s18 =	simm.s32 $0x2800;
	s19 =	simm.s32 $0x6800  }
0x7: {  	s20 =	simm.s32 $0x1;
	s21 =	simm.s32 $0x3;
	s22 =	simm.s32 $0x2  }
0x8: {  	s23 =	simm.s32 $0x4;
	s24 =	simm.s32 $0x2780;
	s26 =	simm.s32 $0x0  }
0x9: {  	[smem:$0x7FF] =	sst s2;
	s9 =	sadd.s32 $0x3200, s6;
	s4 =	sand.u32 $0x1, s3  }
0xa: {  	s3 =	stileid.u32;
	_ =	strace $0x8000004D;
	s7 =	smul.u32 $0x27100, s4  }
0xb: {  	s5 =	sshll.u32 s4, $0x4;
	s10 =	ssub.s32 $0x2, s4;
	s12 =	smul.u32 $0x4F000, s3  }
0xc: {  	s4 =	sadd.s32 $0x10200, s6;
	p0 =	seq.s32 s3, $0xF;
	s25 =	smul.u32 $0x2780, s3  }
0xd: {  	s11 =	sor.u32 s3, s5;
	s13 =	sshrl.u32 s10, $0x1;
	s5 =	sadd.s32 $0xDA00, s6  }
0xe: {  	s14 =	smul.u32 $0x2800, s11;
	s15 =	sadd.s32 s7, s6;
	s13 =	ssub.s32 s10, s13  }
0xf: {  	s29 =	sshrl.u32 s12, $0x2;
	s30 =	smul.u32 $0x500, s11;
	s12 =	sadd.s32 $0x128400, s1  }
0x10: {  	s11 =	smax.u32 s13, $0x1;
	s13 =	sshll.u32 @!p0 s3, $0x6;
	s12 =	sshrl.u32 @p0 s12, $0x3  }
0x11: {  	s31 =	sshrl.u32 s14, $0x3;
	s14 =	sadd.s32 s29, s1;
	s6 =	sadd.s32 s8, s30  }
0x12: {  	s7 =	sadd.s32 s9, s30;
	s13 =	sor.u32 @!p0 $0x1C05, s13;
	s10 =	sadd.s32 $0x280, s31  }
0x13: {  	s8 =	sadd.s32 s8, s10;
	s9 =	sadd.s32 s9, s10;
	s10 =	sadd.s32 $0x37400, s15  }
0x14: {  	s14 =	sshrl.u32 @!p0 s14, $0x3;
	s15 =	simm.s32 $0x5;
	s25 =	sadd.s32 @!p0 s25, s10  }
.LBB2_1:
0x15: {  	s28 =	simm.s32 @p0 $0x1FC5  }
0x16: {  	[spmem:s12], [sflag:s28] =	dma.local @p0 [hbm:s5], $0x2080  }
0x17: {  	s28 =	simm.s32 @p0 $0x5  }
0x18: {  	_ =	swait.ge @p0 [sflag:s28], $0x2080  }
0x19: {  	[sflag:s28] =	ssyncset.done @p0 $0x0  }
0x1a: {  	[sflag:s28] =	ssyncadd.s32 @p0 $0xFFFFDF80;
	s28 =	simm.s32 @!p0 $0x5  }
0x1b: {  	[spmem:s14], [sflag:s13] =	dma.local @!p0 [hbm:s5], $0x2780  }
0x1c: {  	_ =	swait.ge @!p0 [sflag:s28], $0x2780  }
0x1d: {  	[sflag:s28] =	ssyncset.done @!p0 $0x0  }
0x1e: {  	[sflag:s28] =	ssyncadd.s32 @!p0 $0xFFFFD880  }
0x1f: {  	[bflag:$0x0] =	sbarrier.arrive $0xFFFF  }
0x20: {  	[tilespmem:s2], [sflag:$0x5] =	stream.linear.gather [hbm4b:s6+s2], $0x1400, $0x38;
	[tilespmem:$0x1E480] =	vst v63  }
0x21: {  	_ =	swait.ge [sflag:s15], $0x1400  }
0x22: {  	[sflag:s15] =	ssyncset.done $0x0  }
0x23: {  	[sflag:s15] =	ssyncadd.s32 $0xFFFFEC00  }
0x24: {  	[tilespmem:s16], [sflag:$0x5] =	stream.linear.gather [hbm4b:s7+s2], $0x1400, $0x38;
	[tilespmem:$0x1E480] =	vst v63  }
0x25: {  	_ =	swait.ge [sflag:s15], $0x1400  }
0x26: {  	[sflag:s15] =	ssyncset.done $0x0  }
0x27: {  	[sflag:s15] =	ssyncadd.s32 $0xFFFFEC00  }
0x28: {  	[tilespmem:s18], [sflag:$0x1] =	stream.indirect.gather [hbm4b:s4+s17], $0x80, s2, s17, $0xb8;
	[tilespmem:$0x1E480] =	vst v63  }
0x29: {  	_ = 	snop  }
0x2a: {  	[tilespmem:s19], [sflag:$0x2] =	stream.indirect.gather [hbm4b:s4+s17], $0x80, s17, s17, $0xb8;
	[tilespmem:$0x1E480] =	vst v63  }
0x2b: {  	_ =	swait.ge [sflag:s20], $0x4000  }
0x2c: {  	[sflag:s20] =	ssyncset.done $0x0  }
0x2d: {  	[sflag:s20] =	ssyncadd.s32 $0xFFFFC000  }
0x2e: {  	[spmem:s1] =	stream.indirect.scatter.add.f32 [tilespmem:s18], [sflag:$0x3], $0x80, s16, s17, $0xb8;
	[tilespmem:$0x1E480] =	vst v63  }
0x2f: {  	_ =	swait.ge [sflag:s21], $0x4000  }
0x30: {  	[sflag:s21] =	ssyncset.done $0x0  }
0x31: {  	s28 =	simm.s32 $0x100;
	[sflag:s21] =	ssyncadd.s32 $0xFFFFC000  }
0x32: {  	[tilespmem:s18], [sflag:$0x1] =	stream.indirect.gather [hbm4b:s4+s17], $0x80, s28, s17, $0xb8;
	[tilespmem:$0x1E480] =	vst v63  }
0x33: {  	_ =	swait.ge [sflag:s22], $0x4000  }
0x34: {  	[sflag:s22] =	ssyncset.done $0x0  }
0x35: {  	s28 =	simm.s32 $0x1480;
	[sflag:s22] =	ssyncadd.s32 $0xFFFFC000  }
0x36: {  	[spmem:s1] =	stream.indirect.scatter.add.f32 [tilespmem:s19], [sflag:$0x4], $0x80, s28, s17, $0xb8;
	[tilespmem:$0x1E480] =	vst v63  }
0x37: {  	_ =	swait.ge [sflag:s23], $0x4000  }
0x38: {  	[sflag:s23] =	ssyncset.done $0x0  }
0x39: {  	s28 =	simm.s32 $0x180;
	[sflag:s23] =	ssyncadd.s32 $0xFFFFC000  }
0x3a: {  	[tilespmem:s19], [sflag:$0x2] =	stream.indirect.gather [hbm4b:s4+s17], $0x80, s28, s17, $0xb8;
	[tilespmem:$0x1E480] =	vst v63  }
0x3b: {  	_ =	swait.ge [sflag:s20], $0x4000  }
0x3c: {  	[sflag:s20] =	ssyncset.done $0x0  }
0x3d: {  	s29 =	simm.s32 $0x1500;
	s28 =	simm.s32 $0xFFFFB800;
	[sflag:s20] =	ssyncadd.s32 $0xFFFFC000  }
.LBB2_2:
0x3e: {  	[spmem:s1] =	stream.indirect.scatter.add.f32 [tilespmem:s18], [sflag:$0x3], $0x80, s29, s17, $0xb8;
	[tilespmem:$0x1E480] =	vst v63  }
0x3f: {  	s29 =	smov.u32 s28  }
0x40: {  	p1 =	sne.s32 s28, $0xFFFFFC00;
	s28 =	sadd.s32 $0x400, s28;
	_ =	swait.ge [sflag:s21], $0x4000  }
0x41: {  	s29 =	sshra.s32 s29, $0x2;
	[sflag:s21] =	ssyncset.done $0x0  }
0x42: {  	s30 =	sadd.s32 $0x1400, s29;
	[sflag:s21] =	ssyncadd.s32 $0xFFFFC000  }
0x43: {  	[tilespmem:s18], [sflag:$0x1] =	stream.indirect.gather [hbm4b:s4+s17], $0x80, s30, s17, $0xb8;
	[tilespmem:$0x1E480] =	vst v63  }
0x44: {  	_ =	swait.ge [sflag:s22], $0x4000  }
0x45: {  	[sflag:s22] =	ssyncset.done $0x0  }
0x46: {  	s30 =	sadd.s32 $0x2780, s29;
	[sflag:s22] =	ssyncadd.s32 $0xFFFFC000  }
0x47: {  	[spmem:s1] =	stream.indirect.scatter.add.f32 [tilespmem:s19], [sflag:$0x4], $0x80, s30, s17, $0xb8;
	[tilespmem:$0x1E480] =	vst v63  }
0x48: {  	_ =	swait.ge [sflag:s23], $0x4000  }
0x49: {  	[sflag:s23] =	ssyncset.done $0x0  }
.Ltmp0:
0x4a: {  	s30 =	sadd.s32 $0x1480, s29;
	[sflag:s23] =	ssyncadd.s32 $0xFFFFC000;
	(pc) =	sbr.rel @p1 .LBB2_2-.Ltmp0, $4  }
0x4b: {  	[tilespmem:s19], [sflag:$0x2] =	stream.indirect.gather [hbm4b:s4+s17], $0x80, s30, s17, $0xb8;
	[tilespmem:$0x1E480] =	vst v63  }
0x4c: {  	_ =	swait.ge [sflag:s20], $0x4000  }
0x4d: {  	[sflag:s20] =	ssyncset.done $0x0  }
0x4e: {  	s29 =	sadd.s32 $0x2800, s29;
	[sflag:s20] =	ssyncadd.s32 $0xFFFFC000  }
0x4f: {  	[spmem:s1] =	stream.indirect.scatter.add.f32 [tilespmem:s18], [sflag:$0x3], $0x80, s29, s17, $0xb8;
	[tilespmem:$0x1E480] =	vst v63  }
0x50: {  	_ =	swait.ge [sflag:s21], $0x4000  }
0x51: {  	[sflag:s21] =	ssyncset.done $0x0  }
0x52: {  	[sflag:s21] =	ssyncadd.s32 $0xFFFFC000  }
0x53: {  	_ =	swait.ge [sflag:s22], $0x4000  }
0x54: {  	[sflag:s22] =	ssyncset.done $0x0  }
0x55: {  	[sflag:s22] =	ssyncadd.s32 $0xFFFFC000  }
0x56: {  	[spmem:s1] =	stream.indirect.scatter.add.f32 [tilespmem:s19], [sflag:$0x4], $0x80, s24, s17, $0xb8;
	[tilespmem:$0x1E480] =	vst v63  }
0x57: {  	_ =	swait.ge [sflag:s23], $0x4000  }
0x58: {  	[sflag:s23] =	ssyncset.done $0x0  }
0x59: {  	[sflag:s23] =	ssyncadd.s32 $0xFFFFC000  }
0x5a: {  	[tilespmem:s2], [sflag:$0x5] =	stream.linear.gather [hbm4b:s8+s2], $0x1400, $0x38;
	[tilespmem:$0x1E480] =	vst v63  }
0x5b: {  	_ =	swait.ge [sflag:s15], $0x1400  }
0x5c: {  	[sflag:s15] =	ssyncset.done $0x0  }
0x5d: {  	[sflag:s15] =	ssyncadd.s32 $0xFFFFEC00  }
0x5e: {  	[tilespmem:s16], [sflag:$0x5] =	stream.linear.gather [hbm4b:s9+s2], $0x1400, $0x38;
	[tilespmem:$0x1E480] =	vst v63  }
0x5f: {  	_ =	swait.ge [sflag:s15], $0x1400  }
0x60: {  	[sflag:s15] =	ssyncset.done $0x0  }
0x61: {  	[sflag:s15] =	ssyncadd.s32 $0xFFFFEC00  }
0x62: {  	[tilespmem:s18], [sflag:$0x1] =	stream.indirect.gather [hbm4b:s4+s17], $0x80, s2, s17, $0xb8;
	[tilespmem:$0x1E480] =	vst v63  }
0x63: {  	_ = 	snop  }
0x64: {  	[tilespmem:s19], [sflag:$0x2] =	stream.indirect.gather [hbm4b:s4+s17], $0x80, s17, s17, $0xb8;
	[tilespmem:$0x1E480] =	vst v63  }
0x65: {  	_ =	swait.ge [sflag:s20], $0x4000  }
0x66: {  	[sflag:s20] =	ssyncset.done $0x0  }
0x67: {  	[sflag:s20] =	ssyncadd.s32 $0xFFFFC000  }
0x68: {  	[spmem:s1] =	stream.indirect.scatter.add.f32 [tilespmem:s18], [sflag:$0x3], $0x80, s16, s17, $0xb8;
	[tilespmem:$0x1E480] =	vst v63  }
0x69: {  	_ =	swait.ge [sflag:s21], $0x4000  }
0x6a: {  	[sflag:s21] =	ssyncset.done $0x0  }
0x6b: {  	s28 =	simm.s32 $0x100;
	[sflag:s21] =	ssyncadd.s32 $0xFFFFC000  }
0x6c: {  	[tilespmem:s18], [sflag:$0x1] =	stream.indirect.gather [hbm4b:s4+s17], $0x80, s28, s17, $0xb8;
	[tilespmem:$0x1E480] =	vst v63  }
0x6d: {  	_ =	swait.ge [sflag:s22], $0x4000  }
0x6e: {  	[sflag:s22] =	ssyncset.done $0x0  }
0x6f: {  	s28 =	simm.s32 $0x1480;
	[sflag:s22] =	ssyncadd.s32 $0xFFFFC000  }
0x70: {  	[spmem:s1] =	stream.indirect.scatter.add.f32 [tilespmem:s19], [sflag:$0x4], $0x80, s28, s17, $0xb8;
	[tilespmem:$0x1E480] =	vst v63  }
0x71: {  	_ =	swait.ge [sflag:s23], $0x4000  }
0x72: {  	[sflag:s23] =	ssyncset.done $0x0  }
0x73: {  	s28 =	simm.s32 $0x180;
	[sflag:s23] =	ssyncadd.s32 $0xFFFFC000  }
0x74: {  	[tilespmem:s19], [sflag:$0x2] =	stream.indirect.gather [hbm4b:s4+s17], $0x80, s28, s17, $0xb8;
	[tilespmem:$0x1E480] =	vst v63  }
0x75: {  	_ =	swait.ge [sflag:s20], $0x4000  }
0x76: {  	[sflag:s20] =	ssyncset.done $0x0  }
0x77: {  	s29 =	simm.s32 $0x1500;
	s28 =	simm.s32 $0xFFFFB800;
	[sflag:s20] =	ssyncadd.s32 $0xFFFFC000  }
.LBB2_4:
0x78: {  	[spmem:s1] =	stream.indirect.scatter.add.f32 [tilespmem:s18], [sflag:$0x3], $0x80, s29, s17, $0xb8;
	[tilespmem:$0x1E480] =	vst v63  }
0x79: {  	s29 =	smov.u32 s28  }
0x7a: {  	p1 =	sne.s32 s28, $0xFFFFFC00;
	s28 =	sadd.s32 $0x400, s28;
	_ =	swait.ge [sflag:s21], $0x4000  }
0x7b: {  	s29 =	sshra.s32 s29, $0x2;
	[sflag:s21] =	ssyncset.done $0x0  }
0x7c: {  	s30 =	sadd.s32 $0x1400, s29;
	[sflag:s21] =	ssyncadd.s32 $0xFFFFC000  }
0x7d: {  	[tilespmem:s18], [sflag:$0x1] =	stream.indirect.gather [hbm4b:s4+s17], $0x80, s30, s17, $0xb8;
	[tilespmem:$0x1E480] =	vst v63  }
0x7e: {  	_ =	swait.ge [sflag:s22], $0x4000  }
0x7f: {  	[sflag:s22] =	ssyncset.done $0x0  }
0x80: {  	s30 =	sadd.s32 $0x2780, s29;
	[sflag:s22] =	ssyncadd.s32 $0xFFFFC000  }
0x81: {  	[spmem:s1] =	stream.indirect.scatter.add.f32 [tilespmem:s19], [sflag:$0x4], $0x80, s30, s17, $0xb8;
	[tilespmem:$0x1E480] =	vst v63  }
0x82: {  	_ =	swait.ge [sflag:s23], $0x4000  }
0x83: {  	[sflag:s23] =	ssyncset.done $0x0  }
.Ltmp1:
0x84: {  	s30 =	sadd.s32 $0x1480, s29;
	[sflag:s23] =	ssyncadd.s32 $0xFFFFC000;
	(pc) =	sbr.rel @p1 .LBB2_4-.Ltmp1, $4  }
0x85: {  	[tilespmem:s19], [sflag:$0x2] =	stream.indirect.gather [hbm4b:s4+s17], $0x80, s30, s17, $0xb8;
	[tilespmem:$0x1E480] =	vst v63  }
0x86: {  	_ =	swait.ge [sflag:s20], $0x4000  }
0x87: {  	[sflag:s20] =	ssyncset.done $0x0  }
0x88: {  	s29 =	sadd.s32 $0x2800, s29;
	[sflag:s20] =	ssyncadd.s32 $0xFFFFC000  }
0x89: {  	[spmem:s1] =	stream.indirect.scatter.add.f32 [tilespmem:s18], [sflag:$0x3], $0x80, s29, s17, $0xb8;
	[tilespmem:$0x1E480] =	vst v63  }
0x8a: {  	_ =	swait.ge [sflag:s21], $0x4000  }
0x8b: {  	[sflag:s21] =	ssyncset.done $0x0  }
0x8c: {  	[sflag:s21] =	ssyncadd.s32 $0xFFFFC000  }
0x8d: {  	_ =	swait.ge [sflag:s22], $0x4000  }
0x8e: {  	[sflag:s22] =	ssyncset.done $0x0  }
0x8f: {  	[sflag:s22] =	ssyncadd.s32 $0xFFFFC000  }
0x90: {  	[spmem:s1] =	stream.indirect.scatter.add.f32 [tilespmem:s19], [sflag:$0x4], $0x80, s24, s17, $0xb8;
	[tilespmem:$0x1E480] =	vst v63  }
0x91: {  	_ =	swait.ge [sflag:s23], $0x4000  }
0x92: {  	[sflag:s23] =	ssyncset.done $0x0  }
0x93: {  	[sflag:s23] =	ssyncadd.s32 $0xFFFFC000  }
0x94: {  	s28 =	sadd.s32 @p0 $0x25080, s10;
	s29 =	simm.s32 @p0 $0x1FC5;
	[bflag:$0x0] =	sbarrier.arrive $0xFFFF  }
0x95: {  	[hbm:s28], [sflag:s29] =	dma.local @p0 [spmem:s12], $0x2080  }
0x96: {  	s28 =	simm.s32 @p0 $0x5  }
0x97: {  	s26 =	sadd.s32 $0x1, s26;
	_ =	swait.ge @p0 [sflag:s28], $0x2080  }
0x98: {  	p1 =	sne.s32 s26, s11;
	[sflag:s28] =	ssyncset.done @p0 $0x0  }
.Ltmp2:
0x99: {  	[sflag:s28] =	ssyncadd.s32 @p0 $0xFFFFDF80;
	s28 =	simm.s32 @!p0 $0x5;
	(pc) =	sbr.rel @p1 .LBB2_1-.Ltmp2, $4  }
0x9a: {  	[hbm:s25], [sflag:s13] =	dma.local @!p0 [spmem:s14], $0x2780  }
0x9b: {  	_ =	swait.ge @!p0 [sflag:s28], $0x2780  }
0x9c: {  	[sflag:s28] =	ssyncset.done @!p0 $0x0  }
0x9d: {  	[sflag:s28] =	ssyncadd.s32 @!p0 $0xFFFFD880  }
0x9e: {  	_ =	sfence.sel $0x180000  }
0x9f: {  	[bflag:$0x0] =	sbarrier.arrive $0xFFFF  }
0xa0: {  	p0 =	sne.s32 s3, $0x0;
	_ =	strace $0x9000004D  }
0xa1: {  	s0 =	sadd.s32 @!p0 $0x100000, s0;
	[bflag:$0x2] =	sbarrier.arrive $0xFFFF  }
0xa2: {  	[sflag:s0] =	ssyncadd.tile.s32 @!p0 $0x1;
	_ =	shalt  }
.Lfunc_end2:
_tile_overlayer_lowered:
.L_overlay_start_2:
0xa3: {  	(tag) =	ssettag $0x2  }
0xa4: {  	s0 =	rddreg [dreg:$0x0];
	s2 =	stileid.u32  }
0xa5: {  	s1 =	rddreg [dreg:$0x1];
	p0 =	sne.s32 s2, $0x0  }
0xa6: {  	s3 =	rddreg [dreg:$0x2];
	[bflag:$0x3] =	sbarrier.arrive $0xFFFF;
	s2 =	simm.s32 @!p0 $0x1C05  }
0xa7: {  	[timem:s3], [sflag:s2] =	dma.local @!p0 [hbm:s0], s1  }
0xa8: {  	s0 =	simm.s32 @!p0 $0x5  }
0xa9: {  	_ =	swait.ge @!p0 [sflag:s0], s1  }
0xaa: {  	s1 =	ssub.s32 @!p0 $0x0, s1;
	[sflag:s0] =	ssyncset.done @!p0 $0x0  }
0xab: {  	[sflag:s0] =	ssyncadd.s32 @!p0 s1  }
0xac: {  	[bflag:$0x3] =	sbarrier.arrive $0xFFFF  }
0xad: {  	_ =	shalt  }

// kernel: kernel.19.cloned.1.call-start
scs
__scs_entry_jumppad:
0x0: {  	(pc) =	sbr.rel $0x88, $3  }
0x1: {  	(tag) =	ssettag $0x0;
	lr =	simm.s32 $0x1  }
0x2: {  	[smem:$0x3F99] =	sst lr;
	_ =	strace $0xD0000000  }
0x3: {  	_ = 	snop  }
0x4: {  	_ = 	snop  }
0x5: {  	_ = 	snop  }
0x6: {  	_ = 	snop  }
0x7: {  	_ = 	snop  }
__scs_overlays_trampoline_lowered:
0x8: {  	[smem:$0x3FA8] =	sst s0  }
0x9: {  	[smem:$0x3FA9] =	sst s1  }
0xa: {  	[smem:$0x3FAA] =	sst s2  }
0xb: {  	[smem:$0x3FAB] =	sst s3  }
0xc: {  	[smem:$0x3FAC] =	sst s4  }
0xd: {  	[smem:$0x3FAD] =	sst s5  }
0xe: {  	[smem:$0x3FAE] =	sst s6  }
0xf: {  	[smem:$0x3FAF] =	sst s7  }
0x10: {  	[smem:$0x3FB0] =	sst s8  }
0x11: {  	[smem:$0x3FB1] =	sst s9;
	s0 =	simm.s32 @!p0 $0x0  }
0x12: {  	s1 =	sld [smem:$0x3F97];
	s0 =	simm.s32 @p0 $0x1  }
0x13: {  	[smem:$0x3FB2] =	sst s0;
	s0 =	simm.s32 @!p1 $0x0  }
0x14: {  	s2 =	sld [smem:$0x3F96];
	s0 =	simm.s32 @p1 $0x1  }
0x15: {  	[smem:$0x3FB3] =	sst s0;
	s0 =	simm.s32 @!p2 $0x0  }
0x16: {  	s3 =	sld [smem:$0x3FDB];
	s0 =	simm.s32 @p2 $0x1  }
0x17: {  	s4 =	simm.s32 $0x1BF5;
	[smem:$0x3FB5] =	sst s0  }
0x18: {  	s0 =	sld [smem:$0x3F98];
	_ =	swait.ge [sflag:s4], $0x0  }
0x19: {  	s7 =	sld [smem:$0x3F99]  }
0x1a: {  	s8 =	sadd.s32 $0xFFFFE003, lr  }
0x1b: {  	s9 =	sadd.s32 $0xFFFFFEF7, lr;
	s5 =	simm.s32 $0xFFFFFFFF;
	p2 =	slt.u32 s8, $0xFFFFF086  }
0x1c: {  	p1 =	slt.u32 s9, $0xF7A;
	s5 =	simm.s32 @!p2 $0x0  }
0x1d: {  	s5 =	simm.s32 @p1 $0x1;
	p0 =	seq.s32 s7, s2  }
0x1e: {  	s7 =	smul.u32 @!p0 $0xF7A, s2;
	p2 =	seq.s32 @!p0 s5, $0x0  }
0x1f: {  	s9 =	smul.u32 $0xF7A, s1;
	s8 =	simm.s32 @!p0 $0x1BF5;
	p2 =	por !p2, p0  }
0x20: {  	[sflag:s8] =	ssyncset.s32 @!p0 $0xFFFFF086;
	s6 =	sadd.s32 @!p0 s3, s7;
	s7 =	simm.s32 @!p0 $0x108  }
0x21: {  	s3 =	sadd.s32 s3, s9;
	s6 =	sadd.s32 @!p0 $0x88, s6;
	s7 =	simm.s32 @p2 $0x1082  }
0x22: {  	[simem:s7], [sflag:s8] =	dma.local @!p0 [hbm:s6], $0xF7A  }
0x23: {  	s9 =	sor.u32 $0xD0000000, s2;
	s6 =	simm.s32 $0x108;
	_ =	swait.ge @!p0 [sflag:s8], $0x0  }
0x24: {  	s3 =	sadd.s32 $0x88, s3;
	s6 =	simm.s32 @!p1 $0x1082;
	[sflag:s4] =	ssyncset.s32 $0xFFFFF086  }
0x25: {  	[simem:s6], [sflag:s4] =	dma.local [hbm:s3], $0xF7A  }
0x26: {  	[smem:$0x3F99] =	sst s1;
	(tag) =	ssettag s2;
	_ =	strace s9  }
0x27: {  	s1 =	sld [smem:$0x3FA9]  }
0x28: {  	s2 =	sld [smem:$0x3FAA]  }
0x29: {  	s4 =	sld [smem:$0x3FAC]  }
0x2a: {  	p0 =	seq.s32 s5, $0x0;
	s5 =	sld [smem:$0x3FAD]  }
0x2b: {  	s6 =	sld [smem:$0x3FAE]  }
0x2c: {  	s7 =	sld [smem:$0x3FAF]  }
0x2d: {  	s3 =	simm.s32 $0x108;
	s8 =	sld [smem:$0x3FB0]  }
0x2e: {  	s3 =	simm.s32 @!p0 $0x1082;
	s9 =	sld [smem:$0x3FB1]  }
0x2f: {  	lr =	sadd.s32 s0, s3;
	s0 =	sld [smem:$0x3FA8]  }
0x30: {  	s3 =	sld [smem:$0x3FAB]  }
0x31: {  	[smem:$0x3FB4] =	sst s10  }
0x32: {  	s10 =	sld [smem:$0x3FB2];
	_ =	sdelay $0x3  }
0x33: {  	p0 =	seq.s32 s10, $0x1;
	s10 =	sld [smem:$0x3FB4];
	_ =	sdelay $0x3  }
0x34: {  	[smem:$0x3FB4] =	sst s10  }
0x35: {  	s10 =	sld [smem:$0x3FB3];
	_ =	sdelay $0x3  }
0x36: {  	p1 =	seq.s32 s10, $0x1;
	s10 =	sld [smem:$0x3FB4];
	_ =	sdelay $0x3  }
0x37: {  	[smem:$0x3FB4] =	sst s10  }
0x38: {  	s10 =	sld [smem:$0x3FB5]  }
0x39: {  	_ = 	snop;
	(pc) =	sbr.ind lr, $3  }
0x3a: {  	_ = 	snop  }
0x3b: {  	_ = 	snop  }
0x3c: {  	p2 =	seq.s32 s10, $0x1;
	s10 =	sld [smem:$0x3FB4]  }
0x3d: {  	_ =	shalt  }
0x3e: {  	_ =	shalt  }
0x3f: {  	_ =	shalt  }
0x40: {  	_ =	shalt  }
0x41: {  	_ =	shalt  }
0x42: {  	_ =	shalt  }
0x43: {  	_ =	shalt  }
0x44: {  	_ =	shalt  }
0x45: {  	_ =	shalt  }
0x46: {  	_ =	shalt  }
0x47: {  	_ =	shalt  }
0x48: {  	_ =	shalt  }
0x49: {  	_ =	shalt  }
0x4a: {  	_ =	shalt  }
0x4b: {  	_ =	shalt  }
0x4c: {  	_ =	shalt  }
0x4d: {  	_ =	shalt  }
0x4e: {  	_ =	shalt  }
0x4f: {  	_ =	shalt  }
0x50: {  	_ =	shalt  }
0x51: {  	_ =	shalt  }
0x52: {  	_ =	shalt  }
0x53: {  	_ =	shalt  }
0x54: {  	_ =	shalt  }
0x55: {  	_ =	shalt  }
0x56: {  	_ =	shalt  }
0x57: {  	_ =	shalt  }
0x58: {  	_ =	shalt  }
0x59: {  	_ =	shalt  }
0x5a: {  	_ =	shalt  }
0x5b: {  	_ =	shalt  }
0x5c: {  	_ =	shalt  }
0x5d: {  	_ =	shalt  }
0x5e: {  	_ =	shalt  }
0x5f: {  	_ =	shalt  }
0x60: {  	_ =	shalt  }
0x61: {  	_ =	shalt  }
0x62: {  	_ =	shalt  }
0x63: {  	_ =	shalt  }
0x64: {  	_ =	shalt  }
0x65: {  	_ =	shalt  }
0x66: {  	_ =	shalt  }
0x67: {  	_ =	shalt  }
0x68: {  	_ =	shalt  }
0x69: {  	_ =	shalt  }
0x6a: {  	_ =	shalt  }
0x6b: {  	_ =	shalt  }
0x6c: {  	_ =	shalt  }
0x6d: {  	_ =	shalt  }
0x6e: {  	_ =	shalt  }
0x6f: {  	_ =	shalt  }
0x70: {  	_ =	shalt  }
0x71: {  	_ =	shalt  }
0x72: {  	_ =	shalt  }
0x73: {  	_ =	shalt  }
0x74: {  	_ =	shalt  }
0x75: {  	_ =	shalt  }
0x76: {  	_ =	shalt  }
0x77: {  	_ =	shalt  }
0x78: {  	_ =	shalt  }
0x79: {  	_ =	shalt  }
0x7a: {  	_ =	shalt  }
0x7b: {  	_ =	shalt  }
0x7c: {  	_ =	shalt  }
0x7d: {  	_ =	shalt  }
0x7e: {  	_ =	shalt  }
0x7f: {  	_ =	shalt  }
0x80: {  	_ =	shalt  }
0x81: {  	_ =	shalt  }
0x82: {  	_ =	shalt  }
0x83: {  	_ =	shalt  }
0x84: {  	_ =	shalt  }
0x85: {  	_ =	shalt  }
0x86: {  	_ =	shalt  }
0x87: {  	_ =	shalt  }
.Lfunc_end0:
.L_simem_size_0:
called_computation.3_lowered:
.L_overlay_start_0:
0x88: {  	s2 =	sld [smem:$0x3FD9]  }
0x89: {  	s3 =	sld [smem:$0x3FFE];
	_ =	sdelay $0x1  }
0x8a: {  	s1 =	srdreg.scid  }
0x8b: {  	s0 =	sand.u32 $0x1, s1  }
0x8c: {  	s17 =	sshll.u32 s0, $0xA;
	s2 =	sadd.s32 s3, s2  }
0x8d: {  	s2 =	sadd.s32 s2, s17  }
0x8e: {  	[smem:$0x3FC0] =	sst s2  }
0x8f: {  	_ = 	snop  }
0x90: {  	s2 =	sld [smem:$0x3FD0];
	(tm) =	ssettm $0x1  }
0x91: {  	s18 =	sld [smem:$0x3FFB];
	_ =	sdelay $0x3  }
0x92: {  	_ =	strace s18  }
0x93: {  	s3 =	sld [smem:$0x3FFC];
	_ =	sdelay $0x3  }
0x94: {  	_ =	strace s3  }
0x95: {  	s3 =	sld [smem:$0x3FFD];
	_ =	sdelay $0x3  }
0x96: {  	_ =	strace s3  }
0x97: {  	_ =	strace $0x8FFFFFFF  }
0x98: {  	s19 =	sld [smem:$0x3FDB];
	_ =	sdelay $0x1  }
0x99: {  	s4 =	simm.s32 $_scs_section_size  }
0x9a: {  	s5 =	simm.s32 $_size__tile_overlayer_lowered;
	s6 =	simm.s32 $_tile_overlayer_lowered  }
0x9b: {  	s22 =	simm.s32 $0x1BFF;
	s21 =	sshll.u32 s6, $0x1;
	s3 =	sadd.s32 s4, s19  }
0x9c: {  	s7 =	simm.s32 $0x0;
	s20 =	sshll.u32 s5, $0x1;
	s5 =	sadd.s32 s21, s3  }
0x9d: {  	[timem:s7], [sflag:s22] =	dma.local [hbm:s5], s20  }
0x9e: {  	_ =	swait.ge [sflag:s22], s20  }
0x9f: {  	s4 =	ssub.s32 $0x0, s20;
	[sflag:s22] =	ssyncset.done $0x0  }
0xa0: {  	[sflag:s22] =	ssyncadd.s32 s4;
	_ =	sdelay $0x1  }
0xa1: {  	s23 =	simm.s32 $0x1B8B  }
0xa2: {  	_ =	swait.ge [sflag:s23], $0x1  }
0xa3: {  	[sflag:s23] =	ssyncset.done $0x0  }
0xa4: {  	s25 =	simm.s32 $0x1B8E;
	s24 =	sld [smem:$0x3FFE];
	[sflag:s23] =	ssyncadd.s32 $0xFFFFFFFF  }
0xa5: {  	s26 =	simm.s32 $execute0_lowered;
	[smem:$0x3FD2] =	sst s25  }
0xa6: {  	s5 =	sshll.u32 s26, $0x1;
	_ =	strace $0x8000004F;
	[dreg:$0x1] =	wrdreg $0xFFFFFFFF  }
0xa7: {  	s28 =	simm.s32 $_size_execute0_lowered;
	s3 =	sadd.s32 s3, s5;
	[dreg:$0x0] =	wrdreg $0x0  }
0xa8: {  	s5 =	sshll.u32 s28, $0x1;
	[dreg:$0x2] =	wrdreg s3  }
0xa9: {  	[dreg:$0x3] =	wrdreg s5  }
0xaa: {  	[dreg:$0x4] =	wrdreg $0xC0  }
0xab: {  	_ =	task [dreg:s7], $0x5FFFF  }
0xac: {  	[dreg:$0x1] =	wrdreg $0xFFFFFFFF  }
0xad: {  	[dreg:$0x0] =	wrdreg $0x60  }
0xae: {  	[dreg:$0x2] =	wrdreg s2  }
0xaf: {  	[dreg:$0x3] =	wrdreg s24  }
0xb0: {  	[dreg:$0x4] =	wrdreg $0xA8000  }
0xb1: {  	[dreg:$0x5] =	wrdreg $0x9  }
0xb2: {  	_ =	task.clear_ibuf [dreg:s7], $0x6FFFF;
	_ =	strace $0x9000004F  }
0xb3: {  	s29 =	simm.s32 $0x9;
	_ =	strace $0x80000051  }
0xb4: {  	_ =	swait.ge [sflag:s29], $0x1  }
0xb5: {  	[sflag:s29] =	ssyncadd.s32 $0xFFFFFFFF  }
0xb6: {  	_ =	strace $0x90000051  }
0xb7: {  	_ =	sfence  }
0xb8: {  	s30 =	sld [smem:$0x0];
	_ =	sdelay $0x2  }
0xb9: {  	s31 =	sshll.u32 s1, $0xD;
	s1 =	sshrl.u32 s1, $0x2  }
0xba: {  	s3 =	sand.u32 $0x4000, s31;
	s1 =	sadd.s32 s1, s30  }
0xbb: {  	s0 =	sor.u32 s3, s0;
	s1 =	sshll.u32 s1, $0x11  }
0xbc: {  	s0 =	sor.u32 s1, s0  }
0xbd: {  	s0 =	sadd.s32 $0x8F2B, s0  }
0xbe: {  	[sflag:s0] =	ssyncadd.remote.s32 $0x1  }
0xbf: {  	_ =	sfence.sel $0xFFFF  }
0xc0: {  	[dreg:$0x0] =	wrdreg $0xFFFFFFFF;
	(pc) =	sbr.abs _section_cstart, $3  }
0xc1: {  	[dreg:$0x1] =	wrdreg $0xFFFFFFFF  }
0xc2: {  	_ =	task.clear_ibuf [dreg:s7], $0x2FFFF;
	_ =	strace $0x9FFFFFFF  }
0xc3: {  	(tm) =	ssettm $0x7FFFFFFF  }
tec
execute0_lowered:
.L_overlay_start_1:
0x0: {  	(tag) =	ssettag $0x1  }
0x1: {  	s8 =	rddreg [dreg:$0x0]  }
0x2: {  	s6 =	rddreg [dreg:$0x1]  }
0x3: {  	s1 =	rddreg [dreg:$0x2]  }
0x4: {  	s0 =	rddreg [dreg:$0x3]  }
0x5: {  	s2 =	simm.s32 $0x0;
	s3 =	srdreg.scid;
	s16 =	simm.s32 $0x1400  }
0x6: {  	s17 =	simm.s32 $0x80;
	s18 =	simm.s32 $0x2800;
	s19 =	simm.s32 $0x6800  }
0x7: {  	s20 =	simm.s32 $0x1;
	s21 =	simm.s32 $0x3;
	s22 =	simm.s32 $0x2  }
0x8: {  	s23 =	simm.s32 $0x4;
	s24 =	simm.s32 $0x2780;
	s26 =	simm.s32 $0x0  }
0x9: {  	[smem:$0x7FF] =	sst s2;
	s9 =	sadd.s32 $0x3200, s6;
	s4 =	sand.u32 $0x1, s3  }
0xa: {  	s3 =	stileid.u32;
	_ =	strace $0x80000050;
	s7 =	smul.u32 $0x27100, s4  }
0xb: {  	s5 =	sshll.u32 s4, $0x4;
	s10 =	ssub.s32 $0x2, s4;
	s12 =	smul.u32 $0x4F000, s3  }
0xc: {  	s4 =	sadd.s32 $0x10200, s6;
	p0 =	seq.s32 s3, $0xF;
	s25 =	smul.u32 $0x2780, s3  }
0xd: {  	s11 =	sor.u32 s3, s5;
	s13 =	sshrl.u32 s10, $0x1;
	s5 =	sadd.s32 $0xDA00, s6  }
0xe: {  	s14 =	smul.u32 $0x2800, s11;
	s15 =	sadd.s32 s7, s6;
	s13 =	ssub.s32 s10, s13  }
0xf: {  	s29 =	sshrl.u32 s12, $0x2;
	s30 =	smul.u32 $0x500, s11;
	s12 =	sadd.s32 $0x128400, s1  }
0x10: {  	s11 =	smax.u32 s13, $0x1;
	s13 =	sshll.u32 @!p0 s3, $0x6;
	s12 =	sshrl.u32 @p0 s12, $0x3  }
0x11: {  	s31 =	sshrl.u32 s14, $0x3;
	s14 =	sadd.s32 s29, s1;
	s6 =	sadd.s32 s8, s30  }
0x12: {  	s7 =	sadd.s32 s9, s30;
	s13 =	sor.u32 @!p0 $0x1C05, s13;
	s10 =	sadd.s32 $0x280, s31  }
0x13: {  	s8 =	sadd.s32 s8, s10;
	s9 =	sadd.s32 s9, s10;
	s10 =	sadd.s32 $0x37400, s15  }
0x14: {  	s14 =	sshrl.u32 @!p0 s14, $0x3;
	s15 =	simm.s32 $0x5;
	s25 =	sadd.s32 @!p0 s25, s10  }
.LBB2_1:
0x15: {  	s28 =	simm.s32 @p0 $0x1FC5  }
0x16: {  	[spmem:s12], [sflag:s28] =	dma.local @p0 [hbm:s5], $0x2080  }
0x17: {  	s28 =	simm.s32 @p0 $0x5  }
0x18: {  	_ =	swait.ge @p0 [sflag:s28], $0x2080  }
0x19: {  	[sflag:s28] =	ssyncset.done @p0 $0x0  }
0x1a: {  	[sflag:s28] =	ssyncadd.s32 @p0 $0xFFFFDF80;
	s28 =	simm.s32 @!p0 $0x5  }
0x1b: {  	[spmem:s14], [sflag:s13] =	dma.local @!p0 [hbm:s5], $0x2780  }
0x1c: {  	_ =	swait.ge @!p0 [sflag:s28], $0x2780  }
0x1d: {  	[sflag:s28] =	ssyncset.done @!p0 $0x0  }
0x1e: {  	[sflag:s28] =	ssyncadd.s32 @!p0 $0xFFFFD880  }
0x1f: {  	[bflag:$0x0] =	sbarrier.arrive $0xFFFF  }
0x20: {  	[tilespmem:s2], [sflag:$0x5] =	stream.linear.gather [hbm4b:s6+s2], $0x1400, $0x38;
	[tilespmem:$0x1E480] =	vst v63  }
0x21: {  	_ =	swait.ge [sflag:s15], $0x1400  }
0x22: {  	[sflag:s15] =	ssyncset.done $0x0  }
0x23: {  	[sflag:s15] =	ssyncadd.s32 $0xFFFFEC00  }
0x24: {  	[tilespmem:s16], [sflag:$0x5] =	stream.linear.gather [hbm4b:s7+s2], $0x1400, $0x38;
	[tilespmem:$0x1E480] =	vst v63  }
0x25: {  	_ =	swait.ge [sflag:s15], $0x1400  }
0x26: {  	[sflag:s15] =	ssyncset.done $0x0  }
0x27: {  	[sflag:s15] =	ssyncadd.s32 $0xFFFFEC00  }
0x28: {  	[tilespmem:s18], [sflag:$0x1] =	stream.indirect.gather [hbm4b:s4+s17], $0x80, s2, s17, $0xb8;
	[tilespmem:$0x1E480] =	vst v63  }
0x29: {  	_ = 	snop  }
0x2a: {  	[tilespmem:s19], [sflag:$0x2] =	stream.indirect.gather [hbm4b:s4+s17], $0x80, s17, s17, $0xb8;
	[tilespmem:$0x1E480] =	vst v63  }
0x2b: {  	_ =	swait.ge [sflag:s20], $0x4000  }
0x2c: {  	[sflag:s20] =	ssyncset.done $0x0  }
0x2d: {  	[sflag:s20] =	ssyncadd.s32 $0xFFFFC000  }
0x2e: {  	[spmem:s1] =	stream.indirect.scatter.add.f32 [tilespmem:s18], [sflag:$0x3], $0x80, s16, s17, $0xb8;
	[tilespmem:$0x1E480] =	vst v63  }
0x2f: {  	_ =	swait.ge [sflag:s21], $0x4000  }
0x30: {  	[sflag:s21] =	ssyncset.done $0x0  }
0x31: {  	s28 =	simm.s32 $0x100;
	[sflag:s21] =	ssyncadd.s32 $0xFFFFC000  }
0x32: {  	[tilespmem:s18], [sflag:$0x1] =	stream.indirect.gather [hbm4b:s4+s17], $0x80, s28, s17, $0xb8;
	[tilespmem:$0x1E480] =	vst v63  }
0x33: {  	_ =	swait.ge [sflag:s22], $0x4000  }
0x34: {  	[sflag:s22] =	ssyncset.done $0x0  }
0x35: {  	s28 =	simm.s32 $0x1480;
	[sflag:s22] =	ssyncadd.s32 $0xFFFFC000  }
0x36: {  	[spmem:s1] =	stream.indirect.scatter.add.f32 [tilespmem:s19], [sflag:$0x4], $0x80, s28, s17, $0xb8;
	[tilespmem:$0x1E480] =	vst v63  }
0x37: {  	_ =	swait.ge [sflag:s23], $0x4000  }
0x38: {  	[sflag:s23] =	ssyncset.done $0x0  }
0x39: {  	s28 =	simm.s32 $0x180;
	[sflag:s23] =	ssyncadd.s32 $0xFFFFC000  }
0x3a: {  	[tilespmem:s19], [sflag:$0x2] =	stream.indirect.gather [hbm4b:s4+s17], $0x80, s28, s17, $0xb8;
	[tilespmem:$0x1E480] =	vst v63  }
0x3b: {  	_ =	swait.ge [sflag:s20], $0x4000  }
0x3c: {  	[sflag:s20] =	ssyncset.done $0x0  }
0x3d: {  	s29 =	simm.s32 $0x1500;
	s28 =	simm.s32 $0xFFFFB800;
	[sflag:s20] =	ssyncadd.s32 $0xFFFFC000  }
.LBB2_2:
0x3e: {  	[spmem:s1] =	stream.indirect.scatter.add.f32 [tilespmem:s18], [sflag:$0x3], $0x80, s29, s17, $0xb8;
	[tilespmem:$0x1E480] =	vst v63  }
0x3f: {  	s29 =	smov.u32 s28  }
0x40: {  	p1 =	sne.s32 s28, $0xFFFFFC00;
	s28 =	sadd.s32 $0x400, s28;
	_ =	swait.ge [sflag:s21], $0x4000  }
0x41: {  	s29 =	sshra.s32 s29, $0x2;
	[sflag:s21] =	ssyncset.done $0x0  }
0x42: {  	s30 =	sadd.s32 $0x1400, s29;
	[sflag:s21] =	ssyncadd.s32 $0xFFFFC000  }
0x43: {  	[tilespmem:s18], [sflag:$0x1] =	stream.indirect.gather [hbm4b:s4+s17], $0x80, s30, s17, $0xb8;
	[tilespmem:$0x1E480] =	vst v63  }
0x44: {  	_ =	swait.ge [sflag:s22], $0x4000  }
0x45: {  	[sflag:s22] =	ssyncset.done $0x0  }
0x46: {  	s30 =	sadd.s32 $0x2780, s29;
	[sflag:s22] =	ssyncadd.s32 $0xFFFFC000  }
0x47: {  	[spmem:s1] =	stream.indirect.scatter.add.f32 [tilespmem:s19], [sflag:$0x4], $0x80, s30, s17, $0xb8;
	[tilespmem:$0x1E480] =	vst v63  }
0x48: {  	_ =	swait.ge [sflag:s23], $0x4000  }
0x49: {  	[sflag:s23] =	ssyncset.done $0x0  }
.Ltmp0:
0x4a: {  	s30 =	sadd.s32 $0x1480, s29;
	[sflag:s23] =	ssyncadd.s32 $0xFFFFC000;
	(pc) =	sbr.rel @p1 .LBB2_2-.Ltmp0, $4  }
0x4b: {  	[tilespmem:s19], [sflag:$0x2] =	stream.indirect.gather [hbm4b:s4+s17], $0x80, s30, s17, $0xb8;
	[tilespmem:$0x1E480] =	vst v63  }
0x4c: {  	_ =	swait.ge [sflag:s20], $0x4000  }
0x4d: {  	[sflag:s20] =	ssyncset.done $0x0  }
0x4e: {  	s29 =	sadd.s32 $0x2800, s29;
	[sflag:s20] =	ssyncadd.s32 $0xFFFFC000  }
0x4f: {  	[spmem:s1] =	stream.indirect.scatter.add.f32 [tilespmem:s18], [sflag:$0x3], $0x80, s29, s17, $0xb8;
	[tilespmem:$0x1E480] =	vst v63  }
0x50: {  	_ =	swait.ge [sflag:s21], $0x4000  }
0x51: {  	[sflag:s21] =	ssyncset.done $0x0  }
0x52: {  	[sflag:s21] =	ssyncadd.s32 $0xFFFFC000  }
0x53: {  	_ =	swait.ge [sflag:s22], $0x4000  }
0x54: {  	[sflag:s22] =	ssyncset.done $0x0  }
0x55: {  	[sflag:s22] =	ssyncadd.s32 $0xFFFFC000  }
0x56: {  	[spmem:s1] =	stream.indirect.scatter.add.f32 [tilespmem:s19], [sflag:$0x4], $0x80, s24, s17, $0xb8;
	[tilespmem:$0x1E480] =	vst v63  }
0x57: {  	_ =	swait.ge [sflag:s23], $0x4000  }
0x58: {  	[sflag:s23] =	ssyncset.done $0x0  }
0x59: {  	[sflag:s23] =	ssyncadd.s32 $0xFFFFC000  }
0x5a: {  	[tilespmem:s2], [sflag:$0x5] =	stream.linear.gather [hbm4b:s8+s2], $0x1400, $0x38;
	[tilespmem:$0x1E480] =	vst v63  }
0x5b: {  	_ =	swait.ge [sflag:s15], $0x1400  }
0x5c: {  	[sflag:s15] =	ssyncset.done $0x0  }
0x5d: {  	[sflag:s15] =	ssyncadd.s32 $0xFFFFEC00  }
0x5e: {  	[tilespmem:s16], [sflag:$0x5] =	stream.linear.gather [hbm4b:s9+s2], $0x1400, $0x38;
	[tilespmem:$0x1E480] =	vst v63  }
0x5f: {  	_ =	swait.ge [sflag:s15], $0x1400  }
0x60: {  	[sflag:s15] =	ssyncset.done $0x0  }
0x61: {  	[sflag:s15] =	ssyncadd.s32 $0xFFFFEC00  }
0x62: {  	[tilespmem:s18], [sflag:$0x1] =	stream.indirect.gather [hbm4b:s4+s17], $0x80, s2, s17, $0xb8;
	[tilespmem:$0x1E480] =	vst v63  }
0x63: {  	_ = 	snop  }
0x64: {  	[tilespmem:s19], [sflag:$0x2] =	stream.indirect.gather [hbm4b:s4+s17], $0x80, s17, s17, $0xb8;
	[tilespmem:$0x1E480] =	vst v63  }
0x65: {  	_ =	swait.ge [sflag:s20], $0x4000  }
0x66: {  	[sflag:s20] =	ssyncset.done $0x0  }
0x67: {  	[sflag:s20] =	ssyncadd.s32 $0xFFFFC000  }
0x68: {  	[spmem:s1] =	stream.indirect.scatter.add.f32 [tilespmem:s18], [sflag:$0x3], $0x80, s16, s17, $0xb8;
	[tilespmem:$0x1E480] =	vst v63  }
0x69: {  	_ =	swait.ge [sflag:s21], $0x4000  }
0x6a: {  	[sflag:s21] =	ssyncset.done $0x0  }
0x6b: {  	s28 =	simm.s32 $0x100;
	[sflag:s21] =	ssyncadd.s32 $0xFFFFC000  }
0x6c: {  	[tilespmem:s18], [sflag:$0x1] =	stream.indirect.gather [hbm4b:s4+s17], $0x80, s28, s17, $0xb8;
	[tilespmem:$0x1E480] =	vst v63  }
0x6d: {  	_ =	swait.ge [sflag:s22], $0x4000  }
0x6e: {  	[sflag:s22] =	ssyncset.done $0x0  }
0x6f: {  	s28 =	simm.s32 $0x1480;
	[sflag:s22] =	ssyncadd.s32 $0xFFFFC000  }
0x70: {  	[spmem:s1] =	stream.indirect.scatter.add.f32 [tilespmem:s19], [sflag:$0x4], $0x80, s28, s17, $0xb8;
	[tilespmem:$0x1E480] =	vst v63  }
0x71: {  	_ =	swait.ge [sflag:s23], $0x4000  }
0x72: {  	[sflag:s23] =	ssyncset.done $0x0  }
0x73: {  	s28 =	simm.s32 $0x180;
	[sflag:s23] =	ssyncadd.s32 $0xFFFFC000  }
0x74: {  	[tilespmem:s19], [sflag:$0x2] =	stream.indirect.gather [hbm4b:s4+s17], $0x80, s28, s17, $0xb8;
	[tilespmem:$0x1E480] =	vst v63  }
0x75: {  	_ =	swait.ge [sflag:s20], $0x4000  }
0x76: {  	[sflag:s20] =	ssyncset.done $0x0  }
0x77: {  	s29 =	simm.s32 $0x1500;
	s28 =	simm.s32 $0xFFFFB800;
	[sflag:s20] =	ssyncadd.s32 $0xFFFFC000  }
.LBB2_4:
0x78: {  	[spmem:s1] =	stream.indirect.scatter.add.f32 [tilespmem:s18], [sflag:$0x3], $0x80, s29, s17, $0xb8;
	[tilespmem:$0x1E480] =	vst v63  }
0x79: {  	s29 =	smov.u32 s28  }
0x7a: {  	p1 =	sne.s32 s28, $0xFFFFFC00;
	s28 =	sadd.s32 $0x400, s28;
	_ =	swait.ge [sflag:s21], $0x4000  }
0x7b: {  	s29 =	sshra.s32 s29, $0x2;
	[sflag:s21] =	ssyncset.done $0x0  }
0x7c: {  	s30 =	sadd.s32 $0x1400, s29;
	[sflag:s21] =	ssyncadd.s32 $0xFFFFC000  }
0x7d: {  	[tilespmem:s18], [sflag:$0x1] =	stream.indirect.gather [hbm4b:s4+s17], $0x80, s30, s17, $0xb8;
	[tilespmem:$0x1E480] =	vst v63  }
0x7e: {  	_ =	swait.ge [sflag:s22], $0x4000  }
0x7f: {  	[sflag:s22] =	ssyncset.done $0x0  }
0x80: {  	s30 =	sadd.s32 $0x2780, s29;
	[sflag:s22] =	ssyncadd.s32 $0xFFFFC000  }
0x81: {  	[spmem:s1] =	stream.indirect.scatter.add.f32 [tilespmem:s19], [sflag:$0x4], $0x80, s30, s17, $0xb8;
	[tilespmem:$0x1E480] =	vst v63  }
0x82: {  	_ =	swait.ge [sflag:s23], $0x4000  }
0x83: {  	[sflag:s23] =	ssyncset.done $0x0  }
.Ltmp1:
0x84: {  	s30 =	sadd.s32 $0x1480, s29;
	[sflag:s23] =	ssyncadd.s32 $0xFFFFC000;
	(pc) =	sbr.rel @p1 .LBB2_4-.Ltmp1, $4  }
0x85: {  	[tilespmem:s19], [sflag:$0x2] =	stream.indirect.gather [hbm4b:s4+s17], $0x80, s30, s17, $0xb8;
	[tilespmem:$0x1E480] =	vst v63  }
0x86: {  	_ =	swait.ge [sflag:s20], $0x4000  }
0x87: {  	[sflag:s20] =	ssyncset.done $0x0  }
0x88: {  	s29 =	sadd.s32 $0x2800, s29;
	[sflag:s20] =	ssyncadd.s32 $0xFFFFC000  }
0x89: {  	[spmem:s1] =	stream.indirect.scatter.add.f32 [tilespmem:s18], [sflag:$0x3], $0x80, s29, s17, $0xb8;
	[tilespmem:$0x1E480] =	vst v63  }
0x8a: {  	_ =	swait.ge [sflag:s21], $0x4000  }
0x8b: {  	[sflag:s21] =	ssyncset.done $0x0  }
0x8c: {  	[sflag:s21] =	ssyncadd.s32 $0xFFFFC000  }
0x8d: {  	_ =	swait.ge [sflag:s22], $0x4000  }
0x8e: {  	[sflag:s22] =	ssyncset.done $0x0  }
0x8f: {  	[sflag:s22] =	ssyncadd.s32 $0xFFFFC000  }
0x90: {  	[spmem:s1] =	stream.indirect.scatter.add.f32 [tilespmem:s19], [sflag:$0x4], $0x80, s24, s17, $0xb8;
	[tilespmem:$0x1E480] =	vst v63  }
0x91: {  	_ =	swait.ge [sflag:s23], $0x4000  }
0x92: {  	[sflag:s23] =	ssyncset.done $0x0  }
0x93: {  	[sflag:s23] =	ssyncadd.s32 $0xFFFFC000  }
0x94: {  	s28 =	sadd.s32 @p0 $0x25080, s10;
	s29 =	simm.s32 @p0 $0x1FC5;
	[bflag:$0x0] =	sbarrier.arrive $0xFFFF  }
0x95: {  	[hbm:s28], [sflag:s29] =	dma.local @p0 [spmem:s12], $0x2080  }
0x96: {  	s28 =	simm.s32 @p0 $0x5  }
0x97: {  	s26 =	sadd.s32 $0x1, s26;
	_ =	swait.ge @p0 [sflag:s28], $0x2080  }
0x98: {  	p1 =	sne.s32 s26, s11;
	[sflag:s28] =	ssyncset.done @p0 $0x0  }
.Ltmp2:
0x99: {  	[sflag:s28] =	ssyncadd.s32 @p0 $0xFFFFDF80;
	s28 =	simm.s32 @!p0 $0x5;
	(pc) =	sbr.rel @p1 .LBB2_1-.Ltmp2, $4  }
0x9a: {  	[hbm:s25], [sflag:s13] =	dma.local @!p0 [spmem:s14], $0x2780  }
0x9b: {  	_ =	swait.ge @!p0 [sflag:s28], $0x2780  }
0x9c: {  	[sflag:s28] =	ssyncset.done @!p0 $0x0  }
0x9d: {  	[sflag:s28] =	ssyncadd.s32 @!p0 $0xFFFFD880  }
0x9e: {  	_ =	sfence.sel $0x180000  }
0x9f: {  	[bflag:$0x0] =	sbarrier.arrive $0xFFFF  }
0xa0: {  	p0 =	sne.s32 s3, $0x0;
	_ =	strace $0x90000050  }
0xa1: {  	s0 =	sadd.s32 @!p0 $0x100000, s0;
	[bflag:$0x2] =	sbarrier.arrive $0xFFFF  }
0xa2: {  	[sflag:s0] =	ssyncadd.tile.s32 @!p0 $0x1;
	_ =	shalt  }
.Lfunc_end2:
_tile_overlayer_lowered:
.L_overlay_start_2:
0xa3: {  	(tag) =	ssettag $0x2  }
0xa4: {  	s0 =	rddreg [dreg:$0x0];
	s2 =	stileid.u32  }
0xa5: {  	s1 =	rddreg [dreg:$0x1];
	p0 =	sne.s32 s2, $0x0  }
0xa6: {  	s3 =	rddreg [dreg:$0x2];
	[bflag:$0x3] =	sbarrier.arrive $0xFFFF;
	s2 =	simm.s32 @!p0 $0x1C05  }
0xa7: {  	[timem:s3], [sflag:s2] =	dma.local @!p0 [hbm:s0], s1  }
0xa8: {  	s0 =	simm.s32 @!p0 $0x5  }
0xa9: {  	_ =	swait.ge @!p0 [sflag:s0], s1  }
0xaa: {  	s1 =	ssub.s32 @!p0 $0x0, s1;
	[sflag:s0] =	ssyncset.done @!p0 $0x0  }
0xab: {  	[sflag:s0] =	ssyncadd.s32 @!p0 s1  }
0xac: {  	[bflag:$0x3] =	sbarrier.arrive $0xFFFF  }
0xad: {  	_ =	shalt  }

</sc_bundles>
